<compile_context>
chip_gen: v7x
topology: tpu7x:2x2x1
jax: 0.10.2.dev20260603
libtpu: 0.0.44.dev20260713+nightly
codegen_flags: <defaults>
</compile_context>

<pallas_src>
import functools

import jax
import jax.numpy as jnp
from jax.experimental import pallas as pl
from jax.experimental.pallas import tpu as pltpu
from jax.experimental.pallas import tpu_sc as plsc

_N = 10000
_E = 320000
_B = 50
_NPG = 200
_F = 128
_K1, _K2, _K3 = 160, 128, 103
_NP = 256
_GROW = 200
_GSZ = _GROW * _NP
_ABUF = 2 * _GSZ
_CH = 3200
_NCH = _E // _CH



def _adj_body(edge_hbm, zin_hbm, out_hbm, abuf, sbuf, dbuf, sem_s, sem_d):
    c = jax.lax.axis_index("c")
    s = jax.lax.axis_index("s")
    w = s * 2 + c
    g0 = w
    g1 = w + 32

    pltpu.sync_copy(zin_hbm, abuf)

    ones16 = jnp.ones((16,), jnp.float32)
    one_i = jnp.full((16,), 1, jnp.int32)
    g0v = jnp.full((16,), g0, jnp.int32)
    g1v = jnp.full((16,), g1, jnp.int32)
    npg_v = jnp.full((16,), _NPG, jnp.int32)
    np_v = jnp.full((16,), _NP, jnp.int32)
    gsz_v = jnp.full((16,), _GSZ, jnp.int32)
    magic_v = jnp.full((16,), 20972, jnp.int32)
    zero_v = jnp.zeros((16,), jnp.int32)
    shift_v = jnp.full((16,), 22, jnp.int32)

    def _start(ci, slot):
        off = pl.multiple_of(ci * _CH, 8)
        so = pl.multiple_of(slot * _CH, 8)
        pltpu.async_copy(edge_hbm.at[0, pl.ds(off, _CH)],
                         sbuf.at[pl.ds(so, _CH)], sem_s)
        pltpu.async_copy(edge_hbm.at[1, pl.ds(off, _CH)],
                         dbuf.at[pl.ds(so, _CH)], sem_d)

    def _wait(slot):
        so = pl.multiple_of(slot * _CH, 8)
        pltpu.make_async_copy(edge_hbm.at[0, pl.ds(0, _CH)],
                              sbuf.at[pl.ds(so, _CH)], sem_s).wait()
        pltpu.make_async_copy(edge_hbm.at[1, pl.ds(0, _CH)],
                              dbuf.at[pl.ds(so, _CH)], sem_d).wait()

    _start(0, 0)

    def chunk_body(ci, carry):
        slot = jax.lax.rem(ci, 2)
        _wait(slot)

        @pl.when(ci + 1 < _NCH)
        def _():
            _start(ci + 1, 1 - slot)

        @plsc.parallel_loop(0, _CH // 16, unroll=8)
        def _eloop(i):
            eo = pl.multiple_of(slot * _CH + i * 16, 16)
            sv = sbuf[pl.ds(eo, 16)]
            dv = dbuf[pl.ds(eo, 16)]
            g = jnp.right_shift(sv * magic_v, shift_v)
            sl = sv - g * npg_v
            dl = dv - g * npg_v
            is1 = g == g1v
            m = (g == g0v) | is1
            slot_v = jnp.where(is1, one_i, zero_v)
            plsc.addupdate_scatter(abuf, [slot_v, dl, sl], ones16, mask=m)

        return carry

    jax.lax.fori_loop(0, _NCH, chunk_body, 0)

    pltpu.sync_copy(abuf.at[0], out_hbm.at[g0])

    @pl.when(w < _B - 32)
    def _():
        pltpu.sync_copy(abuf.at[1], out_hbm.at[g1])


_ADJ_CACHE = []


def _adj_build(edge_index, zin):
    if not _ADJ_CACHE:
        _ADJ_CACHE.append(functools.partial(
            pl.kernel,
            mesh=plsc.VectorSubcoreMesh(core_axis_name="c",
                                        subcore_axis_name="s"),
            out_type=jax.ShapeDtypeStruct((_B, _GROW, _NP), jnp.float32),
            scratch_types=[
                pltpu.VMEM((2, _GROW, _NP), jnp.float32),
                pltpu.VMEM((2 * _CH,), jnp.int32),
                pltpu.VMEM((2 * _CH,), jnp.int32),
                pltpu.SemaphoreType.DMA,
                pltpu.SemaphoreType.DMA,
            ],
            compiler_params=pltpu.CompilerParams(needs_layout_passes=False),
        )(_adj_body))
    return _ADJ_CACHE[0](edge_index, zin)



_PREC = jax.lax.Precision.HIGHEST


def _dot(a, b):
    return jax.lax.dot_general(a, b, (((1,), (0,)), ((), ())),
                               precision=_PREC,
                               preferred_element_type=jnp.float32)


def _dot_nt(a, b):
    return jax.lax.dot_general(a, b, (((1,), (1,)), ((), ())),
                               precision=_PREC,
                               preferred_element_type=jnp.float32)


def _graph_pipe(x, A0, wbp):
    h = jnp.concatenate(
        [x, jnp.zeros((_NP - _NPG, _F), jnp.float32)], axis=0)
    A = jnp.concatenate(
        [A0, jnp.zeros((_NP - _GROW, _NP), jnp.float32)], axis=0)

    ii = jax.lax.broadcasted_iota(jnp.int32, (_NP, _NP), 0)
    ij = jax.lax.broadcasted_iota(jnp.int32, (_NP, _NP), 1)

    kc = (jax.lax.broadcasted_iota(jnp.int32, (_NP, 1), 0)
          < _NPG).astype(jnp.float32)
    kr = jnp.transpose(kc)

    for W, b, p, k in wbp:
        xw = _dot(h, W)
        deg = jnp.sum(A, axis=1, keepdims=True) + 1.0
        dinv = jax.lax.rsqrt(deg)
        dxw = dinv * xw
        z = dinv * (_dot(A, dxw) + dxw) + b
        hc = jnp.maximum(z, 0.0)

        pn = p / jnp.sqrt(jnp.sum(p * p))
        s_col = jnp.sum(hc * pn, axis=1, keepdims=True)
        sm_col = jnp.where(kc > 0, s_col, -jnp.inf)
        sm_row = jnp.transpose(sm_col)

        beats = (sm_col > sm_row) | ((sm_col == sm_row) & (ii < ij))
        rank_row = jnp.sum(beats.astype(jnp.int32), axis=0, keepdims=True)
        kr = kr * (rank_row < k).astype(jnp.float32)
        kc = jnp.transpose(kr)

        h = hc * jnp.tanh(s_col) * kc
        A = A * kc * kr

    return jnp.sum(h, axis=0, keepdims=True) * (1.0 / _K3)


_GPB = 10


def _pipe_body(x_ref, a_ref, w1_ref, b1_ref, p1_ref, w2_ref, b2_ref, p2_ref,
               w3_ref, b3_ref, p3_ref, out_ref):
    wbp = ((w1_ref[...], b1_ref[...], p1_ref[...], _K1),
           (w2_ref[...], b2_ref[...], p2_ref[...], _K2),
           (w3_ref[...], b3_ref[...], p3_ref[...], _K3))
    for gi in range(_GPB):
        pooled = _graph_pipe(x_ref[gi], a_ref[gi], wbp)
        out_ref[gi] = jnp.broadcast_to(pooled, (8, _F))


def _head_body(x_ref, w1_ref, b1_ref, w2_ref, b2_ref, out_ref):
    z1 = jnp.maximum(_dot(x_ref[...], w1_ref[...]) + b1_ref[...], 0.0)
    z2 = _dot(z1, w2_ref[...]) + b2_ref[...]
    m = jnp.max(z2, axis=1, keepdims=True)
    e = jnp.exp(z2 - m)
    lse = jnp.log(jnp.sum(e, axis=1, keepdims=True))
    out_ref[...] = z2 - m - lse


def _full(shape):
    return pl.BlockSpec(shape, lambda *a: tuple(0 for _ in shape))


def kernel(x, edge_index, batch, W1, b1, p1, W2, b2, p2, W3, b3, p3,
           lw1, lb1, lw2, lb2):
    zin = jnp.zeros((2, _GROW, _NP), jnp.float32)
    A = _adj_build(edge_index.astype(jnp.int32), zin)
    xr = x.reshape(_B, _NPG, _F)

    pooled = pl.pallas_call(
        _pipe_body,
        grid=(_B // _GPB,),
        in_specs=[
            pl.BlockSpec((_GPB, _NPG, _F), lambda g: (g, 0, 0)),
            pl.BlockSpec((_GPB, _GROW, _NP), lambda g: (g, 0, 0)),
            _full((_F, _F)), _full((1, _F)), _full((1, _F)),
            _full((_F, _F)), _full((1, _F)), _full((1, _F)),
            _full((_F, _F)), _full((1, _F)), _full((1, _F)),
        ],
        out_specs=pl.BlockSpec((_GPB, 8, _F), lambda g: (g, 0, 0)),
        out_shape=jax.ShapeDtypeStruct((_B, 8, _F), jnp.float32),
    )(xr, A,
      W1, b1.reshape(1, _F), p1.reshape(1, _F),
      W2, b2.reshape(1, _F), p2.reshape(1, _F),
      W3, b3.reshape(1, _F), p3.reshape(1, _F))
    pooled = pooled[:, 0, :]

    pooled_pad = jnp.zeros((64, _F), jnp.float32).at[:_B].set(pooled)
    lw1p = jnp.zeros((_F, _F), jnp.float32).at[:, :64].set(lw1)
    lb1p = jnp.zeros((1, _F), jnp.float32).at[0, :64].set(lb1)
    lw2p = jnp.zeros((_F, _F), jnp.float32).at[:64, :10].set(lw2)
    lb2p = jnp.full((1, _F), -1e30, jnp.float32).at[0, :10].set(lb2)

    out = pl.pallas_call(
        _head_body,
        in_specs=[_full((64, _F)), _full((_F, _F)), _full((1, _F)),
                  _full((_F, _F)), _full((1, _F))],
        out_specs=_full((64, _F)),
        out_shape=jax.ShapeDtypeStruct((64, _F), jnp.float32),
    )(pooled_pad, lw1p, lb1p, lw2p, lb2p)

    return out[:_B, :10]

# --- scband reference (transcript-rebuilt; emitter-appended) ---
"""Pipeline reference for scband-gcnconv3-tpk-523986010687 (READ-ONLY COPY).

The authoritative reference and input builder live on the scoring server;
editing this copy changes nothing except your own understanding.
"""

import jax, jax.numpy as jnp
import numpy as np

N = 10000; E = 320000; F_IN = 128; HID = 128; C = 10
B = 50; NPG = 200
K1 = 160  # ceil(0.8*200)
K2 = 128  # ceil(0.8*160)
K3 = 103  # ceil(0.8*128)


def setup_inputs(seed: int = 0):
    key = jax.random.key(seed)
    ks = jax.random.split(key, 20)
    x = jax.random.normal(ks[0], (N, F_IN), dtype=jnp.float32)
    # block-structured edges: endpoints within the same graph (50 graphs of 200 nodes)
    g = jax.random.randint(ks[1], (E,), 0, B)
    src = g * NPG + jax.random.randint(ks[2], (E,), 0, NPG)
    dst = g * NPG + jax.random.randint(ks[3], (E,), 0, NPG)
    edge_index = jnp.stack([src, dst], axis=0)
    batch = jnp.repeat(jnp.arange(B), NPG)
    def lin(k, fi, fo):
        return jax.random.normal(k, (fi, fo), dtype=jnp.float32) / np.sqrt(fi)
    W1 = lin(ks[4], F_IN, HID); b1 = jnp.zeros((HID,), jnp.float32)
    p1 = jax.random.normal(ks[5], (HID,), dtype=jnp.float32)
    W2 = lin(ks[6], HID, HID); b2 = jnp.zeros((HID,), jnp.float32)
    p2 = jax.random.normal(ks[7], (HID,), dtype=jnp.float32)
    W3 = lin(ks[8], HID, HID); b3 = jnp.zeros((HID,), jnp.float32)
    p3 = jax.random.normal(ks[9], (HID,), dtype=jnp.float32)
    lw1 = lin(ks[10], HID, 64); lb1 = jnp.zeros((64,), jnp.float32)
    lw2 = lin(ks[11], 64, C); lb2 = jnp.zeros((C,), jnp.float32)
    return dict(x=x, edge_index=edge_index, batch=batch,
                W1=W1, b1=b1, p1=p1, W2=W2, b2=b2, p2=p2, W3=W3, b3=b3, p3=p3,
                lw1=lw1, lb1=lb1, lw2=lw2, lb2=lb2)


def gcn_conv(x, src, dst, emask, W, b):
    # PyG GCNConv: add self-loops, symmetric normalization D^-1/2 A D^-1/2.
    n = x.shape[0]
    xw = x @ W
    deg = jax.ops.segment_sum(emask, dst, num_segments=n) + 1.0  # +1 self-loop
    dinv = jax.lax.rsqrt(deg)
    coef = (dinv[src] * dinv[dst] * emask)[:, None]
    agg = jax.ops.segment_sum(xw[src] * coef, dst, num_segments=n)
    return agg + xw * (dinv * dinv)[:, None] + b


def topk_pool(x, src, dst, emask, p, b_graphs, n_per, k):
    # PyG TopKPooling: score = x@p/||p||; keep top ceil(ratio*n) per graph;
    # x = x[perm] * tanh(score[perm]); edges with a dropped endpoint removed
    # (here: masked via emask so shapes stay static).
    score = (x @ p) / jnp.linalg.norm(p)
    topv, topi = jax.lax.top_k(score.reshape(b_graphs, n_per), k)
    perm = (topi + (jnp.arange(b_graphs) * n_per)[:, None]).reshape(-1)
    gate = jnp.tanh(topv).reshape(-1)
    x_new = x[perm] * gate[:, None]
    mapping = jnp.full((b_graphs * n_per,), -1, dtype=jnp.int32)
    mapping = mapping.at[perm].set(jnp.arange(b_graphs * k, dtype=jnp.int32))
    ms = mapping[src]; md = mapping[dst]
    valid = (ms >= 0) & (md >= 0)
    emask_new = emask * valid.astype(emask.dtype)
    src_new = jnp.where(valid, ms, 0)
    dst_new = jnp.where(valid, md, 0)
    return x_new, src_new, dst_new, emask_new


def reference(x, edge_index, batch, W1, b1, p1, W2, b2, p2, W3, b3, p3, lw1, lb1, lw2, lb2):
    src = edge_index[0]
    dst = edge_index[1]
    emask = jnp.ones((src.shape[0],), dtype=jnp.float32)
    h = jax.nn.relu(gcn_conv(x, src, dst, emask, W1, b1))
    h, src, dst, emask = topk_pool(h, src, dst, emask, p1, B, NPG, K1)
    h = jax.nn.relu(gcn_conv(h, src, dst, emask, W2, b2))
    h, src, dst, emask = topk_pool(h, src, dst, emask, p2, B, K1, K2)
    h = jax.nn.relu(gcn_conv(h, src, dst, emask, W3, b3))
    h, src, dst, emask = topk_pool(h, src, dst, emask, p3, B, K2, K3)
    # global_mean_pool: all graphs have exactly K3 surviving nodes
    h = h.reshape(B, K3, -1).mean(axis=1)
    h = jax.nn.relu(h @ lw1 + lb1)
    return jax.nn.log_softmax(h @ lw2 + lb2, axis=-1)

if __name__ == "__main__":
    import jax
    _d = setup_inputs()
    print(jax.jit(kernel)(*tuple(_d.values())))

</pallas_src>

<mosaic_0001>
#map = affine_map<(d0, d1) -> (0, 0)>
#map1 = affine_map<(d0, d1) -> (0, 0, 0)>
module attributes {stable_mosaic.version = 14 : i64} {
  func.func @_adj_body(%arg0: i32, %arg1: i32, %arg2: memref<2x320000xi32, #tpu.memory_space<hbm>>, %arg3: memref<2x200x256xf32, #tpu.memory_space<hbm>>, %arg4: memref<50x200x256xf32, #tpu.memory_space<hbm>>, %arg5: memref<2x200x256xf32, #tpu.memory_space<vmem>>, %arg6: memref<6400xi32, #tpu.memory_space<vmem>>, %arg7: memref<6400xi32, #tpu.memory_space<vmem>>, %arg8: memref<!tpu.dma_semaphore, #tpu.memory_space<semaphore_mem>>, %arg9: memref<!tpu.dma_semaphore, #tpu.memory_space<semaphore_mem>>) attributes {dimension_semantics = [#tpu.dimension_semantics<core_parallel>, #tpu.dimension_semantics<subcore_parallel>], iteration_bounds = array<i64: 2, 16>, scalar_prefetch = 0 : i64, scratch_operands = 5 : i64, tpu.core_type = #tpu.core_type<sc_vector_subcore>, window_params = [{transform_indices = #map}, {transform_indices = #map1}, {transform_indices = #map1}]} {
    %mul3A = arith.constant 2 : i32
    %mul3A_0 = arith.muli %arg1, %mul3A : i32
    %add3A = arith.addi %mul3A_0, %arg0 : i32
    %add3A_1 = arith.constant 32 : i32
    %add3A_2 = arith.addi %add3A, %add3A_1 : i32
    "tpu.region"() ({
      %run_scoped3A_43 = tpu.sem_alloc : memref<!tpu.dma_semaphore, #tpu.memory_space<semaphore_mem>>
      tpu.enqueue_dma source(%arg3 : memref<2x200x256xf32, #tpu.memory_space<hbm>>) target(%arg5 : memref<2x200x256xf32, #tpu.memory_space<vmem>>) target_semaphore(%run_scoped3A_43 : memref<!tpu.dma_semaphore, #tpu.memory_space<semaphore_mem>>)
      tpu.wait_dma2 semaphore(%run_scoped3A_43 : memref<!tpu.dma_semaphore, #tpu.memory_space<semaphore_mem>>) src(%arg3 : memref<2x200x256xf32, #tpu.memory_space<hbm>>) dst(%arg5 : memref<2x200x256xf32, #tpu.memory_space<vmem>>)
      tpu.yield
    }) : () -> ()
    %broadcast_in_dim3A = arith.constant 1.000000e+00 : f32
    %broadcast_in_dim3A_3 = vector.broadcast %broadcast_in_dim3A : f32 to vector<16xf32>
    %broadcast_in_dim3A_4 = arith.constant 1 : i32
    %broadcast_in_dim3A_5 = vector.broadcast %broadcast_in_dim3A_4 : i32 to vector<16xi32>
    %broadcast_in_dim3A_6 = vector.broadcast %add3A : i32 to vector<16xi32>
    %broadcast_in_dim3A_7 = vector.broadcast %add3A_2 : i32 to vector<16xi32>
    %broadcast_in_dim3A_8 = arith.constant 200 : i32
    %broadcast_in_dim3A_9 = vector.broadcast %broadcast_in_dim3A_8 : i32 to vector<16xi32>
    %broadcast_in_dim3A_10 = arith.constant 256 : i32
    %broadcast_in_dim3A_11 = vector.broadcast %broadcast_in_dim3A_10 : i32 to vector<16xi32>
    %broadcast_in_dim3A_12 = arith.constant 51200 : i32
    %broadcast_in_dim3A_13 = vector.broadcast %broadcast_in_dim3A_12 : i32 to vector<16xi32>
    %broadcast_in_dim3A_14 = arith.constant 20972 : i32
    %broadcast_in_dim3A_15 = vector.broadcast %broadcast_in_dim3A_14 : i32 to vector<16xi32>
    %broadcast_in_dim3A_16 = arith.constant 0 : i32
    %broadcast_in_dim3A_17 = vector.broadcast %broadcast_in_dim3A_16 : i32 to vector<16xi32>
    %broadcast_in_dim3A_18 = arith.constant 22 : i32
    %broadcast_in_dim3A_19 = vector.broadcast %broadcast_in_dim3A_18 : i32 to vector<16xi32>
    %multiple_of3A = arith.constant 0 : i32
    %multiple_of3A_20 = tpu.assume_multiple %multiple_of3A, 8 : i32
    %multiple_of3A_21 = arith.constant 0 : i32
    %multiple_of3A_22 = tpu.assume_multiple %multiple_of3A_21, 8 : i32
    %dma_start3A = arith.constant 0 : i32
    %dma_start3A_23 = tpu.memref_slice %arg6[%multiple_of3A_22] : memref<6400xi32, #tpu.memory_space<vmem>> -> memref<3200xi32, #tpu.memory_space<vmem>>
    %dma_start3A_24 = tpu.memref_slice %arg2[%dma_start3A, %multiple_of3A_20] : memref<2x320000xi32, #tpu.memory_space<hbm>> -> memref<1x3200xi32, #tpu.memory_space<hbm>>
    %dma_start3A_25 = tpu.memref_squeeze %dma_start3A_24 : memref<1x3200xi32, #tpu.memory_space<hbm>> -> memref<3200xi32, #tpu.memory_space<hbm>>
    %dma_start3A_26 = tpu.memref_slice %arg6[%multiple_of3A_22] : memref<6400xi32, #tpu.memory_space<vmem>> -> memref<3200xi32, #tpu.memory_space<vmem>>
    %dma_start3A_27 = tpu.memref_slice %arg2[%dma_start3A, %multiple_of3A_20] : memref<2x320000xi32, #tpu.memory_space<hbm>> -> memref<1x3200xi32, #tpu.memory_space<hbm>>
    %dma_start3A_28 = tpu.memref_squeeze %dma_start3A_27 : memref<1x3200xi32, #tpu.memory_space<hbm>> -> memref<3200xi32, #tpu.memory_space<hbm>>
    tpu.enqueue_dma source(%dma_start3A_28 : memref<3200xi32, #tpu.memory_space<hbm>>) target(%dma_start3A_26 : memref<3200xi32, #tpu.memory_space<vmem>>) target_semaphore(%arg8 : memref<!tpu.dma_semaphore, #tpu.memory_space<semaphore_mem>>)
    %dma_start3A_29 = arith.constant 1 : i32
    %dma_start3A_30 = tpu.memref_slice %arg7[%multiple_of3A_22] : memref<6400xi32, #tpu.memory_space<vmem>> -> memref<3200xi32, #tpu.memory_space<vmem>>
    %dma_start3A_31 = tpu.memref_slice %arg2[%dma_start3A_29, %multiple_of3A_20] : memref<2x320000xi32, #tpu.memory_space<hbm>> -> memref<1x3200xi32, #tpu.memory_space<hbm>>
    %dma_start3A_32 = tpu.memref_squeeze %dma_start3A_31 : memref<1x3200xi32, #tpu.memory_space<hbm>> -> memref<3200xi32, #tpu.memory_space<hbm>>
    %dma_start3A_33 = tpu.memref_slice %arg7[%multiple_of3A_22] : memref<6400xi32, #tpu.memory_space<vmem>> -> memref<3200xi32, #tpu.memory_space<vmem>>
    %dma_start3A_34 = tpu.memref_slice %arg2[%dma_start3A_29, %multiple_of3A_20] : memref<2x320000xi32, #tpu.memory_space<hbm>> -> memref<1x3200xi32, #tpu.memory_space<hbm>>
    %dma_start3A_35 = tpu.memref_squeeze %dma_start3A_34 : memref<1x3200xi32, #tpu.memory_space<hbm>> -> memref<3200xi32, #tpu.memory_space<hbm>>
    tpu.enqueue_dma source(%dma_start3A_35 : memref<3200xi32, #tpu.memory_space<hbm>>) target(%dma_start3A_33 : memref<3200xi32, #tpu.memory_space<vmem>>) target_semaphore(%arg9 : memref<!tpu.dma_semaphore, #tpu.memory_space<semaphore_mem>>)
    %scan3A = arith.constant 0 : i32
    %scan3A_36 = arith.constant 0 : i32
    %scan3A_37 = arith.constant 100 : i32
    %scan3A_38 = arith.addi %scan3A_36, %scan3A_37 : i32
    %scan3A_39 = arith.constant 1 : i32
    scf.for %scan3A_43 = %scan3A_36 to %scan3A_38 step %scan3A_39  : i32 {
      %rem3A = arith.constant 2 : i32
      %rem3A_44 = arith.remsi %scan3A_43, %rem3A : i32
      %mul3A_45 = arith.constant 3200 : i32
      %mul3A_46 = arith.muli %rem3A_44, %mul3A_45 : i32
      %multiple_of3A_47 = tpu.assume_multiple %mul3A_46, 8 : i32
      %dma_wait3A = arith.constant 0 : i32
      %dma_wait3A_48 = tpu.memref_slice %arg6[%multiple_of3A_47] : memref<6400xi32, #tpu.memory_space<vmem>> -> memref<3200xi32, #tpu.memory_space<vmem>>
      %dma_wait3A_49 = arith.constant 0 : i32
      %dma_wait3A_50 = tpu.memref_slice %arg2[%dma_wait3A, %dma_wait3A_49] : memref<2x320000xi32, #tpu.memory_space<hbm>> -> memref<1x3200xi32, #tpu.memory_space<hbm>>
      %dma_wait3A_51 = tpu.memref_squeeze %dma_wait3A_50 : memref<1x3200xi32, #tpu.memory_space<hbm>> -> memref<3200xi32, #tpu.memory_space<hbm>>
      %dma_wait3A_52 = tpu.memref_slice %arg6[%multiple_of3A_47] : memref<6400xi32, #tpu.memory_space<vmem>> -> memref<3200xi32, #tpu.memory_space<vmem>>
      %dma_wait3A_53 = arith.constant 0 : i32
      %dma_wait3A_54 = tpu.memref_slice %arg2[%dma_wait3A, %dma_wait3A_53] : memref<2x320000xi32, #tpu.memory_space<hbm>> -> memref<1x3200xi32, #tpu.memory_space<hbm>>
      %dma_wait3A_55 = tpu.memref_squeeze %dma_wait3A_54 : memref<1x3200xi32, #tpu.memory_space<hbm>> -> memref<3200xi32, #tpu.memory_space<hbm>>
      tpu.wait_dma2 semaphore(%arg8 : memref<!tpu.dma_semaphore, #tpu.memory_space<semaphore_mem>>) src(%dma_wait3A_55 : memref<3200xi32, #tpu.memory_space<hbm>>) dst(%dma_wait3A_52 : memref<3200xi32, #tpu.memory_space<vmem>>)
      %dma_wait3A_56 = arith.constant 1 : i32
      %dma_wait3A_57 = tpu.memref_slice %arg7[%multiple_of3A_47] : memref<6400xi32, #tpu.memory_space<vmem>> -> memref<3200xi32, #tpu.memory_space<vmem>>
      %dma_wait3A_58 = arith.constant 0 : i32
      %dma_wait3A_59 = tpu.memref_slice %arg2[%dma_wait3A_56, %dma_wait3A_58] : memref<2x320000xi32, #tpu.memory_space<hbm>> -> memref<1x3200xi32, #tpu.memory_space<hbm>>
      %dma_wait3A_60 = tpu.memref_squeeze %dma_wait3A_59 : memref<1x3200xi32, #tpu.memory_space<hbm>> -> memref<3200xi32, #tpu.memory_space<hbm>>
      %dma_wait3A_61 = tpu.memref_slice %arg7[%multiple_of3A_47] : memref<6400xi32, #tpu.memory_space<vmem>> -> memref<3200xi32, #tpu.memory_space<vmem>>
      %dma_wait3A_62 = arith.constant 0 : i32
      %dma_wait3A_63 = tpu.memref_slice %arg2[%dma_wait3A_56, %dma_wait3A_62] : memref<2x320000xi32, #tpu.memory_space<hbm>> -> memref<1x3200xi32, #tpu.memory_space<hbm>>
      %dma_wait3A_64 = tpu.memref_squeeze %dma_wait3A_63 : memref<1x3200xi32, #tpu.memory_space<hbm>> -> memref<3200xi32, #tpu.memory_space<hbm>>
      tpu.wait_dma2 semaphore(%arg9 : memref<!tpu.dma_semaphore, #tpu.memory_space<semaphore_mem>>) src(%dma_wait3A_64 : memref<3200xi32, #tpu.memory_space<hbm>>) dst(%dma_wait3A_61 : memref<3200xi32, #tpu.memory_space<vmem>>)
      %add3A_65 = arith.constant 1 : i32
      %add3A_66 = arith.addi %scan3A_43, %add3A_65 : i32
      %lt3A_67 = arith.constant 100 : i32
      %lt3A_68 = arith.cmpi slt, %add3A_66, %lt3A_67 : i32
      %convert_element_type3A_69 = arith.extui %lt3A_68 : i1 to i32
      %cond3A_70 = arith.constant 0 : i32
      %cond3A_71 = arith.cmpi ne, %convert_element_type3A_69, %cond3A_70 : i32
      scf.if %cond3A_71 {
        %add3A_74 = arith.constant 1 : i32
        %add3A_75 = arith.addi %scan3A_43, %add3A_74 : i32
        %sub3A = arith.constant 1 : i32
        %sub3A_76 = arith.subi %sub3A, %rem3A_44 : i32
        %mul3A_77 = arith.constant 3200 : i32
        %mul3A_78 = arith.muli %add3A_75, %mul3A_77 : i32
        %multiple_of3A_79 = tpu.assume_multiple %mul3A_78, 8 : i32
        %mul3A_80 = arith.constant 3200 : i32
        %mul3A_81 = arith.muli %sub3A_76, %mul3A_80 : i32
        %multiple_of3A_82 = tpu.assume_multiple %mul3A_81, 8 : i32
        %dma_start3A_83 = arith.constant 0 : i32
        %dma_start3A_84 = tpu.memref_slice %arg6[%multiple_of3A_82] : memref<6400xi32, #tpu.memory_space<vmem>> -> memref<3200xi32, #tpu.memory_space<vmem>>
        %dma_start3A_85 = tpu.memref_slice %arg2[%dma_start3A_83, %multiple_of3A_79] : memref<2x320000xi32, #tpu.memory_space<hbm>> -> memref<1x3200xi32, #tpu.memory_space<hbm>>
        %dma_start3A_86 = tpu.memref_squeeze %dma_start3A_85 : memref<1x3200xi32, #tpu.memory_space<hbm>> -> memref<3200xi32, #tpu.memory_space<hbm>>
        %dma_start3A_87 = tpu.memref_slice %arg6[%multiple_of3A_82] : memref<6400xi32, #tpu.memory_space<vmem>> -> memref<3200xi32, #tpu.memory_space<vmem>>
        %dma_start3A_88 = tpu.memref_slice %arg2[%dma_start3A_83, %multiple_of3A_79] : memref<2x320000xi32, #tpu.memory_space<hbm>> -> memref<1x3200xi32, #tpu.memory_space<hbm>>
        %dma_start3A_89 = tpu.memref_squeeze %dma_start3A_88 : memref<1x3200xi32, #tpu.memory_space<hbm>> -> memref<3200xi32, #tpu.memory_space<hbm>>
        tpu.enqueue_dma source(%dma_start3A_89 : memref<3200xi32, #tpu.memory_space<hbm>>) target(%dma_start3A_87 : memref<3200xi32, #tpu.memory_space<vmem>>) target_semaphore(%arg8 : memref<!tpu.dma_semaphore, #tpu.memory_space<semaphore_mem>>)
        %dma_start3A_90 = arith.constant 1 : i32
        %dma_start3A_91 = tpu.memref_slice %arg7[%multiple_of3A_82] : memref<6400xi32, #tpu.memory_space<vmem>> -> memref<3200xi32, #tpu.memory_space<vmem>>
        %dma_start3A_92 = tpu.memref_slice %arg2[%dma_start3A_90, %multiple_of3A_79] : memref<2x320000xi32, #tpu.memory_space<hbm>> -> memref<1x3200xi32, #tpu.memory_space<hbm>>
        %dma_start3A_93 = tpu.memref_squeeze %dma_start3A_92 : memref<1x3200xi32, #tpu.memory_space<hbm>> -> memref<3200xi32, #tpu.memory_space<hbm>>
        %dma_start3A_94 = tpu.memref_slice %arg7[%multiple_of3A_82] : memref<6400xi32, #tpu.memory_space<vmem>> -> memref<3200xi32, #tpu.memory_space<vmem>>
        %dma_start3A_95 = tpu.memref_slice %arg2[%dma_start3A_90, %multiple_of3A_79] : memref<2x320000xi32, #tpu.memory_space<hbm>> -> memref<1x3200xi32, #tpu.memory_space<hbm>>
        %dma_start3A_96 = tpu.memref_squeeze %dma_start3A_95 : memref<1x3200xi32, #tpu.memory_space<hbm>> -> memref<3200xi32, #tpu.memory_space<hbm>>
        tpu.enqueue_dma source(%dma_start3A_96 : memref<3200xi32, #tpu.memory_space<hbm>>) target(%dma_start3A_94 : memref<3200xi32, #tpu.memory_space<vmem>>) target_semaphore(%arg9 : memref<!tpu.dma_semaphore, #tpu.memory_space<semaphore_mem>>)
      } else {
      }
      %parallel_loop3A = arith.constant 0 : i32
      %parallel_loop3A_72 = arith.constant 200 : i32
      %parallel_loop3A_73 = arith.constant 1 : i32
      scf.for %parallel_loop3A_74 = %parallel_loop3A to %parallel_loop3A_72 step %parallel_loop3A_73  : i32 {
        %parallel_loop3A_75 = arith.constant 3200 : i32
        %parallel_loop3A_76 = arith.muli %rem3A_44, %parallel_loop3A_75 : i32
        %parallel_loop3A_77 = arith.constant 16 : i32
        %parallel_loop3A_78 = arith.muli %parallel_loop3A_74, %parallel_loop3A_77 : i32
        %parallel_loop3A_79 = arith.addi %parallel_loop3A_76, %parallel_loop3A_78 : i32
        %parallel_loop3A_80 = tpu.assume_multiple %parallel_loop3A_79, 16 : i32
        %parallel_loop3A_81 = arith.index_cast %parallel_loop3A_80 : i32 to index
        %parallel_loop3A_82 = tpu.vector_load %arg6[%parallel_loop3A_81] {strides = array<i32>} : memref<6400xi32, #tpu.memory_space<vmem>>, vector<16xi32>,
        %parallel_loop3A_83 = arith.index_cast %parallel_loop3A_80 : i32 to index
        %parallel_loop3A_84 = tpu.vector_load %arg7[%parallel_loop3A_83] {strides = array<i32>} : memref<6400xi32, #tpu.memory_space<vmem>>, vector<16xi32>,
        %parallel_loop3A_85 = arith.muli %parallel_loop3A_82, %broadcast_in_dim3A_15 : vector<16xi32>
        %parallel_loop3A_86 = arith.shrsi %parallel_loop3A_85, %broadcast_in_dim3A_19 : vector<16xi32>
        %parallel_loop3A_87 = arith.muli %parallel_loop3A_86, %broadcast_in_dim3A_9 : vector<16xi32>
        %parallel_loop3A_88 = arith.subi %parallel_loop3A_82, %parallel_loop3A_87 : vector<16xi32>
        %parallel_loop3A_89 = arith.muli %parallel_loop3A_86, %broadcast_in_dim3A_9 : vector<16xi32>
        %parallel_loop3A_90 = arith.subi %parallel_loop3A_84, %parallel_loop3A_89 : vector<16xi32>
        %parallel_loop3A_91 = arith.cmpi eq, %parallel_loop3A_86, %broadcast_in_dim3A_7 : vector<16xi32>
        %parallel_loop3A_92 = arith.cmpi eq, %parallel_loop3A_86, %broadcast_in_dim3A_6 : vector<16xi32>
        %parallel_loop3A_93 = arith.ori %parallel_loop3A_92, %parallel_loop3A_91 : vector<16xi1>
        %parallel_loop3A_94 = arith.select %parallel_loop3A_91, %broadcast_in_dim3A_5, %broadcast_in_dim3A_17 : vector<16xi1>, vector<16xi32>
        tpu.vector_store_idx %arg5[%parallel_loop3A_94, %parallel_loop3A_90, %parallel_loop3A_88], %broadcast_in_dim3A_3 masked %parallel_loop3A_93 {add = true} : memref<2x200x256xf32, #tpu.memory_space<vmem>>[vector<16xi32>, vector<16xi32>, vector<16xi32>], vector<16xf32>, vector<16xi1>
      } {sc.loop_unroll_factor = 8 : i64, sc.parallel_access}
    }
    %scan3A_40 = arith.constant 100 : i32
    %run_scoped3A = arith.constant 0 : i32
    "tpu.region"() ({
      %run_scoped3A_43 = tpu.sem_alloc : memref<!tpu.dma_semaphore, #tpu.memory_space<semaphore_mem>>
      %dma_start3A_44 = arith.constant 0 : i32
      %dma_start3A_45 = arith.constant 0 : i32
      %dma_start3A_46 = tpu.memref_slice %arg5[%run_scoped3A, %dma_start3A_44, %dma_start3A_45] : memref<2x200x256xf32, #tpu.memory_space<vmem>> -> memref<1x200x256xf32, #tpu.memory_space<vmem>>
      %dma_start3A_47 = tpu.memref_squeeze %dma_start3A_46 : memref<1x200x256xf32, #tpu.memory_space<vmem>> -> memref<200x256xf32, #tpu.memory_space<vmem>>
      %dma_start3A_48 = arith.constant 0 : i32
      %dma_start3A_49 = arith.constant 0 : i32
      %dma_start3A_50 = tpu.memref_slice %arg4[%add3A, %dma_start3A_48, %dma_start3A_49] : memref<50x200x256xf32, #tpu.memory_space<hbm>> -> memref<1x200x256xf32, #tpu.memory_space<hbm>>
      %dma_start3A_51 = tpu.memref_squeeze %dma_start3A_50 : memref<1x200x256xf32, #tpu.memory_space<hbm>> -> memref<200x256xf32, #tpu.memory_space<hbm>>
      %dma_start3A_52 = arith.constant 0 : i32
      %dma_start3A_53 = arith.constant 0 : i32
      %dma_start3A_54 = tpu.memref_slice %arg4[%add3A, %dma_start3A_52, %dma_start3A_53] : memref<50x200x256xf32, #tpu.memory_space<hbm>> -> memref<1x200x256xf32, #tpu.memory_space<hbm>>
      %dma_start3A_55 = tpu.memref_squeeze %dma_start3A_54 : memref<1x200x256xf32, #tpu.memory_space<hbm>> -> memref<200x256xf32, #tpu.memory_space<hbm>>
      %dma_start3A_56 = arith.constant 0 : i32
      %dma_start3A_57 = arith.constant 0 : i32
      %dma_start3A_58 = tpu.memref_slice %arg5[%run_scoped3A, %dma_start3A_56, %dma_start3A_57] : memref<2x200x256xf32, #tpu.memory_space<vmem>> -> memref<1x200x256xf32, #tpu.memory_space<vmem>>
      %dma_start3A_59 = tpu.memref_squeeze %dma_start3A_58 : memref<1x200x256xf32, #tpu.memory_space<vmem>> -> memref<200x256xf32, #tpu.memory_space<vmem>>
      tpu.enqueue_dma source(%dma_start3A_59 : memref<200x256xf32, #tpu.memory_space<vmem>>) target(%dma_start3A_55 : memref<200x256xf32, #tpu.memory_space<hbm>>) target_semaphore(%run_scoped3A_43 : memref<!tpu.dma_semaphore, #tpu.memory_space<semaphore_mem>>)
      %dma_wait3A = arith.constant 0 : i32
      %dma_wait3A_60 = arith.constant 0 : i32
      %dma_wait3A_61 = tpu.memref_slice %arg5[%run_scoped3A, %dma_wait3A, %dma_wait3A_60] : memref<2x200x256xf32, #tpu.memory_space<vmem>> -> memref<1x200x256xf32, #tpu.memory_space<vmem>>
      %dma_wait3A_62 = tpu.memref_squeeze %dma_wait3A_61 : memref<1x200x256xf32, #tpu.memory_space<vmem>> -> memref<200x256xf32, #tpu.memory_space<vmem>>
      %dma_wait3A_63 = arith.constant 0 : i32
      %dma_wait3A_64 = arith.constant 0 : i32
      %dma_wait3A_65 = tpu.memref_slice %arg4[%add3A, %dma_wait3A_63, %dma_wait3A_64] : memref<50x200x256xf32, #tpu.memory_space<hbm>> -> memref<1x200x256xf32, #tpu.memory_space<hbm>>
      %dma_wait3A_66 = tpu.memref_squeeze %dma_wait3A_65 : memref<1x200x256xf32, #tpu.memory_space<hbm>> -> memref<200x256xf32, #tpu.memory_space<hbm>>
      %dma_wait3A_67 = arith.constant 0 : i32
      %dma_wait3A_68 = arith.constant 0 : i32
      %dma_wait3A_69 = tpu.memref_slice %arg4[%add3A, %dma_wait3A_67, %dma_wait3A_68] : memref<50x200x256xf32, #tpu.memory_space<hbm>> -> memref<1x200x256xf32, #tpu.memory_space<hbm>>
      %dma_wait3A_70 = tpu.memref_squeeze %dma_wait3A_69 : memref<1x200x256xf32, #tpu.memory_space<hbm>> -> memref<200x256xf32, #tpu.memory_space<hbm>>
      %dma_wait3A_71 = arith.constant 0 : i32
      %dma_wait3A_72 = arith.constant 0 : i32
      %dma_wait3A_73 = tpu.memref_slice %arg5[%run_scoped3A, %dma_wait3A_71, %dma_wait3A_72] : memref<2x200x256xf32, #tpu.memory_space<vmem>> -> memref<1x200x256xf32, #tpu.memory_space<vmem>>
      %dma_wait3A_74 = tpu.memref_squeeze %dma_wait3A_73 : memref<1x200x256xf32, #tpu.memory_space<vmem>> -> memref<200x256xf32, #tpu.memory_space<vmem>>
      tpu.wait_dma2 semaphore(%run_scoped3A_43 : memref<!tpu.dma_semaphore, #tpu.memory_space<semaphore_mem>>) src(%dma_wait3A_74 : memref<200x256xf32, #tpu.memory_space<vmem>>) dst(%dma_wait3A_70 : memref<200x256xf32, #tpu.memory_space<hbm>>)
      tpu.yield
    }) : () -> ()
    %lt3A = arith.constant 18 : i32
    %lt3A_41 = arith.cmpi slt, %add3A, %lt3A : i32
    %convert_element_type3A = arith.extui %lt3A_41 : i1 to i32
    %cond3A = arith.constant 0 : i32
    %cond3A_42 = arith.cmpi ne, %convert_element_type3A, %cond3A : i32
    scf.if %cond3A_42 {
      %run_scoped3A_43 = arith.constant 1 : i32
      "tpu.region"() ({
        %run_scoped3A_44 = tpu.sem_alloc : memref<!tpu.dma_semaphore, #tpu.memory_space<semaphore_mem>>
        %dma_start3A_45 = arith.constant 0 : i32
        %dma_start3A_46 = arith.constant 0 : i32
        %dma_start3A_47 = tpu.memref_slice %arg5[%run_scoped3A_43, %dma_start3A_45, %dma_start3A_46] : memref<2x200x256xf32, #tpu.memory_space<vmem>> -> memref<1x200x256xf32, #tpu.memory_space<vmem>>
        %dma_start3A_48 = tpu.memref_squeeze %dma_start3A_47 : memref<1x200x256xf32, #tpu.memory_space<vmem>> -> memref<200x256xf32, #tpu.memory_space<vmem>>
        %dma_start3A_49 = arith.constant 0 : i32
        %dma_start3A_50 = arith.constant 0 : i32
        %dma_start3A_51 = tpu.memref_slice %arg4[%add3A_2, %dma_start3A_49, %dma_start3A_50] : memref<50x200x256xf32, #tpu.memory_space<hbm>> -> memref<1x200x256xf32, #tpu.memory_space<hbm>>
        %dma_start3A_52 = tpu.memref_squeeze %dma_start3A_51 : memref<1x200x256xf32, #tpu.memory_space<hbm>> -> memref<200x256xf32, #tpu.memory_space<hbm>>
        %dma_start3A_53 = arith.constant 0 : i32
        %dma_start3A_54 = arith.constant 0 : i32
        %dma_start3A_55 = tpu.memref_slice %arg4[%add3A_2, %dma_start3A_53, %dma_start3A_54] : memref<50x200x256xf32, #tpu.memory_space<hbm>> -> memref<1x200x256xf32, #tpu.memory_space<hbm>>
        %dma_start3A_56 = tpu.memref_squeeze %dma_start3A_55 : memref<1x200x256xf32, #tpu.memory_space<hbm>> -> memref<200x256xf32, #tpu.memory_space<hbm>>
        %dma_start3A_57 = arith.constant 0 : i32
        %dma_start3A_58 = arith.constant 0 : i32
        %dma_start3A_59 = tpu.memref_slice %arg5[%run_scoped3A_43, %dma_start3A_57, %dma_start3A_58] : memref<2x200x256xf32, #tpu.memory_space<vmem>> -> memref<1x200x256xf32, #tpu.memory_space<vmem>>
        %dma_start3A_60 = tpu.memref_squeeze %dma_start3A_59 : memref<1x200x256xf32, #tpu.memory_space<vmem>> -> memref<200x256xf32, #tpu.memory_space<vmem>>
        tpu.enqueue_dma source(%dma_start3A_60 : memref<200x256xf32, #tpu.memory_space<vmem>>) target(%dma_start3A_56 : memref<200x256xf32, #tpu.memory_space<hbm>>) target_semaphore(%run_scoped3A_44 : memref<!tpu.dma_semaphore, #tpu.memory_space<semaphore_mem>>)
        %dma_wait3A = arith.constant 0 : i32
        %dma_wait3A_61 = arith.constant 0 : i32
        %dma_wait3A_62 = tpu.memref_slice %arg5[%run_scoped3A_43, %dma_wait3A, %dma_wait3A_61] : memref<2x200x256xf32, #tpu.memory_space<vmem>> -> memref<1x200x256xf32, #tpu.memory_space<vmem>>
        %dma_wait3A_63 = tpu.memref_squeeze %dma_wait3A_62 : memref<1x200x256xf32, #tpu.memory_space<vmem>> -> memref<200x256xf32, #tpu.memory_space<vmem>>
        %dma_wait3A_64 = arith.constant 0 : i32
        %dma_wait3A_65 = arith.constant 0 : i32
        %dma_wait3A_66 = tpu.memref_slice %arg4[%add3A_2, %dma_wait3A_64, %dma_wait3A_65] : memref<50x200x256xf32, #tpu.memory_space<hbm>> -> memref<1x200x256xf32, #tpu.memory_space<hbm>>
        %dma_wait3A_67 = tpu.memref_squeeze %dma_wait3A_66 : memref<1x200x256xf32, #tpu.memory_space<hbm>> -> memref<200x256xf32, #tpu.memory_space<hbm>>
        %dma_wait3A_68 = arith.constant 0 : i32
        %dma_wait3A_69 = arith.constant 0 : i32
        %dma_wait3A_70 = tpu.memref_slice %arg4[%add3A_2, %dma_wait3A_68, %dma_wait3A_69] : memref<50x200x256xf32, #tpu.memory_space<hbm>> -> memref<1x200x256xf32, #tpu.memory_space<hbm>>
        %dma_wait3A_71 = tpu.memref_squeeze %dma_wait3A_70 : memref<1x200x256xf32, #tpu.memory_space<hbm>> -> memref<200x256xf32, #tpu.memory_space<hbm>>
        %dma_wait3A_72 = arith.constant 0 : i32
        %dma_wait3A_73 = arith.constant 0 : i32
        %dma_wait3A_74 = tpu.memref_slice %arg5[%run_scoped3A_43, %dma_wait3A_72, %dma_wait3A_73] : memref<2x200x256xf32, #tpu.memory_space<vmem>> -> memref<1x200x256xf32, #tpu.memory_space<vmem>>
        %dma_wait3A_75 = tpu.memref_squeeze %dma_wait3A_74 : memref<1x200x256xf32, #tpu.memory_space<vmem>> -> memref<200x256xf32, #tpu.memory_space<vmem>>
        tpu.wait_dma2 semaphore(%run_scoped3A_44 : memref<!tpu.dma_semaphore, #tpu.memory_space<semaphore_mem>>) src(%dma_wait3A_75 : memref<200x256xf32, #tpu.memory_space<vmem>>) dst(%dma_wait3A_71 : memref<200x256xf32, #tpu.memory_space<hbm>>)
        tpu.yield
      }) : () -> ()
    } else {
    }
    return
  }
}

module attributes {stable_mosaic.version = 14 : i64} {
  func.func @_pipe_body(%arg0: i32, %arg1: memref<10x200x128xf32, #tpu.memory_space<vmem>>, %arg2: memref<10x200x256xf32, #tpu.memory_space<vmem>>, %arg3: memref<128x128xf32, #tpu.memory_space<vmem>>, %arg4: memref<1x128xf32, #tpu.memory_space<vmem>>, %arg5: memref<1x128xf32, #tpu.memory_space<vmem>>, %arg6: memref<128x128xf32, #tpu.memory_space<vmem>>, %arg7: memref<1x128xf32, #tpu.memory_space<vmem>>, %arg8: memref<1x128xf32, #tpu.memory_space<vmem>>, %arg9: memref<128x128xf32, #tpu.memory_space<vmem>>, %arg10: memref<1x128xf32, #tpu.memory_space<vmem>>, %arg11: memref<1x128xf32, #tpu.memory_space<vmem>>, %arg12: memref<10x8x128xf32, #tpu.memory_space<vmem>>) attributes {dimension_semantics = [#tpu.dimension_semantics<arbitrary>], iteration_bounds = array<i64: 5>, scalar_prefetch = 0 : i64, scratch_operands = 0 : i64, tpu.core_type = #tpu.core_type<tc>, window_params = [{transform_indices = @transform_0, window_bounds = array<i64: 10, 200, 128>}, {transform_indices = @transform_1, window_bounds = array<i64: 10, 200, 256>}, {pipeline_mode = #tpu.pipeline_mode<synchronous>, transform_indices = @transform_2, window_bounds = array<i64: 128, 128>}, {pipeline_mode = #tpu.pipeline_mode<synchronous>, transform_indices = @transform_3, window_bounds = array<i64: 1, 128>}, {pipeline_mode = #tpu.pipeline_mode<synchronous>, transform_indices = @transform_4, window_bounds = array<i64: 1, 128>}, {pipeline_mode = #tpu.pipeline_mode<synchronous>, transform_indices = @transform_5, window_bounds = array<i64: 128, 128>}, {pipeline_mode = #tpu.pipeline_mode<synchronous>, transform_indices = @transform_6, window_bounds = array<i64: 1, 128>}, {pipeline_mode = #tpu.pipeline_mode<synchronous>, transform_indices = @transform_7, window_bounds = array<i64: 1, 128>}, {pipeline_mode = #tpu.pipeline_mode<synchronous>, transform_indices = @transform_8, window_bounds = array<i64: 128, 128>}, {pipeline_mode = #tpu.pipeline_mode<synchronous>, transform_indices = @transform_9, window_bounds = array<i64: 1, 128>}, {pipeline_mode = #tpu.pipeline_mode<synchronous>, transform_indices = @transform_10, window_bounds = array<i64: 1, 128>}, {transform_indices = @transform_11, window_bounds = array<i64: 10, 8, 128>}]} {
    %get3A = arith.constant 0 : index
    %get3A_0 = arith.constant 0 : index
    %get3A_1 = vector.load %arg3[%get3A, %get3A_0] : memref<128x128xf32, #tpu.memory_space<vmem>>, vector<128x128xf32>
    %get3A_2 = arith.constant 0 : index
    %get3A_3 = arith.constant 0 : index
    %get3A_4 = vector.load %arg4[%get3A_2, %get3A_3] : memref<1x128xf32, #tpu.memory_space<vmem>>, vector<1x128xf32>
    %get3A_5 = arith.constant 0 : index
    %get3A_6 = arith.constant 0 : index
    %get3A_7 = vector.load %arg5[%get3A_5, %get3A_6] : memref<1x128xf32, #tpu.memory_space<vmem>>, vector<1x128xf32>
    %get3A_8 = arith.constant 0 : index
    %get3A_9 = arith.constant 0 : index
    %get3A_10 = vector.load %arg6[%get3A_8, %get3A_9] : memref<128x128xf32, #tpu.memory_space<vmem>>, vector<128x128xf32>
    %get3A_11 = arith.constant 0 : index
    %get3A_12 = arith.constant 0 : index
    %get3A_13 = vector.load %arg7[%get3A_11, %get3A_12] : memref<1x128xf32, #tpu.memory_space<vmem>>, vector<1x128xf32>
    %get3A_14 = arith.constant 0 : index
    %get3A_15 = arith.constant 0 : index
    %get3A_16 = vector.load %arg8[%get3A_14, %get3A_15] : memref<1x128xf32, #tpu.memory_space<vmem>>, vector<1x128xf32>
    %get3A_17 = arith.constant 0 : index
    %get3A_18 = arith.constant 0 : index
    %get3A_19 = vector.load %arg9[%get3A_17, %get3A_18] : memref<128x128xf32, #tpu.memory_space<vmem>>, vector<128x128xf32>
    %get3A_20 = arith.constant 0 : index
    %get3A_21 = arith.constant 0 : index
    %get3A_22 = vector.load %arg10[%get3A_20, %get3A_21] : memref<1x128xf32, #tpu.memory_space<vmem>>, vector<1x128xf32>
    %get3A_23 = arith.constant 0 : index
    %get3A_24 = arith.constant 0 : index
    %get3A_25 = vector.load %arg11[%get3A_23, %get3A_24] : memref<1x128xf32, #tpu.memory_space<vmem>>, vector<1x128xf32>
    %get3A_26 = arith.constant 0 : index
    %get3A_27 = arith.constant 0 : index
    %get3A_28 = arith.constant 0 : index
    %get3A_29 = vector.load %arg1[%get3A_26, %get3A_27, %get3A_28] : memref<10x200x128xf32, #tpu.memory_space<vmem>>, vector<1x200x128xf32>
    %get3A_30 = vector.shape_cast %get3A_29 : vector<1x200x128xf32> to vector<200x128xf32>
    %get3A_31 = arith.constant 0 : index
    %get3A_32 = arith.constant 0 : index
    %get3A_33 = arith.constant 0 : index
    %get3A_34 = vector.load %arg2[%get3A_31, %get3A_32, %get3A_33] : memref<10x200x256xf32, #tpu.memory_space<vmem>>, vector<1x200x256xf32>
    %get3A_35 = vector.shape_cast %get3A_34 : vector<1x200x256xf32> to vector<200x256xf32>
    %broadcast_in_dim3A = arith.constant 0.000000e+00 : f32
    %broadcast_in_dim3A_36 = vector.broadcast %broadcast_in_dim3A : f32 to vector<56x128xf32>
    %concatenate3A = tpu.concatenate %get3A_30, %broadcast_in_dim3A_36 in 0 : vector<200x128xf32>, vector<56x128xf32> -> vector<256x128xf32>
    %broadcast_in_dim3A_37 = arith.constant 0.000000e+00 : f32
    %broadcast_in_dim3A_38 = vector.broadcast %broadcast_in_dim3A_37 : f32 to vector<56x256xf32>
    %concatenate3A_39 = tpu.concatenate %get3A_35, %broadcast_in_dim3A_38 in 0 : vector<200x256xf32>, vector<56x256xf32> -> vector<256x256xf32>
    %iota3A = tpu.iota {dimensions = array<i32: 0>} : vector<256x256xi32>
    %iota3A_40 = tpu.iota {dimensions = array<i32: 1>} : vector<256x256xi32>
    %iota3A_41 = tpu.iota {dimensions = array<i32: 0>} : vector<256x1xi32>
    %lt3A = arith.constant 200 : i32
    %lt3A_42 = vector.broadcast %lt3A : i32 to vector<256x1xi32>
    %lt3A_43 = arith.cmpi slt, %iota3A_41, %lt3A_42 : vector<256x1xi32>
    %convert_element_type3A = arith.extui %lt3A_43 : vector<256x1xi1> to vector<256x1xi32>
    %convert_element_type3A_44 = arith.sitofp %convert_element_type3A : vector<256x1xi32> to vector<256x1xf32>
    %transpose3A = tpu.transpose %convert_element_type3A_44, [1, 0] : vector<256x1xf32> -> vector<1x256xf32>
    %dot_general3A = arith.constant dense<0.000000e+00> : vector<256x128xf32>
    %dot_general3A_45 = tpu.matmul %concatenate3A, %get3A_1, %dot_general3A {dimension_numbers = #tpu.dot_dimension_numbers<[1], [0], [0], [1], [0, 0, 1, 1], [], []>, precision = #tpu.contract_precision<fp32>, transpose_lhs_hint = false} : vector<256x128xf32>, vector<128x128xf32>, vector<256x128xf32> -> vector<256x128xf32>
    %reduce_sum3A = arith.constant dense<0.000000e+00> : vector<256xf32>
    %reduce_sum3A_46 = vector.multi_reduction <add>, %concatenate3A_39, %reduce_sum3A [1] : vector<256x256xf32> to vector<256xf32>
    %broadcast_in_dim3A_47 = vector.shape_cast %reduce_sum3A_46 : vector<256xf32> to vector<256x1xf32>
    %add3A = arith.constant 1.000000e+00 : f32
    %add3A_48 = vector.broadcast %add3A : f32 to vector<256x1xf32>
    %add3A_49 = arith.addf %broadcast_in_dim3A_47, %add3A_48 : vector<256x1xf32>
    %rsqrt3A = math.rsqrt %add3A_49 : vector<256x1xf32>
    %mul3A = vector.broadcast %rsqrt3A : vector<256x1xf32> to vector<256x128xf32>
    %mul3A_50 = arith.mulf %mul3A, %dot_general3A_45 : vector<256x128xf32>
    %dot_general3A_51 = arith.constant dense<0.000000e+00> : vector<256x128xf32>
    %dot_general3A_52 = tpu.matmul %concatenate3A_39, %mul3A_50, %dot_general3A_51 {dimension_numbers = #tpu.dot_dimension_numbers<[1], [0], [0], [1], [0, 0, 1, 1], [], []>, precision = #tpu.contract_precision<fp32>, transpose_lhs_hint = false} : vector<256x256xf32>, vector<256x128xf32>, vector<256x128xf32> -> vector<256x128xf32>
    %add3A_53 = arith.addf %dot_general3A_52, %mul3A_50 : vector<256x128xf32>
    %mul3A_54 = vector.broadcast %rsqrt3A : vector<256x1xf32> to vector<256x128xf32>
    %mul3A_55 = arith.mulf %mul3A_54, %add3A_53 : vector<256x128xf32>
    %add3A_56 = vector.broadcast %get3A_4 : vector<1x128xf32> to vector<256x128xf32>
    %add3A_57 = arith.addf %mul3A_55, %add3A_56 : vector<256x128xf32>
    %max3A = arith.constant 0.000000e+00 : f32
    %max3A_58 = vector.broadcast %max3A : f32 to vector<256x128xf32>
    %max3A_59 = arith.maximumf %add3A_57, %max3A_58 : vector<256x128xf32>
    %mul3A_60 = arith.mulf %get3A_7, %get3A_7 : vector<1x128xf32>
    %reduce_sum3A_61 = vector.shape_cast %mul3A_60 : vector<1x128xf32> to vector<1x1x128xf32>
    %reduce_sum3A_62 = arith.constant dense<0.000000e+00> : vector<1xf32>
    %reduce_sum3A_63 = vector.multi_reduction <add>, %reduce_sum3A_61, %reduce_sum3A_62 [1, 2] : vector<1x1x128xf32> to vector<1xf32>
    %reduce_sum3A_64 = vector.shape_cast %reduce_sum3A_63 : vector<1xf32> to vector<1x1x1xf32>
    %reduce_sum3A_65 = vector.extract %reduce_sum3A_64[0, 0, 0] : f32 from vector<1x1x1xf32>
    %sqrt3A = math.sqrt %reduce_sum3A_65 : f32
    %div3A = vector.broadcast %sqrt3A : f32 to vector<1x128xf32>
    %div3A_66 = arith.divf %get3A_7, %div3A : vector<1x128xf32>
    %mul3A_67 = vector.broadcast %div3A_66 : vector<1x128xf32> to vector<256x128xf32>
    %mul3A_68 = arith.mulf %max3A_59, %mul3A_67 : vector<256x128xf32>
    %reduce_sum3A_69 = arith.constant dense<0.000000e+00> : vector<256xf32>
    %reduce_sum3A_70 = vector.multi_reduction <add>, %mul3A_68, %reduce_sum3A_69 [1] : vector<256x128xf32> to vector<256xf32>
    %broadcast_in_dim3A_71 = vector.shape_cast %reduce_sum3A_70 : vector<256xf32> to vector<256x1xf32>
    %gt3A = arith.constant 0.000000e+00 : f32
    %gt3A_72 = vector.broadcast %gt3A : f32 to vector<256x1xf32>
    %gt3A_73 = arith.cmpf ogt, %convert_element_type3A_44, %gt3A_72 : vector<256x1xf32>
    %jit3A = arith.constant 0xFF800000 : f32
    %broadcast_in_dim3A_74 = vector.broadcast %jit3A : f32 to vector<256x1xf32>
    %select_n3A = arith.select %gt3A_73, %broadcast_in_dim3A_71, %broadcast_in_dim3A_74 : vector<256x1xi1>, vector<256x1xf32>
    %transpose3A_75 = tpu.transpose %select_n3A, [1, 0] : vector<256x1xf32> -> vector<1x256xf32>
    %gt3A_76 = vector.broadcast %select_n3A : vector<256x1xf32> to vector<256x256xf32>
    %gt3A_77 = vector.broadcast %transpose3A_75 : vector<1x256xf32> to vector<256x256xf32>
    %gt3A_78 = arith.cmpf ogt, %gt3A_76, %gt3A_77 : vector<256x256xf32>
    %eq3A = vector.broadcast %select_n3A : vector<256x1xf32> to vector<256x256xf32>
    %eq3A_79 = vector.broadcast %transpose3A_75 : vector<1x256xf32> to vector<256x256xf32>
    %eq3A_80 = arith.cmpf oeq, %eq3A, %eq3A_79 : vector<256x256xf32>
    %lt3A_81 = arith.cmpi slt, %iota3A, %iota3A_40 : vector<256x256xi32>
    %and3A = arith.andi %eq3A_80, %lt3A_81 : vector<256x256xi1>
    %or3A = arith.ori %gt3A_78, %and3A : vector<256x256xi1>
    %convert_element_type3A_82 = arith.extui %or3A : vector<256x256xi1> to vector<256x256xi32>
    %reduce_sum3A_83 = arith.constant dense<0> : vector<256xi32>
    %reduce_sum3A_84 = vector.multi_reduction <add>, %convert_element_type3A_82, %reduce_sum3A_83 [0] : vector<256x256xi32> to vector<256xi32>
    %broadcast_in_dim3A_85 = vector.shape_cast %reduce_sum3A_84 : vector<256xi32> to vector<1x256xi32>
    %lt3A_86 = arith.constant 160 : i32
    %lt3A_87 = vector.broadcast %lt3A_86 : i32 to vector<1x256xi32>
    %lt3A_88 = arith.cmpi slt, %broadcast_in_dim3A_85, %lt3A_87 : vector<1x256xi32>
    %convert_element_type3A_89 = arith.extui %lt3A_88 : vector<1x256xi1> to vector<1x256xi32>
    %convert_element_type3A_90 = arith.sitofp %convert_element_type3A_89 : vector<1x256xi32> to vector<1x256xf32>
    %mul3A_91 = arith.mulf %transpose3A, %convert_element_type3A_90 : vector<1x256xf32>
    %transpose3A_92 = tpu.transpose %mul3A_91, [1, 0] : vector<1x256xf32> -> vector<256x1xf32>
    %tanh3A = math.tanh %broadcast_in_dim3A_71 : vector<256x1xf32>
    %mul3A_93 = vector.broadcast %tanh3A : vector<256x1xf32> to vector<256x128xf32>
    %mul3A_94 = arith.mulf %max3A_59, %mul3A_93 : vector<256x128xf32>
    %mul3A_95 = vector.broadcast %transpose3A_92 : vector<256x1xf32> to vector<256x128xf32>
    %mul3A_96 = arith.mulf %mul3A_94, %mul3A_95 : vector<256x128xf32>
    %mul3A_97 = vector.broadcast %transpose3A_92 : vector<256x1xf32> to vector<256x256xf32>
    %mul3A_98 = arith.mulf %concatenate3A_39, %mul3A_97 : vector<256x256xf32>
    %mul3A_99 = vector.broadcast %mul3A_91 : vector<1x256xf32> to vector<256x256xf32>
    %mul3A_100 = arith.mulf %mul3A_98, %mul3A_99 : vector<256x256xf32>
    %dot_general3A_101 = arith.constant dense<0.000000e+00> : vector<256x128xf32>
    %dot_general3A_102 = tpu.matmul %mul3A_96, %get3A_10, %dot_general3A_101 {dimension_numbers = #tpu.dot_dimension_numbers<[1], [0], [0], [1], [0, 0, 1, 1], [], []>, precision = #tpu.contract_precision<fp32>, transpose_lhs_hint = false} : vector<256x128xf32>, vector<128x128xf32>, vector<256x128xf32> -> vector<256x128xf32>
    %reduce_sum3A_103 = arith.constant dense<0.000000e+00> : vector<256xf32>
    %reduce_sum3A_104 = vector.multi_reduction <add>, %mul3A_100, %reduce_sum3A_103 [1] : vector<256x256xf32> to vector<256xf32>
    %broadcast_in_dim3A_105 = vector.shape_cast %reduce_sum3A_104 : vector<256xf32> to vector<256x1xf32>
    %add3A_106 = arith.constant 1.000000e+00 : f32
    %add3A_107 = vector.broadcast %add3A_106 : f32 to vector<256x1xf32>
    %add3A_108 = arith.addf %broadcast_in_dim3A_105, %add3A_107 : vector<256x1xf32>
    %rsqrt3A_109 = math.rsqrt %add3A_108 : vector<256x1xf32>
    %mul3A_110 = vector.broadcast %rsqrt3A_109 : vector<256x1xf32> to vector<256x128xf32>
    %mul3A_111 = arith.mulf %mul3A_110, %dot_general3A_102 : vector<256x128xf32>
    %dot_general3A_112 = arith.constant dense<0.000000e+00> : vector<256x128xf32>
    %dot_general3A_113 = tpu.matmul %mul3A_100, %mul3A_111, %dot_general3A_112 {dimension_numbers = #tpu.dot_dimension_numbers<[1], [0], [0], [1], [0, 0, 1, 1], [], []>, precision = #tpu.contract_precision<fp32>, transpose_lhs_hint = false} : vector<256x256xf32>, vector<256x128xf32>, vector<256x128xf32> -> vector<256x128xf32>
    %add3A_114 = arith.addf %dot_general3A_113, %mul3A_111 : vector<256x128xf32>
    %mul3A_115 = vector.broadcast %rsqrt3A_109 : vector<256x1xf32> to vector<256x128xf32>
    %mul3A_116 = arith.mulf %mul3A_115, %add3A_114 : vector<256x128xf32>
    %add3A_117 = vector.broadcast %get3A_13 : vector<1x128xf32> to vector<256x128xf32>
    %add3A_118 = arith.addf %mul3A_116, %add3A_117 : vector<256x128xf32>
    %max3A_119 = arith.constant 0.000000e+00 : f32
    %max3A_120 = vector.broadcast %max3A_119 : f32 to vector<256x128xf32>
    %max3A_121 = arith.maximumf %add3A_118, %max3A_120 : vector<256x128xf32>
    %mul3A_122 = arith.mulf %get3A_16, %get3A_16 : vector<1x128xf32>
    %reduce_sum3A_123 = vector.shape_cast %mul3A_122 : vector<1x128xf32> to vector<1x1x128xf32>
    %reduce_sum3A_124 = arith.constant dense<0.000000e+00> : vector<1xf32>
    %reduce_sum3A_125 = vector.multi_reduction <add>, %reduce_sum3A_123, %reduce_sum3A_124 [1, 2] : vector<1x1x128xf32> to vector<1xf32>
    %reduce_sum3A_126 = vector.shape_cast %reduce_sum3A_125 : vector<1xf32> to vector<1x1x1xf32>
    %reduce_sum3A_127 = vector.extract %reduce_sum3A_126[0, 0, 0] : f32 from vector<1x1x1xf32>
    %sqrt3A_128 = math.sqrt %reduce_sum3A_127 : f32
    %div3A_129 = vector.broadcast %sqrt3A_128 : f32 to vector<1x128xf32>
    %div3A_130 = arith.divf %get3A_16, %div3A_129 : vector<1x128xf32>
    %mul3A_131 = vector.broadcast %div3A_130 : vector<1x128xf32> to vector<256x128xf32>
    %mul3A_132 = arith.mulf %max3A_121, %mul3A_131 : vector<256x128xf32>
    %reduce_sum3A_133 = arith.constant dense<0.000000e+00> : vector<256xf32>
    %reduce_sum3A_134 = vector.multi_reduction <add>, %mul3A_132, %reduce_sum3A_133 [1] : vector<256x128xf32> to vector<256xf32>
    %broadcast_in_dim3A_135 = vector.shape_cast %reduce_sum3A_134 : vector<256xf32> to vector<256x1xf32>
    %gt3A_136 = arith.constant 0.000000e+00 : f32
    %gt3A_137 = vector.broadcast %gt3A_136 : f32 to vector<256x1xf32>
    %gt3A_138 = arith.cmpf ogt, %transpose3A_92, %gt3A_137 : vector<256x1xf32>
    %jit3A_139 = arith.constant 0xFF800000 : f32
    %broadcast_in_dim3A_140 = vector.broadcast %jit3A_139 : f32 to vector<256x1xf32>
    %select_n3A_141 = arith.select %gt3A_138, %broadcast_in_dim3A_135, %broadcast_in_dim3A_140 : vector<256x1xi1>, vector<256x1xf32>
    %transpose3A_142 = tpu.transpose %select_n3A_141, [1, 0] : vector<256x1xf32> -> vector<1x256xf32>
    %gt3A_143 = vector.broadcast %select_n3A_141 : vector<256x1xf32> to vector<256x256xf32>
    %gt3A_144 = vector.broadcast %transpose3A_142 : vector<1x256xf32> to vector<256x256xf32>
    %gt3A_145 = arith.cmpf ogt, %gt3A_143, %gt3A_144 : vector<256x256xf32>
    %eq3A_146 = vector.broadcast %select_n3A_141 : vector<256x1xf32> to vector<256x256xf32>
    %eq3A_147 = vector.broadcast %transpose3A_142 : vector<1x256xf32> to vector<256x256xf32>
    %eq3A_148 = arith.cmpf oeq, %eq3A_146, %eq3A_147 : vector<256x256xf32>
    %lt3A_149 = arith.cmpi slt, %iota3A, %iota3A_40 : vector<256x256xi32>
    %and3A_150 = arith.andi %eq3A_148, %lt3A_149 : vector<256x256xi1>
    %or3A_151 = arith.ori %gt3A_145, %and3A_150 : vector<256x256xi1>
    %convert_element_type3A_152 = arith.extui %or3A_151 : vector<256x256xi1> to vector<256x256xi32>
    %reduce_sum3A_153 = arith.constant dense<0> : vector<256xi32>
    %reduce_sum3A_154 = vector.multi_reduction <add>, %convert_element_type3A_152, %reduce_sum3A_153 [0] : vector<256x256xi32> to vector<256xi32>
    %broadcast_in_dim3A_155 = vector.shape_cast %reduce_sum3A_154 : vector<256xi32> to vector<1x256xi32>
    %lt3A_156 = arith.constant 128 : i32
    %lt3A_157 = vector.broadcast %lt3A_156 : i32 to vector<1x256xi32>
    %lt3A_158 = arith.cmpi slt, %broadcast_in_dim3A_155, %lt3A_157 : vector<1x256xi32>
    %convert_element_type3A_159 = arith.extui %lt3A_158 : vector<1x256xi1> to vector<1x256xi32>
    %convert_element_type3A_160 = arith.sitofp %convert_element_type3A_159 : vector<1x256xi32> to vector<1x256xf32>
    %mul3A_161 = arith.mulf %mul3A_91, %convert_element_type3A_160 : vector<1x256xf32>
    %transpose3A_162 = tpu.transpose %mul3A_161, [1, 0] : vector<1x256xf32> -> vector<256x1xf32>
    %tanh3A_163 = math.tanh %broadcast_in_dim3A_135 : vector<256x1xf32>
    %mul3A_164 = vector.broadcast %tanh3A_163 : vector<256x1xf32> to vector<256x128xf32>
    %mul3A_165 = arith.mulf %max3A_121, %mul3A_164 : vector<256x128xf32>
    %mul3A_166 = vector.broadcast %transpose3A_162 : vector<256x1xf32> to vector<256x128xf32>
    %mul3A_167 = arith.mulf %mul3A_165, %mul3A_166 : vector<256x128xf32>
    %mul3A_168 = vector.broadcast %transpose3A_162 : vector<256x1xf32> to vector<256x256xf32>
    %mul3A_169 = arith.mulf %mul3A_100, %mul3A_168 : vector<256x256xf32>
    %mul3A_170 = vector.broadcast %mul3A_161 : vector<1x256xf32> to vector<256x256xf32>
    %mul3A_171 = arith.mulf %mul3A_169, %mul3A_170 : vector<256x256xf32>
    %dot_general3A_172 = arith.constant dense<0.000000e+00> : vector<256x128xf32>
    %dot_general3A_173 = tpu.matmul %mul3A_167, %get3A_19, %dot_general3A_172 {dimension_numbers = #tpu.dot_dimension_numbers<[1], [0], [0], [1], [0, 0, 1, 1], [], []>, precision = #tpu.contract_precision<fp32>, transpose_lhs_hint = false} : vector<256x128xf32>, vector<128x128xf32>, vector<256x128xf32> -> vector<256x128xf32>
    %reduce_sum3A_174 = arith.constant dense<0.000000e+00> : vector<256xf32>
    %reduce_sum3A_175 = vector.multi_reduction <add>, %mul3A_171, %reduce_sum3A_174 [1] : vector<256x256xf32> to vector<256xf32>
    %broadcast_in_dim3A_176 = vector.shape_cast %reduce_sum3A_175 : vector<256xf32> to vector<256x1xf32>
    %add3A_177 = arith.constant 1.000000e+00 : f32
    %add3A_178 = vector.broadcast %add3A_177 : f32 to vector<256x1xf32>
    %add3A_179 = arith.addf %broadcast_in_dim3A_176, %add3A_178 : vector<256x1xf32>
    %rsqrt3A_180 = math.rsqrt %add3A_179 : vector<256x1xf32>
    %mul3A_181 = vector.broadcast %rsqrt3A_180 : vector<256x1xf32> to vector<256x128xf32>
    %mul3A_182 = arith.mulf %mul3A_181, %dot_general3A_173 : vector<256x128xf32>
    %dot_general3A_183 = arith.constant dense<0.000000e+00> : vector<256x128xf32>
    %dot_general3A_184 = tpu.matmul %mul3A_171, %mul3A_182, %dot_general3A_183 {dimension_numbers = #tpu.dot_dimension_numbers<[1], [0], [0], [1], [0, 0, 1, 1], [], []>, precision = #tpu.contract_precision<fp32>, transpose_lhs_hint = false} : vector<256x256xf32>, vector<256x128xf32>, vector<256x128xf32> -> vector<256x128xf32>
    %add3A_185 = arith.addf %dot_general3A_184, %mul3A_182 : vector<256x128xf32>
    %mul3A_186 = vector.broadcast %rsqrt3A_180 : vector<256x1xf32> to vector<256x128xf32>
    %mul3A_187 = arith.mulf %mul3A_186, %add3A_185 : vector<256x128xf32>
    %add3A_188 = vector.broadcast %get3A_22 : vector<1x128xf32> to vector<256x128xf32>
    %add3A_189 = arith.addf %mul3A_187, %add3A_188 : vector<256x128xf32>
    %max3A_190 = arith.constant 0.000000e+00 : f32
    %max3A_191 = vector.broadcast %max3A_190 : f32 to vector<256x128xf32>
    %max3A_192 = arith.maximumf %add3A_189, %max3A_191 : vector<256x128xf32>
    %mul3A_193 = arith.mulf %get3A_25, %get3A_25 : vector<1x128xf32>
    %reduce_sum3A_194 = vector.shape_cast %mul3A_193 : vector<1x128xf32> to vector<1x1x128xf32>
    %reduce_sum3A_195 = arith.constant dense<0.000000e+00> : vector<1xf32>
    %reduce_sum3A_196 = vector.multi_reduction <add>, %reduce_sum3A_194, %reduce_sum3A_195 [1, 2] : vector<1x1x128xf32> to vector<1xf32>
    %reduce_sum3A_197 = vector.shape_cast %reduce_sum3A_196 : vector<1xf32> to vector<1x1x1xf32>
    %reduce_sum3A_198 = vector.extract %reduce_sum3A_197[0, 0, 0] : f32 from vector<1x1x1xf32>
    %sqrt3A_199 = math.sqrt %reduce_sum3A_198 : f32
    %div3A_200 = vector.broadcast %sqrt3A_199 : f32 to vector<1x128xf32>
    %div3A_201 = arith.divf %get3A_25, %div3A_200 : vector<1x128xf32>
    %mul3A_202 = vector.broadcast %div3A_201 : vector<1x128xf32> to vector<256x128xf32>
    %mul3A_203 = arith.mulf %max3A_192, %mul3A_202 : vector<256x128xf32>
    %reduce_sum3A_204 = arith.constant dense<0.000000e+00> : vector<256xf32>
    %reduce_sum3A_205 = vector.multi_reduction <add>, %mul3A_203, %reduce_sum3A_204 [1] : vector<256x128xf32> to vector<256xf32>
    %broadcast_in_dim3A_206 = vector.shape_cast %reduce_sum3A_205 : vector<256xf32> to vector<256x1xf32>
    %gt3A_207 = arith.constant 0.000000e+00 : f32
    %gt3A_208 = vector.broadcast %gt3A_207 : f32 to vector<256x1xf32>
    %gt3A_209 = arith.cmpf ogt, %transpose3A_162, %gt3A_208 : vector<256x1xf32>
    %jit3A_210 = arith.constant 0xFF800000 : f32
    %broadcast_in_dim3A_211 = vector.broadcast %jit3A_210 : f32 to vector<256x1xf32>
    %select_n3A_212 = arith.select %gt3A_209, %broadcast_in_dim3A_206, %broadcast_in_dim3A_211 : vector<256x1xi1>, vector<256x1xf32>
    %transpose3A_213 = tpu.transpose %select_n3A_212, [1, 0] : vector<256x1xf32> -> vector<1x256xf32>
    %gt3A_214 = vector.broadcast %select_n3A_212 : vector<256x1xf32> to vector<256x256xf32>
    %gt3A_215 = vector.broadcast %transpose3A_213 : vector<1x256xf32> to vector<256x256xf32>
    %gt3A_216 = arith.cmpf ogt, %gt3A_214, %gt3A_215 : vector<256x256xf32>
    %eq3A_217 = vector.broadcast %select_n3A_212 : vector<256x1xf32> to vector<256x256xf32>
    %eq3A_218 = vector.broadcast %transpose3A_213 : vector<1x256xf32> to vector<256x256xf32>
    %eq3A_219 = arith.cmpf oeq, %eq3A_217, %eq3A_218 : vector<256x256xf32>
    %lt3A_220 = arith.cmpi slt, %iota3A, %iota3A_40 : vector<256x256xi32>
    %and3A_221 = arith.andi %eq3A_219, %lt3A_220 : vector<256x256xi1>
    %or3A_222 = arith.ori %gt3A_216, %and3A_221 : vector<256x256xi1>
    %convert_element_type3A_223 = arith.extui %or3A_222 : vector<256x256xi1> to vector<256x256xi32>
    %reduce_sum3A_224 = arith.constant dense<0> : vector<256xi32>
    %reduce_sum3A_225 = vector.multi_reduction <add>, %convert_element_type3A_223, %reduce_sum3A_224 [0] : vector<256x256xi32> to vector<256xi32>
    %broadcast_in_dim3A_226 = vector.shape_cast %reduce_sum3A_225 : vector<256xi32> to vector<1x256xi32>
    %lt3A_227 = arith.constant 103 : i32
    %lt3A_228 = vector.broadcast %lt3A_227 : i32 to vector<1x256xi32>
    %lt3A_229 = arith.cmpi slt, %broadcast_in_dim3A_226, %lt3A_228 : vector<1x256xi32>
    %convert_element_type3A_230 = arith.extui %lt3A_229 : vector<1x256xi1> to vector<1x256xi32>
    %convert_element_type3A_231 = arith.sitofp %convert_element_type3A_230 : vector<1x256xi32> to vector<1x256xf32>
    %mul3A_232 = arith.mulf %mul3A_161, %convert_element_type3A_231 : vector<1x256xf32>
    %transpose3A_233 = tpu.transpose %mul3A_232, [1, 0] : vector<1x256xf32> -> vector<256x1xf32>
    %tanh3A_234 = math.tanh %broadcast_in_dim3A_206 : vector<256x1xf32>
    %mul3A_235 = vector.broadcast %tanh3A_234 : vector<256x1xf32> to vector<256x128xf32>
    %mul3A_236 = arith.mulf %max3A_192, %mul3A_235 : vector<256x128xf32>
    %mul3A_237 = vector.broadcast %transpose3A_233 : vector<256x1xf32> to vector<256x128xf32>
    %mul3A_238 = arith.mulf %mul3A_236, %mul3A_237 : vector<256x128xf32>
    %reduce_sum3A_239 = arith.constant dense<0.000000e+00> : vector<128xf32>
    %reduce_sum3A_240 = vector.multi_reduction <add>, %mul3A_238, %reduce_sum3A_239 [0] : vector<256x128xf32> to vector<128xf32>
    %broadcast_in_dim3A_241 = vector.shape_cast %reduce_sum3A_240 : vector<128xf32> to vector<1x128xf32>
    %mul3A_242 = arith.constant 0.00970873795 : f32
    %mul3A_243 = vector.broadcast %mul3A_242 : f32 to vector<1x128xf32>
    %mul3A_244 = arith.mulf %broadcast_in_dim3A_241, %mul3A_243 : vector<1x128xf32>
    %broadcast_in_dim3A_245 = vector.shape_cast %mul3A_244 : vector<1x128xf32> to vector<1x128xf32>
    %broadcast_in_dim3A_246 = vector.broadcast %broadcast_in_dim3A_245 : vector<1x128xf32> to vector<8x128xf32>
    %swap3A = arith.constant 0 : index
    %swap3A_247 = arith.constant 0 : index
    %swap3A_248 = arith.constant 0 : index
    %swap3A_249 = vector.load %arg12[%swap3A, %swap3A_247, %swap3A_248] : memref<10x8x128xf32, #tpu.memory_space<vmem>>, vector<1x8x128xf32>
    %swap3A_250 = vector.shape_cast %swap3A_249 : vector<1x8x128xf32> to vector<8x128xf32>
    %swap3A_251 = vector.shape_cast %broadcast_in_dim3A_246 : vector<8x128xf32> to vector<1x8x128xf32>
    tpu.vector_store %arg12[%swap3A, %swap3A_247, %swap3A_248], %swap3A_251 {strides = array<i32>} : memref<10x8x128xf32, #tpu.memory_space<vmem>>, vector<1x8x128xf32>,
    %get3A_252 = arith.constant 1 : index
    %get3A_253 = arith.constant 0 : index
    %get3A_254 = arith.constant 0 : index
    %get3A_255 = vector.load %arg1[%get3A_252, %get3A_253, %get3A_254] : memref<10x200x128xf32, #tpu.memory_space<vmem>>, vector<1x200x128xf32>
    %get3A_256 = vector.shape_cast %get3A_255 : vector<1x200x128xf32> to vector<200x128xf32>
    %get3A_257 = arith.constant 1 : index
    %get3A_258 = arith.constant 0 : index
    %get3A_259 = arith.constant 0 : index
    %get3A_260 = vector.load %arg2[%get3A_257, %get3A_258, %get3A_259] : memref<10x200x256xf32, #tpu.memory_space<vmem>>, vector<1x200x256xf32>
    %get3A_261 = vector.shape_cast %get3A_260 : vector<1x200x256xf32> to vector<200x256xf32>
    %broadcast_in_dim3A_262 = arith.constant 0.000000e+00 : f32
    %broadcast_in_dim3A_263 = vector.broadcast %broadcast_in_dim3A_262 : f32 to vector<56x128xf32>
    %concatenate3A_264 = tpu.concatenate %get3A_256, %broadcast_in_dim3A_263 in 0 : vector<200x128xf32>, vector<56x128xf32> -> vector<256x128xf32>
    %broadcast_in_dim3A_265 = arith.constant 0.000000e+00 : f32
    %broadcast_in_dim3A_266 = vector.broadcast %broadcast_in_dim3A_265 : f32 to vector<56x256xf32>
    %concatenate3A_267 = tpu.concatenate %get3A_261, %broadcast_in_dim3A_266 in 0 : vector<200x256xf32>, vector<56x256xf32> -> vector<256x256xf32>
    %iota3A_268 = tpu.iota {dimensions = array<i32: 0>} : vector<256x256xi32>
    %iota3A_269 = tpu.iota {dimensions = array<i32: 1>} : vector<256x256xi32>
    %iota3A_270 = tpu.iota {dimensions = array<i32: 0>} : vector<256x1xi32>
    %lt3A_271 = arith.constant 200 : i32
    %lt3A_272 = vector.broadcast %lt3A_271 : i32 to vector<256x1xi32>
    %lt3A_273 = arith.cmpi slt, %iota3A_270, %lt3A_272 : vector<256x1xi32>
    %convert_element_type3A_274 = arith.extui %lt3A_273 : vector<256x1xi1> to vector<256x1xi32>
    %convert_element_type3A_275 = arith.sitofp %convert_element_type3A_274 : vector<256x1xi32> to vector<256x1xf32>
    %transpose3A_276 = tpu.transpose %convert_element_type3A_275, [1, 0] : vector<256x1xf32> -> vector<1x256xf32>
    %dot_general3A_277 = arith.constant dense<0.000000e+00> : vector<256x128xf32>
    %dot_general3A_278 = tpu.matmul %concatenate3A_264, %get3A_1, %dot_general3A_277 {dimension_numbers = #tpu.dot_dimension_numbers<[1], [0], [0], [1], [0, 0, 1, 1], [], []>, precision = #tpu.contract_precision<fp32>, transpose_lhs_hint = false} : vector<256x128xf32>, vector<128x128xf32>, vector<256x128xf32> -> vector<256x128xf32>
    %reduce_sum3A_279 = arith.constant dense<0.000000e+00> : vector<256xf32>
    %reduce_sum3A_280 = vector.multi_reduction <add>, %concatenate3A_267, %reduce_sum3A_279 [1] : vector<256x256xf32> to vector<256xf32>
    %broadcast_in_dim3A_281 = vector.shape_cast %reduce_sum3A_280 : vector<256xf32> to vector<256x1xf32>
    %add3A_282 = arith.constant 1.000000e+00 : f32
    %add3A_283 = vector.broadcast %add3A_282 : f32 to vector<256x1xf32>
    %add3A_284 = arith.addf %broadcast_in_dim3A_281, %add3A_283 : vector<256x1xf32>
    %rsqrt3A_285 = math.rsqrt %add3A_284 : vector<256x1xf32>
    %mul3A_286 = vector.broadcast %rsqrt3A_285 : vector<256x1xf32> to vector<256x128xf32>
    %mul3A_287 = arith.mulf %mul3A_286, %dot_general3A_278 : vector<256x128xf32>
    %dot_general3A_288 = arith.constant dense<0.000000e+00> : vector<256x128xf32>
    %dot_general3A_289 = tpu.matmul %concatenate3A_267, %mul3A_287, %dot_general3A_288 {dimension_numbers = #tpu.dot_dimension_numbers<[1], [0], [0], [1], [0, 0, 1, 1], [], []>, precision = #tpu.contract_precision<fp32>, transpose_lhs_hint = false} : vector<256x256xf32>, vector<256x128xf32>, vector<256x128xf32> -> vector<256x128xf32>
    %add3A_290 = arith.addf %dot_general3A_289, %mul3A_287 : vector<256x128xf32>
    %mul3A_291 = vector.broadcast %rsqrt3A_285 : vector<256x1xf32> to vector<256x128xf32>
    %mul3A_292 = arith.mulf %mul3A_291, %add3A_290 : vector<256x128xf32>
    %add3A_293 = vector.broadcast %get3A_4 : vector<1x128xf32> to vector<256x128xf32>
    %add3A_294 = arith.addf %mul3A_292, %add3A_293 : vector<256x128xf32>
    %max3A_295 = arith.constant 0.000000e+00 : f32
    %max3A_296 = vector.broadcast %max3A_295 : f32 to vector<256x128xf32>
    %max3A_297 = arith.maximumf %add3A_294, %max3A_296 : vector<256x128xf32>
    %mul3A_298 = arith.mulf %get3A_7, %get3A_7 : vector<1x128xf32>
    %reduce_sum3A_299 = vector.shape_cast %mul3A_298 : vector<1x128xf32> to vector<1x1x128xf32>
    %reduce_sum3A_300 = arith.constant dense<0.000000e+00> : vector<1xf32>
    %reduce_sum3A_301 = vector.multi_reduction <add>, %reduce_sum3A_299, %reduce_sum3A_300 [1, 2] : vector<1x1x128xf32> to vector<1xf32>
    %reduce_sum3A_302 = vector.shape_cast %reduce_sum3A_301 : vector<1xf32> to vector<1x1x1xf32>
    %reduce_sum3A_303 = vector.extract %reduce_sum3A_302[0, 0, 0] : f32 from vector<1x1x1xf32>
    %sqrt3A_304 = math.sqrt %reduce_sum3A_303 : f32
    %div3A_305 = vector.broadcast %sqrt3A_304 : f32 to vector<1x128xf32>
    %div3A_306 = arith.divf %get3A_7, %div3A_305 : vector<1x128xf32>
    %mul3A_307 = vector.broadcast %div3A_306 : vector<1x128xf32> to vector<256x128xf32>
    %mul3A_308 = arith.mulf %max3A_297, %mul3A_307 : vector<256x128xf32>
    %reduce_sum3A_309 = arith.constant dense<0.000000e+00> : vector<256xf32>
    %reduce_sum3A_310 = vector.multi_reduction <add>, %mul3A_308, %reduce_sum3A_309 [1] : vector<256x128xf32> to vector<256xf32>
    %broadcast_in_dim3A_311 = vector.shape_cast %reduce_sum3A_310 : vector<256xf32> to vector<256x1xf32>
    %gt3A_312 = arith.constant 0.000000e+00 : f32
    %gt3A_313 = vector.broadcast %gt3A_312 : f32 to vector<256x1xf32>
    %gt3A_314 = arith.cmpf ogt, %convert_element_type3A_275, %gt3A_313 : vector<256x1xf32>
    %jit3A_315 = arith.constant 0xFF800000 : f32
    %broadcast_in_dim3A_316 = vector.broadcast %jit3A_315 : f32 to vector<256x1xf32>
    %select_n3A_317 = arith.select %gt3A_314, %broadcast_in_dim3A_311, %broadcast_in_dim3A_316 : vector<256x1xi1>, vector<256x1xf32>
    %transpose3A_318 = tpu.transpose %select_n3A_317, [1, 0] : vector<256x1xf32> -> vector<1x256xf32>
    %gt3A_319 = vector.broadcast %select_n3A_317 : vector<256x1xf32> to vector<256x256xf32>
    %gt3A_320 = vector.broadcast %transpose3A_318 : vector<1x256xf32> to vector<256x256xf32>
    %gt3A_321 = arith.cmpf ogt, %gt3A_319, %gt3A_320 : vector<256x256xf32>
    %eq3A_322 = vector.broadcast %select_n3A_317 : vector<256x1xf32> to vector<256x256xf32>
    %eq3A_323 = vector.broadcast %transpose3A_318 : vector<1x256xf32> to vector<256x256xf32>
    %eq3A_324 = arith.cmpf oeq, %eq3A_322, %eq3A_323 : vector<256x256xf32>
    %lt3A_325 = arith.cmpi slt, %iota3A_268, %iota3A_269 : vector<256x256xi32>
    %and3A_326 = arith.andi %eq3A_324, %lt3A_325 : vector<256x256xi1>
    %or3A_327 = arith.ori %gt3A_321, %and3A_326 : vector<256x256xi1>
    %convert_element_type3A_328 = arith.extui %or3A_327 : vector<256x256xi1> to vector<256x256xi32>
    %reduce_sum3A_329 = arith.constant dense<0> : vector<256xi32>
    %reduce_sum3A_330 = vector.multi_reduction <add>, %convert_element_type3A_328, %reduce_sum3A_329 [0] : vector<256x256xi32> to vector<256xi32>
    %broadcast_in_dim3A_331 = vector.shape_cast %reduce_sum3A_330 : vector<256xi32> to vector<1x256xi32>
    %lt3A_332 = arith.constant 160 : i32
    %lt3A_333 = vector.broadcast %lt3A_332 : i32 to vector<1x256xi32>
    %lt3A_334 = arith.cmpi slt, %broadcast_in_dim3A_331, %lt3A_333 : vector<1x256xi32>
    %convert_element_type3A_335 = arith.extui %lt3A_334 : vector<1x256xi1> to vector<1x256xi32>
    %convert_element_type3A_336 = arith.sitofp %convert_element_type3A_335 : vector<1x256xi32> to vector<1x256xf32>
    %mul3A_337 = arith.mulf %transpose3A_276, %convert_element_type3A_336 : vector<1x256xf32>
    %transpose3A_338 = tpu.transpose %mul3A_337, [1, 0] : vector<1x256xf32> -> vector<256x1xf32>
    %tanh3A_339 = math.tanh %broadcast_in_dim3A_311 : vector<256x1xf32>
    %mul3A_340 = vector.broadcast %tanh3A_339 : vector<256x1xf32> to vector<256x128xf32>
    %mul3A_341 = arith.mulf %max3A_297, %mul3A_340 : vector<256x128xf32>
    %mul3A_342 = vector.broadcast %transpose3A_338 : vector<256x1xf32> to vector<256x128xf32>
    %mul3A_343 = arith.mulf %mul3A_341, %mul3A_342 : vector<256x128xf32>
    %mul3A_344 = vector.broadcast %transpose3A_338 : vector<256x1xf32> to vector<256x256xf32>
    %mul3A_345 = arith.mulf %concatenate3A_267, %mul3A_344 : vector<256x256xf32>
    %mul3A_346 = vector.broadcast %mul3A_337 : vector<1x256xf32> to vector<256x256xf32>
    %mul3A_347 = arith.mulf %mul3A_345, %mul3A_346 : vector<256x256xf32>
    %dot_general3A_348 = arith.constant dense<0.000000e+00> : vector<256x128xf32>
    %dot_general3A_349 = tpu.matmul %mul3A_343, %get3A_10, %dot_general3A_348 {dimension_numbers = #tpu.dot_dimension_numbers<[1], [0], [0], [1], [0, 0, 1, 1], [], []>, precision = #tpu.contract_precision<fp32>, transpose_lhs_hint = false} : vector<256x128xf32>, vector<128x128xf32>, vector<256x128xf32> -> vector<256x128xf32>
    %reduce_sum3A_350 = arith.constant dense<0.000000e+00> : vector<256xf32>
    %reduce_sum3A_351 = vector.multi_reduction <add>, %mul3A_347, %reduce_sum3A_350 [1] : vector<256x256xf32> to vector<256xf32>
    %broadcast_in_dim3A_352 = vector.shape_cast %reduce_sum3A_351 : vector<256xf32> to vector<256x1xf32>
    %add3A_353 = arith.constant 1.000000e+00 : f32
    %add3A_354 = vector.broadcast %add3A_353 : f32 to vector<256x1xf32>
    %add3A_355 = arith.addf %broadcast_in_dim3A_352, %add3A_354 : vector<256x1xf32>
    %rsqrt3A_356 = math.rsqrt %add3A_355 : vector<256x1xf32>
    %mul3A_357 = vector.broadcast %rsqrt3A_356 : vector<256x1xf32> to vector<256x128xf32>
    %mul3A_358 = arith.mulf %mul3A_357, %dot_general3A_349 : vector<256x128xf32>
    %dot_general3A_359 = arith.constant dense<0.000000e+00> : vector<256x128xf32>
    %dot_general3A_360 = tpu.matmul %mul3A_347, %mul3A_358, %dot_general3A_359 {dimension_numbers = #tpu.dot_dimension_numbers<[1], [0], [0], [1], [0, 0, 1, 1], [], []>, precision = #tpu.contract_precision<fp32>, transpose_lhs_hint = false} : vector<256x256xf32>, vector<256x128xf32>, vector<256x128xf32> -> vector<256x128xf32>
    %add3A_361 = arith.addf %dot_general3A_360, %mul3A_358 : vector<256x128xf32>
    %mul3A_362 = vector.broadcast %rsqrt3A_356 : vector<256x1xf32> to vector<256x128xf32>
    %mul3A_363 = arith.mulf %mul3A_362, %add3A_361 : vector<256x128xf32>
    %add3A_364 = vector.broadcast %get3A_13 : vector<1x128xf32> to vector<256x128xf32>
    %add3A_365 = arith.addf %mul3A_363, %add3A_364 : vector<256x128xf32>
    %max3A_366 = arith.constant 0.000000e+00 : f32
    %max3A_367 = vector.broadcast %max3A_366 : f32 to vector<256x128xf32>
    %max3A_368 = arith.maximumf %add3A_365, %max3A_367 : vector<256x128xf32>
    %mul3A_369 = arith.mulf %get3A_16, %get3A_16 : vector<1x128xf32>
    %reduce_sum3A_370 = vector.shape_cast %mul3A_369 : vector<1x128xf32> to vector<1x1x128xf32>
    %reduce_sum3A_371 = arith.constant dense<0.000000e+00> : vector<1xf32>
    %reduce_sum3A_372 = vector.multi_reduction <add>, %reduce_sum3A_370, %reduce_sum3A_371 [1, 2] : vector<1x1x128xf32> to vector<1xf32>
    %reduce_sum3A_373 = vector.shape_cast %reduce_sum3A_372 : vector<1xf32> to vector<1x1x1xf32>
    %reduce_sum3A_374 = vector.extract %reduce_sum3A_373[0, 0, 0] : f32 from vector<1x1x1xf32>
    %sqrt3A_375 = math.sqrt %reduce_sum3A_374 : f32
    %div3A_376 = vector.broadcast %sqrt3A_375 : f32 to vector<1x128xf32>
    %div3A_377 = arith.divf %get3A_16, %div3A_376 : vector<1x128xf32>
    %mul3A_378 = vector.broadcast %div3A_377 : vector<1x128xf32> to vector<256x128xf32>
    %mul3A_379 = arith.mulf %max3A_368, %mul3A_378 : vector<256x128xf32>
    %reduce_sum3A_380 = arith.constant dense<0.000000e+00> : vector<256xf32>
    %reduce_sum3A_381 = vector.multi_reduction <add>, %mul3A_379, %reduce_sum3A_380 [1] : vector<256x128xf32> to vector<256xf32>
    %broadcast_in_dim3A_382 = vector.shape_cast %reduce_sum3A_381 : vector<256xf32> to vector<256x1xf32>
    %gt3A_383 = arith.constant 0.000000e+00 : f32
    %gt3A_384 = vector.broadcast %gt3A_383 : f32 to vector<256x1xf32>
    %gt3A_385 = arith.cmpf ogt, %transpose3A_338, %gt3A_384 : vector<256x1xf32>
    %jit3A_386 = arith.constant 0xFF800000 : f32
    %broadcast_in_dim3A_387 = vector.broadcast %jit3A_386 : f32 to vector<256x1xf32>
    %select_n3A_388 = arith.select %gt3A_385, %broadcast_in_dim3A_382, %broadcast_in_dim3A_387 : vector<256x1xi1>, vector<256x1xf32>
    %transpose3A_389 = tpu.transpose %select_n3A_388, [1, 0] : vector<256x1xf32> -> vector<1x256xf32>
    %gt3A_390 = vector.broadcast %select_n3A_388 : vector<256x1xf32> to vector<256x256xf32>
    %gt3A_391 = vector.broadcast %transpose3A_389 : vector<1x256xf32> to vector<256x256xf32>
    %gt3A_392 = arith.cmpf ogt, %gt3A_390, %gt3A_391 : vector<256x256xf32>
    %eq3A_393 = vector.broadcast %select_n3A_388 : vector<256x1xf32> to vector<256x256xf32>
    %eq3A_394 = vector.broadcast %transpose3A_389 : vector<1x256xf32> to vector<256x256xf32>
    %eq3A_395 = arith.cmpf oeq, %eq3A_393, %eq3A_394 : vector<256x256xf32>
    %lt3A_396 = arith.cmpi slt, %iota3A_268, %iota3A_269 : vector<256x256xi32>
    %and3A_397 = arith.andi %eq3A_395, %lt3A_396 : vector<256x256xi1>
    %or3A_398 = arith.ori %gt3A_392, %and3A_397 : vector<256x256xi1>
    %convert_element_type3A_399 = arith.extui %or3A_398 : vector<256x256xi1> to vector<256x256xi32>
    %reduce_sum3A_400 = arith.constant dense<0> : vector<256xi32>
    %reduce_sum3A_401 = vector.multi_reduction <add>, %convert_element_type3A_399, %reduce_sum3A_400 [0] : vector<256x256xi32> to vector<256xi32>
    %broadcast_in_dim3A_402 = vector.shape_cast %reduce_sum3A_401 : vector<256xi32> to vector<1x256xi32>
    %lt3A_403 = arith.constant 128 : i32
    %lt3A_404 = vector.broadcast %lt3A_403 : i32 to vector<1x256xi32>
    %lt3A_405 = arith.cmpi slt, %broadcast_in_dim3A_402, %lt3A_404 : vector<1x256xi32>
    %convert_element_type3A_406 = arith.extui %lt3A_405 : vector<1x256xi1> to vector<1x256xi32>
    %convert_element_type3A_407 = arith.sitofp %convert_element_type3A_406 : vector<1x256xi32> to vector<1x256xf32>
    %mul3A_408 = arith.mulf %mul3A_337, %convert_element_type3A_407 : vector<1x256xf32>
    %transpose3A_409 = tpu.transpose %mul3A_408, [1, 0] : vector<1x256xf32> -> vector<256x1xf32>
    %tanh3A_410 = math.tanh %broadcast_in_dim3A_382 : vector<256x1xf32>
    %mul3A_411 = vector.broadcast %tanh3A_410 : vector<256x1xf32> to vector<256x128xf32>
    %mul3A_412 = arith.mulf %max3A_368, %mul3A_411 : vector<256x128xf32>
    %mul3A_413 = vector.broadcast %transpose3A_409 : vector<256x1xf32> to vector<256x128xf32>
    %mul3A_414 = arith.mulf %mul3A_412, %mul3A_413 : vector<256x128xf32>
    %mul3A_415 = vector.broadcast %transpose3A_409 : vector<256x1xf32> to vector<256x256xf32>
    %mul3A_416 = arith.mulf %mul3A_347, %mul3A_415 : vector<256x256xf32>
    %mul3A_417 = vector.broadcast %mul3A_408 : vector<1x256xf32> to vector<256x256xf32>
    %mul3A_418 = arith.mulf %mul3A_416, %mul3A_417 : vector<256x256xf32>
    %dot_general3A_419 = arith.constant dense<0.000000e+00> : vector<256x128xf32>
    %dot_general3A_420 = tpu.matmul %mul3A_414, %get3A_19, %dot_general3A_419 {dimension_numbers = #tpu.dot_dimension_numbers<[1], [0], [0], [1], [0, 0, 1, 1], [], []>, precision = #tpu.contract_precision<fp32>, transpose_lhs_hint = false} : vector<256x128xf32>, vector<128x128xf32>, vector<256x128xf32> -> vector<256x128xf32>
    %reduce_sum3A_421 = arith.constant dense<0.000000e+00> : vector<256xf32>
    %reduce_sum3A_422 = vector.multi_reduction <add>, %mul3A_418, %reduce_sum3A_421 [1] : vector<256x256xf32> to vector<256xf32>
    %broadcast_in_dim3A_423 = vector.shape_cast %reduce_sum3A_422 : vector<256xf32> to vector<256x1xf32>
    %add3A_424 = arith.constant 1.000000e+00 : f32
    %add3A_425 = vector.broadcast %add3A_424 : f32 to vector<256x1xf32>
    %add3A_426 = arith.addf %broadcast_in_dim3A_423, %add3A_425 : vector<256x1xf32>
    %rsqrt3A_427 = math.rsqrt %add3A_426 : vector<256x1xf32>
    %mul3A_428 = vector.broadcast %rsqrt3A_427 : vector<256x1xf32> to vector<256x128xf32>
    %mul3A_429 = arith.mulf %mul3A_428, %dot_general3A_420 : vector<256x128xf32>
    %dot_general3A_430 = arith.constant dense<0.000000e+00> : vector<256x128xf32>
    %dot_general3A_431 = tpu.matmul %mul3A_418, %mul3A_429, %dot_general3A_430 {dimension_numbers = #tpu.dot_dimension_numbers<[1], [0], [0], [1], [0, 0, 1, 1], [], []>, precision = #tpu.contract_precision<fp32>, transpose_lhs_hint = false} : vector<256x256xf32>, vector<256x128xf32>, vector<256x128xf32> -> vector<256x128xf32>
    %add3A_432 = arith.addf %dot_general3A_431, %mul3A_429 : vector<256x128xf32>
    %mul3A_433 = vector.broadcast %rsqrt3A_427 : vector<256x1xf32> to vector<256x128xf32>
    %mul3A_434 = arith.mulf %mul3A_433, %add3A_432 : vector<256x128xf32>
    %add3A_435 = vector.broadcast %get3A_22 : vector<1x128xf32> to vector<256x128xf32>
    %add3A_436 = arith.addf %mul3A_434, %add3A_435 : vector<256x128xf32>
    %max3A_437 = arith.constant 0.000000e+00 : f32
    %max3A_438 = vector.broadcast %max3A_437 : f32 to vector<256x128xf32>
    %max3A_439 = arith.maximumf %add3A_436, %max3A_438 : vector<256x128xf32>
    %mul3A_440 = arith.mulf %get3A_25, %get3A_25 : vector<1x128xf32>
    %reduce_sum3A_441 = vector.shape_cast %mul3A_440 : vector<1x128xf32> to vector<1x1x128xf32>
    %reduce_sum3A_442 = arith.constant dense<0.000000e+00> : vector<1xf32>
    %reduce_sum3A_443 = vector.multi_reduction <add>, %reduce_sum3A_441, %reduce_sum3A_442 [1, 2] : vector<1x1x128xf32> to vector<1xf32>
    %reduce_sum3A_444 = vector.shape_cast %reduce_sum3A_443 : vector<1xf32> to vector<1x1x1xf32>
    %reduce_sum3A_445 = vector.extract %reduce_sum3A_444[0, 0, 0] : f32 from vector<1x1x1xf32>
    %sqrt3A_446 = math.sqrt %reduce_sum3A_445 : f32
    %div3A_447 = vector.broadcast %sqrt3A_446 : f32 to vector<1x128xf32>
    %div3A_448 = arith.divf %get3A_25, %div3A_447 : vector<1x128xf32>
    %mul3A_449 = vector.broadcast %div3A_448 : vector<1x128xf32> to vector<256x128xf32>
    %mul3A_450 = arith.mulf %max3A_439, %mul3A_449 : vector<256x128xf32>
    %reduce_sum3A_451 = arith.constant dense<0.000000e+00> : vector<256xf32>
    %reduce_sum3A_452 = vector.multi_reduction <add>, %mul3A_450, %reduce_sum3A_451 [1] : vector<256x128xf32> to vector<256xf32>
    %broadcast_in_dim3A_453 = vector.shape_cast %reduce_sum3A_452 : vector<256xf32> to vector<256x1xf32>
    %gt3A_454 = arith.constant 0.000000e+00 : f32
    %gt3A_455 = vector.broadcast %gt3A_454 : f32 to vector<256x1xf32>
    %gt3A_456 = arith.cmpf ogt, %transpose3A_409, %gt3A_455 : vector<256x1xf32>
    %jit3A_457 = arith.constant 0xFF800000 : f32
    %broadcast_in_dim3A_458 = vector.broadcast %jit3A_457 : f32 to vector<256x1xf32>
    %select_n3A_459 = arith.select %gt3A_456, %broadcast_in_dim3A_453, %broadcast_in_dim3A_458 : vector<256x1xi1>, vector<256x1xf32>
    %transpose3A_460 = tpu.transpose %select_n3A_459, [1, 0] : vector<256x1xf32> -> vector<1x256xf32>
    %gt3A_461 = vector.broadcast %select_n3A_459 : vector<256x1xf32> to vector<256x256xf32>
    %gt3A_462 = vector.broadcast %transpose3A_460 : vector<1x256xf32> to vector<256x256xf32>
    %gt3A_463 = arith.cmpf ogt, %gt3A_461, %gt3A_462 : vector<256x256xf32>
    %eq3A_464 = vector.broadcast %select_n3A_459 : vector<256x1xf32> to vector<256x256xf32>
    %eq3A_465 = vector.broadcast %transpose3A_460 : vector<1x256xf32> to vector<256x256xf32>
    %eq3A_466 = arith.cmpf oeq, %eq3A_464, %eq3A_465 : vector<256x256xf32>
    %lt3A_467 = arith.cmpi slt, %iota3A_268, %iota3A_269 : vector<256x256xi32>
    %and3A_468 = arith.andi %eq3A_466, %lt3A_467 : vector<256x256xi1>
    %or3A_469 = arith.ori %gt3A_463, %and3A_468 : vector<256x256xi1>
    %convert_element_type3A_470 = arith.extui %or3A_469 : vector<256x256xi1> to vector<256x256xi32>
    %reduce_sum3A_471 = arith.constant dense<0> : vector<256xi32>
    %reduce_sum3A_472 = vector.multi_reduction <add>, %convert_element_type3A_470, %reduce_sum3A_471 [0] : vector<256x256xi32> to vector<256xi32>
    %broadcast_in_dim3A_473 = vector.shape_cast %reduce_sum3A_472 : vector<256xi32> to vector<1x256xi32>
    %lt3A_474 = arith.constant 103 : i32
    %lt3A_475 = vector.broadcast %lt3A_474 : i32 to vector<1x256xi32>
    %lt3A_476 = arith.cmpi slt, %broadcast_in_dim3A_473, %lt3A_475 : vector<1x256xi32>
    %convert_element_type3A_477 = arith.extui %lt3A_476 : vector<1x256xi1> to vector<1x256xi32>
    %convert_element_type3A_478 = arith.sitofp %convert_element_type3A_477 : vector<1x256xi32> to vector<1x256xf32>
    %mul3A_479 = arith.mulf %mul3A_408, %convert_element_type3A_478 : vector<1x256xf32>
    %transpose3A_480 = tpu.transpose %mul3A_479, [1, 0] : vector<1x256xf32> -> vector<256x1xf32>
    %tanh3A_481 = math.tanh %broadcast_in_dim3A_453 : vector<256x1xf32>
    %mul3A_482 = vector.broadcast %tanh3A_481 : vector<256x1xf32> to vector<256x128xf32>
    %mul3A_483 = arith.mulf %max3A_439, %mul3A_482 : vector<256x128xf32>
    %mul3A_484 = vector.broadcast %transpose3A_480 : vector<256x1xf32> to vector<256x128xf32>
    %mul3A_485 = arith.mulf %mul3A_483, %mul3A_484 : vector<256x128xf32>
    %reduce_sum3A_486 = arith.constant dense<0.000000e+00> : vector<128xf32>
    %reduce_sum3A_487 = vector.multi_reduction <add>, %mul3A_485, %reduce_sum3A_486 [0] : vector<256x128xf32> to vector<128xf32>
    %broadcast_in_dim3A_488 = vector.shape_cast %reduce_sum3A_487 : vector<128xf32> to vector<1x128xf32>
    %mul3A_489 = arith.constant 0.00970873795 : f32
    %mul3A_490 = vector.broadcast %mul3A_489 : f32 to vector<1x128xf32>
    %mul3A_491 = arith.mulf %broadcast_in_dim3A_488, %mul3A_490 : vector<1x128xf32>
    %broadcast_in_dim3A_492 = vector.shape_cast %mul3A_491 : vector<1x128xf32> to vector<1x128xf32>
    %broadcast_in_dim3A_493 = vector.broadcast %broadcast_in_dim3A_492 : vector<1x128xf32> to vector<8x128xf32>
    %swap3A_494 = arith.constant 1 : index
    %swap3A_495 = arith.constant 0 : index
    %swap3A_496 = arith.constant 0 : index
    %swap3A_497 = vector.load %arg12[%swap3A_494, %swap3A_495, %swap3A_496] : memref<10x8x128xf32, #tpu.memory_space<vmem>>, vector<1x8x128xf32>
    %swap3A_498 = vector.shape_cast %swap3A_497 : vector<1x8x128xf32> to vector<8x128xf32>
    %swap3A_499 = vector.shape_cast %broadcast_in_dim3A_493 : vector<8x128xf32> to vector<1x8x128xf32>
    tpu.vector_store %arg12[%swap3A_494, %swap3A_495, %swap3A_496], %swap3A_499 {strides = array<i32>} : memref<10x8x128xf32, #tpu.memory_space<vmem>>, vector<1x8x128xf32>,
    %get3A_500 = arith.constant 2 : index
    %get3A_501 = arith.constant 0 : index
    %get3A_502 = arith.constant 0 : index
    %get3A_503 = vector.load %arg1[%get3A_500, %get3A_501, %get3A_502] : memref<10x200x128xf32, #tpu.memory_space<vmem>>, vector<1x200x128xf32>
    %get3A_504 = vector.shape_cast %get3A_503 : vector<1x200x128xf32> to vector<200x128xf32>
    %get3A_505 = arith.constant 2 : index
    %get3A_506 = arith.constant 0 : index
    %get3A_507 = arith.constant 0 : index
    %get3A_508 = vector.load %arg2[%get3A_505, %get3A_506, %get3A_507] : memref<10x200x256xf32, #tpu.memory_space<vmem>>, vector<1x200x256xf32>
    %get3A_509 = vector.shape_cast %get3A_508 : vector<1x200x256xf32> to vector<200x256xf32>
    %broadcast_in_dim3A_510 = arith.constant 0.000000e+00 : f32
    %broadcast_in_dim3A_511 = vector.broadcast %broadcast_in_dim3A_510 : f32 to vector<56x128xf32>
    %concatenate3A_512 = tpu.concatenate %get3A_504, %broadcast_in_dim3A_511 in 0 : vector<200x128xf32>, vector<56x128xf32> -> vector<256x128xf32>
    %broadcast_in_dim3A_513 = arith.constant 0.000000e+00 : f32
    %broadcast_in_dim3A_514 = vector.broadcast %broadcast_in_dim3A_513 : f32 to vector<56x256xf32>
    %concatenate3A_515 = tpu.concatenate %get3A_509, %broadcast_in_dim3A_514 in 0 : vector<200x256xf32>, vector<56x256xf32> -> vector<256x256xf32>
    %iota3A_516 = tpu.iota {dimensions = array<i32: 0>} : vector<256x256xi32>
    %iota3A_517 = tpu.iota {dimensions = array<i32: 1>} : vector<256x256xi32>
    %iota3A_518 = tpu.iota {dimensions = array<i32: 0>} : vector<256x1xi32>
    %lt3A_519 = arith.constant 200 : i32
    %lt3A_520 = vector.broadcast %lt3A_519 : i32 to vector<256x1xi32>
    %lt3A_521 = arith.cmpi slt, %iota3A_518, %lt3A_520 : vector<256x1xi32>
    %convert_element_type3A_522 = arith.extui %lt3A_521 : vector<256x1xi1> to vector<256x1xi32>
    %convert_element_type3A_523 = arith.sitofp %convert_element_type3A_522 : vector<256x1xi32> to vector<256x1xf32>
    %transpose3A_524 = tpu.transpose %convert_element_type3A_523, [1, 0] : vector<256x1xf32> -> vector<1x256xf32>
    %dot_general3A_525 = arith.constant dense<0.000000e+00> : vector<256x128xf32>
    %dot_general3A_526 = tpu.matmul %concatenate3A_512, %get3A_1, %dot_general3A_525 {dimension_numbers = #tpu.dot_dimension_numbers<[1], [0], [0], [1], [0, 0, 1, 1], [], []>, precision = #tpu.contract_precision<fp32>, transpose_lhs_hint = false} : vector<256x128xf32>, vector<128x128xf32>, vector<256x128xf32> -> vector<256x128xf32>
    %reduce_sum3A_527 = arith.constant dense<0.000000e+00> : vector<256xf32>
    %reduce_sum3A_528 = vector.multi_reduction <add>, %concatenate3A_515, %reduce_sum3A_527 [1] : vector<256x256xf32> to vector<256xf32>
    %broadcast_in_dim3A_529 = vector.shape_cast %reduce_sum3A_528 : vector<256xf32> to vector<256x1xf32>
    %add3A_530 = arith.constant 1.000000e+00 : f32
    %add3A_531 = vector.broadcast %add3A_530 : f32 to vector<256x1xf32>
    %add3A_532 = arith.addf %broadcast_in_dim3A_529, %add3A_531 : vector<256x1xf32>
    %rsqrt3A_533 = math.rsqrt %add3A_532 : vector<256x1xf32>
    %mul3A_534 = vector.broadcast %rsqrt3A_533 : vector<256x1xf32> to vector<256x128xf32>
    %mul3A_535 = arith.mulf %mul3A_534, %dot_general3A_526 : vector<256x128xf32>
    %dot_general3A_536 = arith.constant dense<0.000000e+00> : vector<256x128xf32>
    %dot_general3A_537 = tpu.matmul %concatenate3A_515, %mul3A_535, %dot_general3A_536 {dimension_numbers = #tpu.dot_dimension_numbers<[1], [0], [0], [1], [0, 0, 1, 1], [], []>, precision = #tpu.contract_precision<fp32>, transpose_lhs_hint = false} : vector<256x256xf32>, vector<256x128xf32>, vector<256x128xf32> -> vector<256x128xf32>
    %add3A_538 = arith.addf %dot_general3A_537, %mul3A_535 : vector<256x128xf32>
    %mul3A_539 = vector.broadcast %rsqrt3A_533 : vector<256x1xf32> to vector<256x128xf32>
    %mul3A_540 = arith.mulf %mul3A_539, %add3A_538 : vector<256x128xf32>
    %add3A_541 = vector.broadcast %get3A_4 : vector<1x128xf32> to vector<256x128xf32>
    %add3A_542 = arith.addf %mul3A_540, %add3A_541 : vector<256x128xf32>
    %max3A_543 = arith.constant 0.000000e+00 : f32
    %max3A_544 = vector.broadcast %max3A_543 : f32 to vector<256x128xf32>
    %max3A_545 = arith.maximumf %add3A_542, %max3A_544 : vector<256x128xf32>
    %mul3A_546 = arith.mulf %get3A_7, %get3A_7 : vector<1x128xf32>
    %reduce_sum3A_547 = vector.shape_cast %mul3A_546 : vector<1x128xf32> to vector<1x1x128xf32>
    %reduce_sum3A_548 = arith.constant dense<0.000000e+00> : vector<1xf32>
    %reduce_sum3A_549 = vector.multi_reduction <add>, %reduce_sum3A_547, %reduce_sum3A_548 [1, 2] : vector<1x1x128xf32> to vector<1xf32>
    %reduce_sum3A_550 = vector.shape_cast %reduce_sum3A_549 : vector<1xf32> to vector<1x1x1xf32>
    %reduce_sum3A_551 = vector.extract %reduce_sum3A_550[0, 0, 0] : f32 from vector<1x1x1xf32>
    %sqrt3A_552 = math.sqrt %reduce_sum3A_551 : f32
    %div3A_553 = vector.broadcast %sqrt3A_552 : f32 to vector<1x128xf32>
    %div3A_554 = arith.divf %get3A_7, %div3A_553 : vector<1x128xf32>
    %mul3A_555 = vector.broadcast %div3A_554 : vector<1x128xf32> to vector<256x128xf32>
    %mul3A_556 = arith.mulf %max3A_545, %mul3A_555 : vector<256x128xf32>
    %reduce_sum3A_557 = arith.constant dense<0.000000e+00> : vector<256xf32>
    %reduce_sum3A_558 = vector.multi_reduction <add>, %mul3A_556, %reduce_sum3A_557 [1] : vector<256x128xf32> to vector<256xf32>
    %broadcast_in_dim3A_559 = vector.shape_cast %reduce_sum3A_558 : vector<256xf32> to vector<256x1xf32>
    %gt3A_560 = arith.constant 0.000000e+00 : f32
    %gt3A_561 = vector.broadcast %gt3A_560 : f32 to vector<256x1xf32>
    %gt3A_562 = arith.cmpf ogt, %convert_element_type3A_523, %gt3A_561 : vector<256x1xf32>
    %jit3A_563 = arith.constant 0xFF800000 : f32
    %broadcast_in_dim3A_564 = vector.broadcast %jit3A_563 : f32 to vector<256x1xf32>
    %select_n3A_565 = arith.select %gt3A_562, %broadcast_in_dim3A_559, %broadcast_in_dim3A_564 : vector<256x1xi1>, vector<256x1xf32>
    %transpose3A_566 = tpu.transpose %select_n3A_565, [1, 0] : vector<256x1xf32> -> vector<1x256xf32>
    %gt3A_567 = vector.broadcast %select_n3A_565 : vector<256x1xf32> to vector<256x256xf32>
    %gt3A_568 = vector.broadcast %transpose3A_566 : vector<1x256xf32> to vector<256x256xf32>
    %gt3A_569 = arith.cmpf ogt, %gt3A_567, %gt3A_568 : vector<256x256xf32>
    %eq3A_570 = vector.broadcast %select_n3A_565 : vector<256x1xf32> to vector<256x256xf32>
    %eq3A_571 = vector.broadcast %transpose3A_566 : vector<1x256xf32> to vector<256x256xf32>
    %eq3A_572 = arith.cmpf oeq, %eq3A_570, %eq3A_571 : vector<256x256xf32>
    %lt3A_573 = arith.cmpi slt, %iota3A_516, %iota3A_517 : vector<256x256xi32>
    %and3A_574 = arith.andi %eq3A_572, %lt3A_573 : vector<256x256xi1>
    %or3A_575 = arith.ori %gt3A_569, %and3A_574 : vector<256x256xi1>
    %convert_element_type3A_576 = arith.extui %or3A_575 : vector<256x256xi1> to vector<256x256xi32>
    %reduce_sum3A_577 = arith.constant dense<0> : vector<256xi32>
    %reduce_sum3A_578 = vector.multi_reduction <add>, %convert_element_type3A_576, %reduce_sum3A_577 [0] : vector<256x256xi32> to vector<256xi32>
    %broadcast_in_dim3A_579 = vector.shape_cast %reduce_sum3A_578 : vector<256xi32> to vector<1x256xi32>
    %lt3A_580 = arith.constant 160 : i32
    %lt3A_581 = vector.broadcast %lt3A_580 : i32 to vector<1x256xi32>
    %lt3A_582 = arith.cmpi slt, %broadcast_in_dim3A_579, %lt3A_581 : vector<1x256xi32>
    %convert_element_type3A_583 = arith.extui %lt3A_582 : vector<1x256xi1> to vector<1x256xi32>
    %convert_element_type3A_584 = arith.sitofp %convert_element_type3A_583 : vector<1x256xi32> to vector<1x256xf32>
    %mul3A_585 = arith.mulf %transpose3A_524, %convert_element_type3A_584 : vector<1x256xf32>
    %transpose3A_586 = tpu.transpose %mul3A_585, [1, 0] : vector<1x256xf32> -> vector<256x1xf32>
    %tanh3A_587 = math.tanh %broadcast_in_dim3A_559 : vector<256x1xf32>
    %mul3A_588 = vector.broadcast %tanh3A_587 : vector<256x1xf32> to vector<256x128xf32>
    %mul3A_589 = arith.mulf %max3A_545, %mul3A_588 : vector<256x128xf32>
    %mul3A_590 = vector.broadcast %transpose3A_586 : vector<256x1xf32> to vector<256x128xf32>
    %mul3A_591 = arith.mulf %mul3A_589, %mul3A_590 : vector<256x128xf32>
    %mul3A_592 = vector.broadcast %transpose3A_586 : vector<256x1xf32> to vector<256x256xf32>
    %mul3A_593 = arith.mulf %concatenate3A_515, %mul3A_592 : vector<256x256xf32>
    %mul3A_594 = vector.broadcast %mul3A_585 : vector<1x256xf32> to vector<256x256xf32>
    %mul3A_595 = arith.mulf %mul3A_593, %mul3A_594 : vector<256x256xf32>
    %dot_general3A_596 = arith.constant dense<0.000000e+00> : vector<256x128xf32>
    %dot_general3A_597 = tpu.matmul %mul3A_591, %get3A_10, %dot_general3A_596 {dimension_numbers = #tpu.dot_dimension_numbers<[1], [0], [0], [1], [0, 0, 1, 1], [], []>, precision = #tpu.contract_precision<fp32>, transpose_lhs_hint = false} : vector<256x128xf32>, vector<128x128xf32>, vector<256x128xf32> -> vector<256x128xf32>
    %reduce_sum3A_598 = arith.constant dense<0.000000e+00> : vector<256xf32>
    %reduce_sum3A_599 = vector.multi_reduction <add>, %mul3A_595, %reduce_sum3A_598 [1] : vector<256x256xf32> to vector<256xf32>
    %broadcast_in_dim3A_600 = vector.shape_cast %reduce_sum3A_599 : vector<256xf32> to vector<256x1xf32>
    %add3A_601 = arith.constant 1.000000e+00 : f32
    %add3A_602 = vector.broadcast %add3A_601 : f32 to vector<256x1xf32>
    %add3A_603 = arith.addf %broadcast_in_dim3A_600, %add3A_602 : vector<256x1xf32>
    %rsqrt3A_604 = math.rsqrt %add3A_603 : vector<256x1xf32>
    %mul3A_605 = vector.broadcast %rsqrt3A_604 : vector<256x1xf32> to vector<256x128xf32>
    %mul3A_606 = arith.mulf %mul3A_605, %dot_general3A_597 : vector<256x128xf32>
    %dot_general3A_607 = arith.constant dense<0.000000e+00> : vector<256x128xf32>
    %dot_general3A_608 = tpu.matmul %mul3A_595, %mul3A_606, %dot_general3A_607 {dimension_numbers = #tpu.dot_dimension_numbers<[1], [0], [0], [1], [0, 0, 1, 1], [], []>, precision = #tpu.contract_precision<fp32>, transpose_lhs_hint = false} : vector<256x256xf32>, vector<256x128xf32>, vector<256x128xf32> -> vector<256x128xf32>
    %add3A_609 = arith.addf %dot_general3A_608, %mul3A_606 : vector<256x128xf32>
    %mul3A_610 = vector.broadcast %rsqrt3A_604 : vector<256x1xf32> to vector<256x128xf32>
    %mul3A_611 = arith.mulf %mul3A_610, %add3A_609 : vector<256x128xf32>
    %add3A_612 = vector.broadcast %get3A_13 : vector<1x128xf32> to vector<256x128xf32>
    %add3A_613 = arith.addf %mul3A_611, %add3A_612 : vector<256x128xf32>
    %max3A_614 = arith.constant 0.000000e+00 : f32
    %max3A_615 = vector.broadcast %max3A_614 : f32 to vector<256x128xf32>
    %max3A_616 = arith.maximumf %add3A_613, %max3A_615 : vector<256x128xf32>
    %mul3A_617 = arith.mulf %get3A_16, %get3A_16 : vector<1x128xf32>
    %reduce_sum3A_618 = vector.shape_cast %mul3A_617 : vector<1x128xf32> to vector<1x1x128xf32>
    %reduce_sum3A_619 = arith.constant dense<0.000000e+00> : vector<1xf32>
    %reduce_sum3A_620 = vector.multi_reduction <add>, %reduce_sum3A_618, %reduce_sum3A_619 [1, 2] : vector<1x1x128xf32> to vector<1xf32>
    %reduce_sum3A_621 = vector.shape_cast %reduce_sum3A_620 : vector<1xf32> to vector<1x1x1xf32>
    %reduce_sum3A_622 = vector.extract %reduce_sum3A_621[0, 0, 0] : f32 from vector<1x1x1xf32>
    %sqrt3A_623 = math.sqrt %reduce_sum3A_622 : f32
    %div3A_624 = vector.broadcast %sqrt3A_623 : f32 to vector<1x128xf32>
    %div3A_625 = arith.divf %get3A_16, %div3A_624 : vector<1x128xf32>
    %mul3A_626 = vector.broadcast %div3A_625 : vector<1x128xf32> to vector<256x128xf32>
    %mul3A_627 = arith.mulf %max3A_616, %mul3A_626 : vector<256x128xf32>
    %reduce_sum3A_628 = arith.constant dense<0.000000e+00> : vector<256xf32>
    %reduce_sum3A_629 = vector.multi_reduction <add>, %mul3A_627, %reduce_sum3A_628 [1] : vector<256x128xf32> to vector<256xf32>
    %broadcast_in_dim3A_630 = vector.shape_cast %reduce_sum3A_629 : vector<256xf32> to vector<256x1xf32>
    %gt3A_631 = arith.constant 0.000000e+00 : f32
    %gt3A_632 = vector.broadcast %gt3A_631 : f32 to vector<256x1xf32>
    %gt3A_633 = arith.cmpf ogt, %transpose3A_586, %gt3A_632 : vector<256x1xf32>
    %jit3A_634 = arith.constant 0xFF800000 : f32
    %broadcast_in_dim3A_635 = vector.broadcast %jit3A_634 : f32 to vector<256x1xf32>
    %select_n3A_636 = arith.select %gt3A_633, %broadcast_in_dim3A_630, %broadcast_in_dim3A_635 : vector<256x1xi1>, vector<256x1xf32>
    %transpose3A_637 = tpu.transpose %select_n3A_636, [1, 0] : vector<256x1xf32> -> vector<1x256xf32>
    %gt3A_638 = vector.broadcast %select_n3A_636 : vector<256x1xf32> to vector<256x256xf32>
    %gt3A_639 = vector.broadcast %transpose3A_637 : vector<1x256xf32> to vector<256x256xf32>
    %gt3A_640 = arith.cmpf ogt, %gt3A_638, %gt3A_639 : vector<256x256xf32>
    %eq3A_641 = vector.broadcast %select_n3A_636 : vector<256x1xf32> to vector<256x256xf32>
    %eq3A_642 = vector.broadcast %transpose3A_637 : vector<1x256xf32> to vector<256x256xf32>
    %eq3A_643 = arith.cmpf oeq, %eq3A_641, %eq3A_642 : vector<256x256xf32>
    %lt3A_644 = arith.cmpi slt, %iota3A_516, %iota3A_517 : vector<256x256xi32>
    %and3A_645 = arith.andi %eq3A_643, %lt3A_644 : vector<256x256xi1>
    %or3A_646 = arith.ori %gt3A_640, %and3A_645 : vector<256x256xi1>
    %convert_element_type3A_647 = arith.extui %or3A_646 : vector<256x256xi1> to vector<256x256xi32>
    %reduce_sum3A_648 = arith.constant dense<0> : vector<256xi32>
    %reduce_sum3A_649 = vector.multi_reduction <add>, %convert_element_type3A_647, %reduce_sum3A_648 [0] : vector<256x256xi32> to vector<256xi32>
    %broadcast_in_dim3A_650 = vector.shape_cast %reduce_sum3A_649 : vector<256xi32> to vector<1x256xi32>
    %lt3A_651 = arith.constant 128 : i32
    %lt3A_652 = vector.broadcast %lt3A_651 : i32 to vector<1x256xi32>
    %lt3A_653 = arith.cmpi slt, %broadcast_in_dim3A_650, %lt3A_652 : vector<1x256xi32>
    %convert_element_type3A_654 = arith.extui %lt3A_653 : vector<1x256xi1> to vector<1x256xi32>
    %convert_element_type3A_655 = arith.sitofp %convert_element_type3A_654 : vector<1x256xi32> to vector<1x256xf32>
    %mul3A_656 = arith.mulf %mul3A_585, %convert_element_type3A_655 : vector<1x256xf32>
    %transpose3A_657 = tpu.transpose %mul3A_656, [1, 0] : vector<1x256xf32> -> vector<256x1xf32>
    %tanh3A_658 = math.tanh %broadcast_in_dim3A_630 : vector<256x1xf32>
    %mul3A_659 = vector.broadcast %tanh3A_658 : vector<256x1xf32> to vector<256x128xf32>
    %mul3A_660 = arith.mulf %max3A_616, %mul3A_659 : vector<256x128xf32>
    %mul3A_661 = vector.broadcast %transpose3A_657 : vector<256x1xf32> to vector<256x128xf32>
    %mul3A_662 = arith.mulf %mul3A_660, %mul3A_661 : vector<256x128xf32>
    %mul3A_663 = vector.broadcast %transpose3A_657 : vector<256x1xf32> to vector<256x256xf32>
    %mul3A_664 = arith.mulf %mul3A_595, %mul3A_663 : vector<256x256xf32>
    %mul3A_665 = vector.broadcast %mul3A_656 : vector<1x256xf32> to vector<256x256xf32>
    %mul3A_666 = arith.mulf %mul3A_664, %mul3A_665 : vector<256x256xf32>
    %dot_general3A_667 = arith.constant dense<0.000000e+00> : vector<256x128xf32>
    %dot_general3A_668 = tpu.matmul %mul3A_662, %get3A_19, %dot_general3A_667 {dimension_numbers = #tpu.dot_dimension_numbers<[1], [0], [0], [1], [0, 0, 1, 1], [], []>, precision = #tpu.contract_precision<fp32>, transpose_lhs_hint = false} : vector<256x128xf32>, vector<128x128xf32>, vector<256x128xf32> -> vector<256x128xf32>
    %reduce_sum3A_669 = arith.constant dense<0.000000e+00> : vector<256xf32>
    %reduce_sum3A_670 = vector.multi_reduction <add>, %mul3A_666, %reduce_sum3A_669 [1] : vector<256x256xf32> to vector<256xf32>
    %broadcast_in_dim3A_671 = vector.shape_cast %reduce_sum3A_670 : vector<256xf32> to vector<256x1xf32>
    %add3A_672 = arith.constant 1.000000e+00 : f32
    %add3A_673 = vector.broadcast %add3A_672 : f32 to vector<256x1xf32>
    %add3A_674 = arith.addf %broadcast_in_dim3A_671, %add3A_673 : vector<256x1xf32>
    %rsqrt3A_675 = math.rsqrt %add3A_674 : vector<256x1xf32>
    %mul3A_676 = vector.broadcast %rsqrt3A_675 : vector<256x1xf32> to vector<256x128xf32>
    %mul3A_677 = arith.mulf %mul3A_676, %dot_general3A_668 : vector<256x128xf32>
    %dot_general3A_678 = arith.constant dense<0.000000e+00> : vector<256x128xf32>
    %dot_general3A_679 = tpu.matmul %mul3A_666, %mul3A_677, %dot_general3A_678 {dimension_numbers = #tpu.dot_dimension_numbers<[1], [0], [0], [1], [0, 0, 1, 1], [], []>, precision = #tpu.contract_precision<fp32>, transpose_lhs_hint = false} : vector<256x256xf32>, vector<256x128xf32>, vector<256x128xf32> -> vector<256x128xf32>
    %add3A_680 = arith.addf %dot_general3A_679, %mul3A_677 : vector<256x128xf32>
    %mul3A_681 = vector.broadcast %rsqrt3A_675 : vector<256x1xf32> to vector<256x128xf32>
    %mul3A_682 = arith.mulf %mul3A_681, %add3A_680 : vector<256x128xf32>
    %add3A_683 = vector.broadcast %get3A_22 : vector<1x128xf32> to vector<256x128xf32>
    %add3A_684 = arith.addf %mul3A_682, %add3A_683 : vector<256x128xf32>
    %max3A_685 = arith.constant 0.000000e+00 : f32
    %max3A_686 = vector.broadcast %max3A_685 : f32 to vector<256x128xf32>
    %max3A_687 = arith.maximumf %add3A_684, %max3A_686 : vector<256x128xf32>
    %mul3A_688 = arith.mulf %get3A_25, %get3A_25 : vector<1x128xf32>
    %reduce_sum3A_689 = vector.shape_cast %mul3A_688 : vector<1x128xf32> to vector<1x1x128xf32>
    %reduce_sum3A_690 = arith.constant dense<0.000000e+00> : vector<1xf32>
    %reduce_sum3A_691 = vector.multi_reduction <add>, %reduce_sum3A_689, %reduce_sum3A_690 [1, 2] : vector<1x1x128xf32> to vector<1xf32>
    %reduce_sum3A_692 = vector.shape_cast %reduce_sum3A_691 : vector<1xf32> to vector<1x1x1xf32>
    %reduce_sum3A_693 = vector.extract %reduce_sum3A_692[0, 0, 0] : f32 from vector<1x1x1xf32>
    %sqrt3A_694 = math.sqrt %reduce_sum3A_693 : f32
    %div3A_695 = vector.broadcast %sqrt3A_694 : f32 to vector<1x128xf32>
    %div3A_696 = arith.divf %get3A_25, %div3A_695 : vector<1x128xf32>
    %mul3A_697 = vector.broadcast %div3A_696 : vector<1x128xf32> to vector<256x128xf32>
    %mul3A_698 = arith.mulf %max3A_687, %mul3A_697 : vector<256x128xf32>
    %reduce_sum3A_699 = arith.constant dense<0.000000e+00> : vector<256xf32>
    %reduce_sum3A_700 = vector.multi_reduction <add>, %mul3A_698, %reduce_sum3A_699 [1] : vector<256x128xf32> to vector<256xf32>
    %broadcast_in_dim3A_701 = vector.shape_cast %reduce_sum3A_700 : vector<256xf32> to vector<256x1xf32>
    %gt3A_702 = arith.constant 0.000000e+00 : f32
    %gt3A_703 = vector.broadcast %gt3A_702 : f32 to vector<256x1xf32>
    %gt3A_704 = arith.cmpf ogt, %transpose3A_657, %gt3A_703 : vector<256x1xf32>
    %jit3A_705 = arith.constant 0xFF800000 : f32
    %broadcast_in_dim3A_706 = vector.broadcast %jit3A_705 : f32 to vector<256x1xf32>
    %select_n3A_707 = arith.select %gt3A_704, %broadcast_in_dim3A_701, %broadcast_in_dim3A_706 : vector<256x1xi1>, vector<256x1xf32>
    %transpose3A_708 = tpu.transpose %select_n3A_707, [1, 0] : vector<256x1xf32> -> vector<1x256xf32>
    %gt3A_709 = vector.broadcast %select_n3A_707 : vector<256x1xf32> to vector<256x256xf32>
    %gt3A_710 = vector.broadcast %transpose3A_708 : vector<1x256xf32> to vector<256x256xf32>
    %gt3A_711 = arith.cmpf ogt, %gt3A_709, %gt3A_710 : vector<256x256xf32>
    %eq3A_712 = vector.broadcast %select_n3A_707 : vector<256x1xf32> to vector<256x256xf32>
    %eq3A_713 = vector.broadcast %transpose3A_708 : vector<1x256xf32> to vector<256x256xf32>
    %eq3A_714 = arith.cmpf oeq, %eq3A_712, %eq3A_713 : vector<256x256xf32>
    %lt3A_715 = arith.cmpi slt, %iota3A_516, %iota3A_517 : vector<256x256xi32>
    %and3A_716 = arith.andi %eq3A_714, %lt3A_715 : vector<256x256xi1>
    %or3A_717 = arith.ori %gt3A_711, %and3A_716 : vector<256x256xi1>
    %convert_element_type3A_718 = arith.extui %or3A_717 : vector<256x256xi1> to vector<256x256xi32>
    %reduce_sum3A_719 = arith.constant dense<0> : vector<256xi32>
    %reduce_sum3A_720 = vector.multi_reduction <add>, %convert_element_type3A_718, %reduce_sum3A_719 [0] : vector<256x256xi32> to vector<256xi32>
    %broadcast_in_dim3A_721 = vector.shape_cast %reduce_sum3A_720 : vector<256xi32> to vector<1x256xi32>
    %lt3A_722 = arith.constant 103 : i32
    %lt3A_723 = vector.broadcast %lt3A_722 : i32 to vector<1x256xi32>
    %lt3A_724 = arith.cmpi slt, %broadcast_in_dim3A_721, %lt3A_723 : vector<1x256xi32>
    %convert_element_type3A_725 = arith.extui %lt3A_724 : vector<1x256xi1> to vector<1x256xi32>
    %convert_element_type3A_726 = arith.sitofp %convert_element_type3A_725 : vector<1x256xi32> to vector<1x256xf32>
    %mul3A_727 = arith.mulf %mul3A_656, %convert_element_type3A_726 : vector<1x256xf32>
    %transpose3A_728 = tpu.transpose %mul3A_727, [1, 0] : vector<1x256xf32> -> vector<256x1xf32>
    %tanh3A_729 = math.tanh %broadcast_in_dim3A_701 : vector<256x1xf32>
    %mul3A_730 = vector.broadcast %tanh3A_729 : vector<256x1xf32> to vector<256x128xf32>
    %mul3A_731 = arith.mulf %max3A_687, %mul3A_730 : vector<256x128xf32>
    %mul3A_732 = vector.broadcast %transpose3A_728 : vector<256x1xf32> to vector<256x128xf32>
    %mul3A_733 = arith.mulf %mul3A_731, %mul3A_732 : vector<256x128xf32>
    %reduce_sum3A_734 = arith.constant dense<0.000000e+00> : vector<128xf32>
    %reduce_sum3A_735 = vector.multi_reduction <add>, %mul3A_733, %reduce_sum3A_734 [0] : vector<256x128xf32> to vector<128xf32>
    %broadcast_in_dim3A_736 = vector.shape_cast %reduce_sum3A_735 : vector<128xf32> to vector<1x128xf32>
    %mul3A_737 = arith.constant 0.00970873795 : f32
    %mul3A_738 = vector.broadcast %mul3A_737 : f32 to vector<1x128xf32>
    %mul3A_739 = arith.mulf %broadcast_in_dim3A_736, %mul3A_738 : vector<1x128xf32>
    %broadcast_in_dim3A_740 = vector.shape_cast %mul3A_739 : vector<1x128xf32> to vector<1x128xf32>
    %broadcast_in_dim3A_741 = vector.broadcast %broadcast_in_dim3A_740 : vector<1x128xf32> to vector<8x128xf32>
    %swap3A_742 = arith.constant 2 : index
    %swap3A_743 = arith.constant 0 : index
    %swap3A_744 = arith.constant 0 : index
    %swap3A_745 = vector.load %arg12[%swap3A_742, %swap3A_743, %swap3A_744] : memref<10x8x128xf32, #tpu.memory_space<vmem>>, vector<1x8x128xf32>
    %swap3A_746 = vector.shape_cast %swap3A_745 : vector<1x8x128xf32> to vector<8x128xf32>
    %swap3A_747 = vector.shape_cast %broadcast_in_dim3A_741 : vector<8x128xf32> to vector<1x8x128xf32>
    tpu.vector_store %arg12[%swap3A_742, %swap3A_743, %swap3A_744], %swap3A_747 {strides = array<i32>} : memref<10x8x128xf32, #tpu.memory_space<vmem>>, vector<1x8x128xf32>,
    %get3A_748 = arith.constant 3 : index
    %get3A_749 = arith.constant 0 : index
    %get3A_750 = arith.constant 0 : index
    %get3A_751 = vector.load %arg1[%get3A_748, %get3A_749, %get3A_750] : memref<10x200x128xf32, #tpu.memory_space<vmem>>, vector<1x200x128xf32>
    %get3A_752 = vector.shape_cast %get3A_751 : vector<1x200x128xf32> to vector<200x128xf32>
    %get3A_753 = arith.constant 3 : index
    %get3A_754 = arith.constant 0 : index
    %get3A_755 = arith.constant 0 : index
    %get3A_756 = vector.load %arg2[%get3A_753, %get3A_754, %get3A_755] : memref<10x200x256xf32, #tpu.memory_space<vmem>>, vector<1x200x256xf32>
    %get3A_757 = vector.shape_cast %get3A_756 : vector<1x200x256xf32> to vector<200x256xf32>
    %broadcast_in_dim3A_758 = arith.constant 0.000000e+00 : f32
    %broadcast_in_dim3A_759 = vector.broadcast %broadcast_in_dim3A_758 : f32 to vector<56x128xf32>
    %concatenate3A_760 = tpu.concatenate %get3A_752, %broadcast_in_dim3A_759 in 0 : vector<200x128xf32>, vector<56x128xf32> -> vector<256x128xf32>
    %broadcast_in_dim3A_761 = arith.constant 0.000000e+00 : f32
    %broadcast_in_dim3A_762 = vector.broadcast %broadcast_in_dim3A_761 : f32 to vector<56x256xf32>
    %concatenate3A_763 = tpu.concatenate %get3A_757, %broadcast_in_dim3A_762 in 0 : vector<200x256xf32>, vector<56x256xf32> -> vector<256x256xf32>
    %iota3A_764 = tpu.iota {dimensions = array<i32: 0>} : vector<256x256xi32>
    %iota3A_765 = tpu.iota {dimensions = array<i32: 1>} : vector<256x256xi32>
    %iota3A_766 = tpu.iota {dimensions = array<i32: 0>} : vector<256x1xi32>
    %lt3A_767 = arith.constant 200 : i32
    %lt3A_768 = vector.broadcast %lt3A_767 : i32 to vector<256x1xi32>
    %lt3A_769 = arith.cmpi slt, %iota3A_766, %lt3A_768 : vector<256x1xi32>
    %convert_element_type3A_770 = arith.extui %lt3A_769 : vector<256x1xi1> to vector<256x1xi32>
    %convert_element_type3A_771 = arith.sitofp %convert_element_type3A_770 : vector<256x1xi32> to vector<256x1xf32>
    %transpose3A_772 = tpu.transpose %convert_element_type3A_771, [1, 0] : vector<256x1xf32> -> vector<1x256xf32>
    %dot_general3A_773 = arith.constant dense<0.000000e+00> : vector<256x128xf32>
    %dot_general3A_774 = tpu.matmul %concatenate3A_760, %get3A_1, %dot_general3A_773 {dimension_numbers = #tpu.dot_dimension_numbers<[1], [0], [0], [1], [0, 0, 1, 1], [], []>, precision = #tpu.contract_precision<fp32>, transpose_lhs_hint = false} : vector<256x128xf32>, vector<128x128xf32>, vector<256x128xf32> -> vector<256x128xf32>
    %reduce_sum3A_775 = arith.constant dense<0.000000e+00> : vector<256xf32>
    %reduce_sum3A_776 = vector.multi_reduction <add>, %concatenate3A_763, %reduce_sum3A_775 [1] : vector<256x256xf32> to vector<256xf32>
    %broadcast_in_dim3A_777 = vector.shape_cast %reduce_sum3A_776 : vector<256xf32> to vector<256x1xf32>
    %add3A_778 = arith.constant 1.000000e+00 : f32
    %add3A_779 = vector.broadcast %add3A_778 : f32 to vector<256x1xf32>
    %add3A_780 = arith.addf %broadcast_in_dim3A_777, %add3A_779 : vector<256x1xf32>
    %rsqrt3A_781 = math.rsqrt %add3A_780 : vector<256x1xf32>
    %mul3A_782 = vector.broadcast %rsqrt3A_781 : vector<256x1xf32> to vector<256x128xf32>
    %mul3A_783 = arith.mulf %mul3A_782, %dot_general3A_774 : vector<256x128xf32>
    %dot_general3A_784 = arith.constant dense<0.000000e+00> : vector<256x128xf32>
    %dot_general3A_785 = tpu.matmul %concatenate3A_763, %mul3A_783, %dot_general3A_784 {dimension_numbers = #tpu.dot_dimension_numbers<[1], [0], [0], [1], [0, 0, 1, 1], [], []>, precision = #tpu.contract_precision<fp32>, transpose_lhs_hint = false} : vector<256x256xf32>, vector<256x128xf32>, vector<256x128xf32> -> vector<256x128xf32>
    %add3A_786 = arith.addf %dot_general3A_785, %mul3A_783 : vector<256x128xf32>
    %mul3A_787 = vector.broadcast %rsqrt3A_781 : vector<256x1xf32> to vector<256x128xf32>
    %mul3A_788 = arith.mulf %mul3A_787, %add3A_786 : vector<256x128xf32>
    %add3A_789 = vector.broadcast %get3A_4 : vector<1x128xf32> to vector<256x128xf32>
    %add3A_790 = arith.addf %mul3A_788, %add3A_789 : vector<256x128xf32>
    %max3A_791 = arith.constant 0.000000e+00 : f32
    %max3A_792 = vector.broadcast %max3A_791 : f32 to vector<256x128xf32>
    %max3A_793 = arith.maximumf %add3A_790, %max3A_792 : vector<256x128xf32>
    %mul3A_794 = arith.mulf %get3A_7, %get3A_7 : vector<1x128xf32>
    %reduce_sum3A_795 = vector.shape_cast %mul3A_794 : vector<1x128xf32> to vector<1x1x128xf32>
    %reduce_sum3A_796 = arith.constant dense<0.000000e+00> : vector<1xf32>
    %reduce_sum3A_797 = vector.multi_reduction <add>, %reduce_sum3A_795, %reduce_sum3A_796 [1, 2] : vector<1x1x128xf32> to vector<1xf32>
    %reduce_sum3A_798 = vector.shape_cast %reduce_sum3A_797 : vector<1xf32> to vector<1x1x1xf32>
    %reduce_sum3A_799 = vector.extract %reduce_sum3A_798[0, 0, 0] : f32 from vector<1x1x1xf32>
    %sqrt3A_800 = math.sqrt %reduce_sum3A_799 : f32
    %div3A_801 = vector.broadcast %sqrt3A_800 : f32 to vector<1x128xf32>
    %div3A_802 = arith.divf %get3A_7, %div3A_801 : vector<1x128xf32>
    %mul3A_803 = vector.broadcast %div3A_802 : vector<1x128xf32> to vector<256x128xf32>
    %mul3A_804 = arith.mulf %max3A_793, %mul3A_803 : vector<256x128xf32>
    %reduce_sum3A_805 = arith.constant dense<0.000000e+00> : vector<256xf32>
    %reduce_sum3A_806 = vector.multi_reduction <add>, %mul3A_804, %reduce_sum3A_805 [1] : vector<256x128xf32> to vector<256xf32>
    %broadcast_in_dim3A_807 = vector.shape_cast %reduce_sum3A_806 : vector<256xf32> to vector<256x1xf32>
    %gt3A_808 = arith.constant 0.000000e+00 : f32
    %gt3A_809 = vector.broadcast %gt3A_808 : f32 to vector<256x1xf32>
    %gt3A_810 = arith.cmpf ogt, %convert_element_type3A_771, %gt3A_809 : vector<256x1xf32>
    %jit3A_811 = arith.constant 0xFF800000 : f32
    %broadcast_in_dim3A_812 = vector.broadcast %jit3A_811 : f32 to vector<256x1xf32>
    %select_n3A_813 = arith.select %gt3A_810, %broadcast_in_dim3A_807, %broadcast_in_dim3A_812 : vector<256x1xi1>, vector<256x1xf32>
    %transpose3A_814 = tpu.transpose %select_n3A_813, [1, 0] : vector<256x1xf32> -> vector<1x256xf32>
    %gt3A_815 = vector.broadcast %select_n3A_813 : vector<256x1xf32> to vector<256x256xf32>
    %gt3A_816 = vector.broadcast %transpose3A_814 : vector<1x256xf32> to vector<256x256xf32>
    %gt3A_817 = arith.cmpf ogt, %gt3A_815, %gt3A_816 : vector<256x256xf32>
    %eq3A_818 = vector.broadcast %select_n3A_813 : vector<256x1xf32> to vector<256x256xf32>
    %eq3A_819 = vector.broadcast %transpose3A_814 : vector<1x256xf32> to vector<256x256xf32>
    %eq3A_820 = arith.cmpf oeq, %eq3A_818, %eq3A_819 : vector<256x256xf32>
    %lt3A_821 = arith.cmpi slt, %iota3A_764, %iota3A_765 : vector<256x256xi32>
    %and3A_822 = arith.andi %eq3A_820, %lt3A_821 : vector<256x256xi1>
    %or3A_823 = arith.ori %gt3A_817, %and3A_822 : vector<256x256xi1>
    %convert_element_type3A_824 = arith.extui %or3A_823 : vector<256x256xi1> to vector<256x256xi32>
    %reduce_sum3A_825 = arith.constant dense<0> : vector<256xi32>
    %reduce_sum3A_826 = vector.multi_reduction <add>, %convert_element_type3A_824, %reduce_sum3A_825 [0] : vector<256x256xi32> to vector<256xi32>
    %broadcast_in_dim3A_827 = vector.shape_cast %reduce_sum3A_826 : vector<256xi32> to vector<1x256xi32>
    %lt3A_828 = arith.constant 160 : i32
    %lt3A_829 = vector.broadcast %lt3A_828 : i32 to vector<1x256xi32>
    %lt3A_830 = arith.cmpi slt, %broadcast_in_dim3A_827, %lt3A_829 : vector<1x256xi32>
    %convert_element_type3A_831 = arith.extui %lt3A_830 : vector<1x256xi1> to vector<1x256xi32>
    %convert_element_type3A_832 = arith.sitofp %convert_element_type3A_831 : vector<1x256xi32> to vector<1x256xf32>
    %mul3A_833 = arith.mulf %transpose3A_772, %convert_element_type3A_832 : vector<1x256xf32>
    %transpose3A_834 = tpu.transpose %mul3A_833, [1, 0] : vector<1x256xf32> -> vector<256x1xf32>
    %tanh3A_835 = math.tanh %broadcast_in_dim3A_807 : vector<256x1xf32>
    %mul3A_836 = vector.broadcast %tanh3A_835 : vector<256x1xf32> to vector<256x128xf32>
    %mul3A_837 = arith.mulf %max3A_793, %mul3A_836 : vector<256x128xf32>
    %mul3A_838 = vector.broadcast %transpose3A_834 : vector<256x1xf32> to vector<256x128xf32>
    %mul3A_839 = arith.mulf %mul3A_837, %mul3A_838 : vector<256x128xf32>
    %mul3A_840 = vector.broadcast %transpose3A_834 : vector<256x1xf32> to vector<256x256xf32>
    %mul3A_841 = arith.mulf %concatenate3A_763, %mul3A_840 : vector<256x256xf32>
    %mul3A_842 = vector.broadcast %mul3A_833 : vector<1x256xf32> to vector<256x256xf32>
    %mul3A_843 = arith.mulf %mul3A_841, %mul3A_842 : vector<256x256xf32>
    %dot_general3A_844 = arith.constant dense<0.000000e+00> : vector<256x128xf32>
    %dot_general3A_845 = tpu.matmul %mul3A_839, %get3A_10, %dot_general3A_844 {dimension_numbers = #tpu.dot_dimension_numbers<[1], [0], [0], [1], [0, 0, 1, 1], [], []>, precision = #tpu.contract_precision<fp32>, transpose_lhs_hint = false} : vector<256x128xf32>, vector<128x128xf32>, vector<256x128xf32> -> vector<256x128xf32>
    %reduce_sum3A_846 = arith.constant dense<0.000000e+00> : vector<256xf32>
    %reduce_sum3A_847 = vector.multi_reduction <add>, %mul3A_843, %reduce_sum3A_846 [1] : vector<256x256xf32> to vector<256xf32>
    %broadcast_in_dim3A_848 = vector.shape_cast %reduce_sum3A_847 : vector<256xf32> to vector<256x1xf32>
    %add3A_849 = arith.constant 1.000000e+00 : f32
    %add3A_850 = vector.broadcast %add3A_849 : f32 to vector<256x1xf32>
    %add3A_851 = arith.addf %broadcast_in_dim3A_848, %add3A_850 : vector<256x1xf32>
    %rsqrt3A_852 = math.rsqrt %add3A_851 : vector<256x1xf32>
    %mul3A_853 = vector.broadcast %rsqrt3A_852 : vector<256x1xf32> to vector<256x128xf32>
    %mul3A_854 = arith.mulf %mul3A_853, %dot_general3A_845 : vector<256x128xf32>
    %dot_general3A_855 = arith.constant dense<0.000000e+00> : vector<256x128xf32>
    %dot_general3A_856 = tpu.matmul %mul3A_843, %mul3A_854, %dot_general3A_855 {dimension_numbers = #tpu.dot_dimension_numbers<[1], [0], [0], [1], [0, 0, 1, 1], [], []>, precision = #tpu.contract_precision<fp32>, transpose_lhs_hint = false} : vector<256x256xf32>, vector<256x128xf32>, vector<256x128xf32> -> vector<256x128xf32>
    %add3A_857 = arith.addf %dot_general3A_856, %mul3A_854 : vector<256x128xf32>
    %mul3A_858 = vector.broadcast %rsqrt3A_852 : vector<256x1xf32> to vector<256x128xf32>
    %mul3A_859 = arith.mulf %mul3A_858, %add3A_857 : vector<256x128xf32>
    %add3A_860 = vector.broadcast %get3A_13 : vector<1x128xf32> to vector<256x128xf32>
    %add3A_861 = arith.addf %mul3A_859, %add3A_860 : vector<256x128xf32>
    %max3A_862 = arith.constant 0.000000e+00 : f32
    %max3A_863 = vector.broadcast %max3A_862 : f32 to vector<256x128xf32>
    %max3A_864 = arith.maximumf %add3A_861, %max3A_863 : vector<256x128xf32>
    %mul3A_865 = arith.mulf %get3A_16, %get3A_16 : vector<1x128xf32>
    %reduce_sum3A_866 = vector.shape_cast %mul3A_865 : vector<1x128xf32> to vector<1x1x128xf32>
    %reduce_sum3A_867 = arith.constant dense<0.000000e+00> : vector<1xf32>
    %reduce_sum3A_868 = vector.multi_reduction <add>, %reduce_sum3A_866, %reduce_sum3A_867 [1, 2] : vector<1x1x128xf32> to vector<1xf32>
    %reduce_sum3A_869 = vector.shape_cast %reduce_sum3A_868 : vector<1xf32> to vector<1x1x1xf32>
    %reduce_sum3A_870 = vector.extract %reduce_sum3A_869[0, 0, 0] : f32 from vector<1x1x1xf32>
    %sqrt3A_871 = math.sqrt %reduce_sum3A_870 : f32
    %div3A_872 = vector.broadcast %sqrt3A_871 : f32 to vector<1x128xf32>
    %div3A_873 = arith.divf %get3A_16, %div3A_872 : vector<1x128xf32>
    %mul3A_874 = vector.broadcast %div3A_873 : vector<1x128xf32> to vector<256x128xf32>
    %mul3A_875 = arith.mulf %max3A_864, %mul3A_874 : vector<256x128xf32>
    %reduce_sum3A_876 = arith.constant dense<0.000000e+00> : vector<256xf32>
    %reduce_sum3A_877 = vector.multi_reduction <add>, %mul3A_875, %reduce_sum3A_876 [1] : vector<256x128xf32> to vector<256xf32>
    %broadcast_in_dim3A_878 = vector.shape_cast %reduce_sum3A_877 : vector<256xf32> to vector<256x1xf32>
    %gt3A_879 = arith.constant 0.000000e+00 : f32
    %gt3A_880 = vector.broadcast %gt3A_879 : f32 to vector<256x1xf32>
    %gt3A_881 = arith.cmpf ogt, %transpose3A_834, %gt3A_880 : vector<256x1xf32>
    %jit3A_882 = arith.constant 0xFF800000 : f32
    %broadcast_in_dim3A_883 = vector.broadcast %jit3A_882 : f32 to vector<256x1xf32>
    %select_n3A_884 = arith.select %gt3A_881, %broadcast_in_dim3A_878, %broadcast_in_dim3A_883 : vector<256x1xi1>, vector<256x1xf32>
    %transpose3A_885 = tpu.transpose %select_n3A_884, [1, 0] : vector<256x1xf32> -> vector<1x256xf32>
    %gt3A_886 = vector.broadcast %select_n3A_884 : vector<256x1xf32> to vector<256x256xf32>
    %gt3A_887 = vector.broadcast %transpose3A_885 : vector<1x256xf32> to vector<256x256xf32>
    %gt3A_888 = arith.cmpf ogt, %gt3A_886, %gt3A_887 : vector<256x256xf32>
    %eq3A_889 = vector.broadcast %select_n3A_884 : vector<256x1xf32> to vector<256x256xf32>
    %eq3A_890 = vector.broadcast %transpose3A_885 : vector<1x256xf32> to vector<256x256xf32>
    %eq3A_891 = arith.cmpf oeq, %eq3A_889, %eq3A_890 : vector<256x256xf32>
    %lt3A_892 = arith.cmpi slt, %iota3A_764, %iota3A_765 : vector<256x256xi32>
    %and3A_893 = arith.andi %eq3A_891, %lt3A_892 : vector<256x256xi1>
    %or3A_894 = arith.ori %gt3A_888, %and3A_893 : vector<256x256xi1>
    %convert_element_type3A_895 = arith.extui %or3A_894 : vector<256x256xi1> to vector<256x256xi32>
    %reduce_sum3A_896 = arith.constant dense<0> : vector<256xi32>
    %reduce_sum3A_897 = vector.multi_reduction <add>, %convert_element_type3A_895, %reduce_sum3A_896 [0] : vector<256x256xi32> to vector<256xi32>
    %broadcast_in_dim3A_898 = vector.shape_cast %reduce_sum3A_897 : vector<256xi32> to vector<1x256xi32>
    %lt3A_899 = arith.constant 128 : i32
    %lt3A_900 = vector.broadcast %lt3A_899 : i32 to vector<1x256xi32>
    %lt3A_901 = arith.cmpi slt, %broadcast_in_dim3A_898, %lt3A_900 : vector<1x256xi32>
    %convert_element_type3A_902 = arith.extui %lt3A_901 : vector<1x256xi1> to vector<1x256xi32>
    %convert_element_type3A_903 = arith.sitofp %convert_element_type3A_902 : vector<1x256xi32> to vector<1x256xf32>
    %mul3A_904 = arith.mulf %mul3A_833, %convert_element_type3A_903 : vector<1x256xf32>
    %transpose3A_905 = tpu.transpose %mul3A_904, [1, 0] : vector<1x256xf32> -> vector<256x1xf32>
    %tanh3A_906 = math.tanh %broadcast_in_dim3A_878 : vector<256x1xf32>
    %mul3A_907 = vector.broadcast %tanh3A_906 : vector<256x1xf32> to vector<256x128xf32>
    %mul3A_908 = arith.mulf %max3A_864, %mul3A_907 : vector<256x128xf32>
    %mul3A_909 = vector.broadcast %transpose3A_905 : vector<256x1xf32> to vector<256x128xf32>
    %mul3A_910 = arith.mulf %mul3A_908, %mul3A_909 : vector<256x128xf32>
    %mul3A_911 = vector.broadcast %transpose3A_905 : vector<256x1xf32> to vector<256x256xf32>
    %mul3A_912 = arith.mulf %mul3A_843, %mul3A_911 : vector<256x256xf32>
    %mul3A_913 = vector.broadcast %mul3A_904 : vector<1x256xf32> to vector<256x256xf32>
    %mul3A_914 = arith.mulf %mul3A_912, %mul3A_913 : vector<256x256xf32>
    %dot_general3A_915 = arith.constant dense<0.000000e+00> : vector<256x128xf32>
    %dot_general3A_916 = tpu.matmul %mul3A_910, %get3A_19, %dot_general3A_915 {dimension_numbers = #tpu.dot_dimension_numbers<[1], [0], [0], [1], [0, 0, 1, 1], [], []>, precision = #tpu.contract_precision<fp32>, transpose_lhs_hint = false} : vector<256x128xf32>, vector<128x128xf32>, vector<256x128xf32> -> vector<256x128xf32>
    %reduce_sum3A_917 = arith.constant dense<0.000000e+00> : vector<256xf32>
    %reduce_sum3A_918 = vector.multi_reduction <add>, %mul3A_914, %reduce_sum3A_917 [1] : vector<256x256xf32> to vector<256xf32>
    %broadcast_in_dim3A_919 = vector.shape_cast %reduce_sum3A_918 : vector<256xf32> to vector<256x1xf32>
    %add3A_920 = arith.constant 1.000000e+00 : f32
    %add3A_921 = vector.broadcast %add3A_920 : f32 to vector<256x1xf32>
    %add3A_922 = arith.addf %broadcast_in_dim3A_919, %add3A_921 : vector<256x1xf32>
    %rsqrt3A_923 = math.rsqrt %add3A_922 : vector<256x1xf32>
    %mul3A_924 = vector.broadcast %rsqrt3A_923 : vector<256x1xf32> to vector<256x128xf32>
    %mul3A_925 = arith.mulf %mul3A_924, %dot_general3A_916 : vector<256x128xf32>
    %dot_general3A_926 = arith.constant dense<0.000000e+00> : vector<256x128xf32>
    %dot_general3A_927 = tpu.matmul %mul3A_914, %mul3A_925, %dot_general3A_926 {dimension_numbers = #tpu.dot_dimension_numbers<[1], [0], [0], [1], [0, 0, 1, 1], [], []>, precision = #tpu.contract_precision<fp32>, transpose_lhs_hint = false} : vector<256x256xf32>, vector<256x128xf32>, vector<256x128xf32> -> vector<256x128xf32>
    %add3A_928 = arith.addf %dot_general3A_927, %mul3A_925 : vector<256x128xf32>
    %mul3A_929 = vector.broadcast %rsqrt3A_923 : vector<256x1xf32> to vector<256x128xf32>
    %mul3A_930 = arith.mulf %mul3A_929, %add3A_928 : vector<256x128xf32>
    %add3A_931 = vector.broadcast %get3A_22 : vector<1x128xf32> to vector<256x128xf32>
    %add3A_932 = arith.addf %mul3A_930, %add3A_931 : vector<256x128xf32>
    %max3A_933 = arith.constant 0.000000e+00 : f32
    %max3A_934 = vector.broadcast %max3A_933 : f32 to vector<256x128xf32>
    %max3A_935 = arith.maximumf %add3A_932, %max3A_934 : vector<256x128xf32>
    %mul3A_936 = arith.mulf %get3A_25, %get3A_25 : vector<1x128xf32>
    %reduce_sum3A_937 = vector.shape_cast %mul3A_936 : vector<1x128xf32> to vector<1x1x128xf32>
    %reduce_sum3A_938 = arith.constant dense<0.000000e+00> : vector<1xf32>
    %reduce_sum3A_939 = vector.multi_reduction <add>, %reduce_sum3A_937, %reduce_sum3A_938 [1, 2] : vector<1x1x128xf32> to vector<1xf32>
    %reduce_sum3A_940 = vector.shape_cast %reduce_sum3A_939 : vector<1xf32> to vector<1x1x1xf32>
    %reduce_sum3A_941 = vector.extract %reduce_sum3A_940[0, 0, 0] : f32 from vector<1x1x1xf32>
    %sqrt3A_942 = math.sqrt %reduce_sum3A_941 : f32
    %div3A_943 = vector.broadcast %sqrt3A_942 : f32 to vector<1x128xf32>
    %div3A_944 = arith.divf %get3A_25, %div3A_943 : vector<1x128xf32>
    %mul3A_945 = vector.broadcast %div3A_944 : vector<1x128xf32> to vector<256x128xf32>
    %mul3A_946 = arith.mulf %max3A_935, %mul3A_945 : vector<256x128xf32>
    %reduce_sum3A_947 = arith.constant dense<0.000000e+00> : vector<256xf32>
    %reduce_sum3A_948 = vector.multi_reduction <add>, %mul3A_946, %reduce_sum3A_947 [1] : vector<256x128xf32> to vector<256xf32>
    %broadcast_in_dim3A_949 = vector.shape_cast %reduce_sum3A_948 : vector<256xf32> to vector<256x1xf32>
    %gt3A_950 = arith.constant 0.000000e+00 : f32
    %gt3A_951 = vector.broadcast %gt3A_950 : f32 to vector<256x1xf32>
    %gt3A_952 = arith.cmpf ogt, %transpose3A_905, %gt3A_951 : vector<256x1xf32>
    %jit3A_953 = arith.constant 0xFF800000 : f32
    %broadcast_in_dim3A_954 = vector.broadcast %jit3A_953 : f32 to vector<256x1xf32>
    %select_n3A_955 = arith.select %gt3A_952, %broadcast_in_dim3A_949, %broadcast_in_dim3A_954 : vector<256x1xi1>, vector<256x1xf32>
    %transpose3A_956 = tpu.transpose %select_n3A_955, [1, 0] : vector<256x1xf32> -> vector<1x256xf32>
    %gt3A_957 = vector.broadcast %select_n3A_955 : vector<256x1xf32> to vector<256x256xf32>
    %gt3A_958 = vector.broadcast %transpose3A_956 : vector<1x256xf32> to vector<256x256xf32>
    %gt3A_959 = arith.cmpf ogt, %gt3A_957, %gt3A_958 : vector<256x256xf32>
    %eq3A_960 = vector.broadcast %select_n3A_955 : vector<256x1xf32> to vector<256x256xf32>
    %eq3A_961 = vector.broadcast %transpose3A_956 : vector<1x256xf32> to vector<256x256xf32>
    %eq3A_962 = arith.cmpf oeq, %eq3A_960, %eq3A_961 : vector<256x256xf32>
    %lt3A_963 = arith.cmpi slt, %iota3A_764, %iota3A_765 : vector<256x256xi32>
    %and3A_964 = arith.andi %eq3A_962, %lt3A_963 : vector<256x256xi1>
    %or3A_965 = arith.ori %gt3A_959, %and3A_964 : vector<256x256xi1>
    %convert_element_type3A_966 = arith.extui %or3A_965 : vector<256x256xi1> to vector<256x256xi32>
    %reduce_sum3A_967 = arith.constant dense<0> : vector<256xi32>
    %reduce_sum3A_968 = vector.multi_reduction <add>, %convert_element_type3A_966, %reduce_sum3A_967 [0] : vector<256x256xi32> to vector<256xi32>
    %broadcast_in_dim3A_969 = vector.shape_cast %reduce_sum3A_968 : vector<256xi32> to vector<1x256xi32>
    %lt3A_970 = arith.constant 103 : i32
    %lt3A_971 = vector.broadcast %lt3A_970 : i32 to vector<1x256xi32>
    %lt3A_972 = arith.cmpi slt, %broadcast_in_dim3A_969, %lt3A_971 : vector<1x256xi32>
    %convert_element_type3A_973 = arith.extui %lt3A_972 : vector<1x256xi1> to vector<1x256xi32>
    %convert_element_type3A_974 = arith.sitofp %convert_element_type3A_973 : vector<1x256xi32> to vector<1x256xf32>
    %mul3A_975 = arith.mulf %mul3A_904, %convert_element_type3A_974 : vector<1x256xf32>
    %transpose3A_976 = tpu.transpose %mul3A_975, [1, 0] : vector<1x256xf32> -> vector<256x1xf32>
    %tanh3A_977 = math.tanh %broadcast_in_dim3A_949 : vector<256x1xf32>
    %mul3A_978 = vector.broadcast %tanh3A_977 : vector<256x1xf32> to vector<256x128xf32>
    %mul3A_979 = arith.mulf %max3A_935, %mul3A_978 : vector<256x128xf32>
    %mul3A_980 = vector.broadcast %transpose3A_976 : vector<256x1xf32> to vector<256x128xf32>
    %mul3A_981 = arith.mulf %mul3A_979, %mul3A_980 : vector<256x128xf32>
    %reduce_sum3A_982 = arith.constant dense<0.000000e+00> : vector<128xf32>
    %reduce_sum3A_983 = vector.multi_reduction <add>, %mul3A_981, %reduce_sum3A_982 [0] : vector<256x128xf32> to vector<128xf32>
    %broadcast_in_dim3A_984 = vector.shape_cast %reduce_sum3A_983 : vector<128xf32> to vector<1x128xf32>
    %mul3A_985 = arith.constant 0.00970873795 : f32
    %mul3A_986 = vector.broadcast %mul3A_985 : f32 to vector<1x128xf32>
    %mul3A_987 = arith.mulf %broadcast_in_dim3A_984, %mul3A_986 : vector<1x128xf32>
    %broadcast_in_dim3A_988 = vector.shape_cast %mul3A_987 : vector<1x128xf32> to vector<1x128xf32>
    %broadcast_in_dim3A_989 = vector.broadcast %broadcast_in_dim3A_988 : vector<1x128xf32> to vector<8x128xf32>
    %swap3A_990 = arith.constant 3 : index
    %swap3A_991 = arith.constant 0 : index
    %swap3A_992 = arith.constant 0 : index
    %swap3A_993 = vector.load %arg12[%swap3A_990, %swap3A_991, %swap3A_992] : memref<10x8x128xf32, #tpu.memory_space<vmem>>, vector<1x8x128xf32>
    %swap3A_994 = vector.shape_cast %swap3A_993 : vector<1x8x128xf32> to vector<8x128xf32>
    %swap3A_995 = vector.shape_cast %broadcast_in_dim3A_989 : vector<8x128xf32> to vector<1x8x128xf32>
    tpu.vector_store %arg12[%swap3A_990, %swap3A_991, %swap3A_992], %swap3A_995 {strides = array<i32>} : memref<10x8x128xf32, #tpu.memory_space<vmem>>, vector<1x8x128xf32>,
    %get3A_996 = arith.constant 4 : index
    %get3A_997 = arith.constant 0 : index
    %get3A_998 = arith.constant 0 : index
    %get3A_999 = vector.load %arg1[%get3A_996, %get3A_997, %get3A_998] : memref<10x200x128xf32, #tpu.memory_space<vmem>>, vector<1x200x128xf32>
    %get3A_1000 = vector.shape_cast %get3A_999 : vector<1x200x128xf32> to vector<200x128xf32>
    %get3A_1001 = arith.constant 4 : index
    %get3A_1002 = arith.constant 0 : index
    %get3A_1003 = arith.constant 0 : index
    %get3A_1004 = vector.load %arg2[%get3A_1001, %get3A_1002, %get3A_1003] : memref<10x200x256xf32, #tpu.memory_space<vmem>>, vector<1x200x256xf32>
    %get3A_1005 = vector.shape_cast %get3A_1004 : vector<1x200x256xf32> to vector<200x256xf32>
    %broadcast_in_dim3A_1006 = arith.constant 0.000000e+00 : f32
    %broadcast_in_dim3A_1007 = vector.broadcast %broadcast_in_dim3A_1006 : f32 to vector<56x128xf32>
    %concatenate3A_1008 = tpu.concatenate %get3A_1000, %broadcast_in_dim3A_1007 in 0 : vector<200x128xf32>, vector<56x128xf32> -> vector<256x128xf32>
    %broadcast_in_dim3A_1009 = arith.constant 0.000000e+00 : f32
    %broadcast_in_dim3A_1010 = vector.broadcast %broadcast_in_dim3A_1009 : f32 to vector<56x256xf32>
    %concatenate3A_1011 = tpu.concatenate %get3A_1005, %broadcast_in_dim3A_1010 in 0 : vector<200x256xf32>, vector<56x256xf32> -> vector<256x256xf32>
    %iota3A_1012 = tpu.iota {dimensions = array<i32: 0>} : vector<256x256xi32>
    %iota3A_1013 = tpu.iota {dimensions = array<i32: 1>} : vector<256x256xi32>
    %iota3A_1014 = tpu.iota {dimensions = array<i32: 0>} : vector<256x1xi32>
    %lt3A_1015 = arith.constant 200 : i32
    %lt3A_1016 = vector.broadcast %lt3A_1015 : i32 to vector<256x1xi32>
    %lt3A_1017 = arith.cmpi slt, %iota3A_1014, %lt3A_1016 : vector<256x1xi32>
    %convert_element_type3A_1018 = arith.extui %lt3A_1017 : vector<256x1xi1> to vector<256x1xi32>
    %convert_element_type3A_1019 = arith.sitofp %convert_element_type3A_1018 : vector<256x1xi32> to vector<256x1xf32>
    %transpose3A_1020 = tpu.transpose %convert_element_type3A_1019, [1, 0] : vector<256x1xf32> -> vector<1x256xf32>
    %dot_general3A_1021 = arith.constant dense<0.000000e+00> : vector<256x128xf32>
    %dot_general3A_1022 = tpu.matmul %concatenate3A_1008, %get3A_1, %dot_general3A_1021 {dimension_numbers = #tpu.dot_dimension_numbers<[1], [0], [0], [1], [0, 0, 1, 1], [], []>, precision = #tpu.contract_precision<fp32>, transpose_lhs_hint = false} : vector<256x128xf32>, vector<128x128xf32>, vector<256x128xf32> -> vector<256x128xf32>
    %reduce_sum3A_1023 = arith.constant dense<0.000000e+00> : vector<256xf32>
    %reduce_sum3A_1024 = vector.multi_reduction <add>, %concatenate3A_1011, %reduce_sum3A_1023 [1] : vector<256x256xf32> to vector<256xf32>
    %broadcast_in_dim3A_1025 = vector.shape_cast %reduce_sum3A_1024 : vector<256xf32> to vector<256x1xf32>
    %add3A_1026 = arith.constant 1.000000e+00 : f32
    %add3A_1027 = vector.broadcast %add3A_1026 : f32 to vector<256x1xf32>
    %add3A_1028 = arith.addf %broadcast_in_dim3A_1025, %add3A_1027 : vector<256x1xf32>
    %rsqrt3A_1029 = math.rsqrt %add3A_1028 : vector<256x1xf32>
    %mul3A_1030 = vector.broadcast %rsqrt3A_1029 : vector<256x1xf32> to vector<256x128xf32>
    %mul3A_1031 = arith.mulf %mul3A_1030, %dot_general3A_1022 : vector<256x128xf32>
    %dot_general3A_1032 = arith.constant dense<0.000000e+00> : vector<256x128xf32>
    %dot_general3A_1033 = tpu.matmul %concatenate3A_1011, %mul3A_1031, %dot_general3A_1032 {dimension_numbers = #tpu.dot_dimension_numbers<[1], [0], [0], [1], [0, 0, 1, 1], [], []>, precision = #tpu.contract_precision<fp32>, transpose_lhs_hint = false} : vector<256x256xf32>, vector<256x128xf32>, vector<256x128xf32> -> vector<256x128xf32>
    %add3A_1034 = arith.addf %dot_general3A_1033, %mul3A_1031 : vector<256x128xf32>
    %mul3A_1035 = vector.broadcast %rsqrt3A_1029 : vector<256x1xf32> to vector<256x128xf32>
    %mul3A_1036 = arith.mulf %mul3A_1035, %add3A_1034 : vector<256x128xf32>
    %add3A_1037 = vector.broadcast %get3A_4 : vector<1x128xf32> to vector<256x128xf32>
    %add3A_1038 = arith.addf %mul3A_1036, %add3A_1037 : vector<256x128xf32>
    %max3A_1039 = arith.constant 0.000000e+00 : f32
    %max3A_1040 = vector.broadcast %max3A_1039 : f32 to vector<256x128xf32>
    %max3A_1041 = arith.maximumf %add3A_1038, %max3A_1040 : vector<256x128xf32>
    %mul3A_1042 = arith.mulf %get3A_7, %get3A_7 : vector<1x128xf32>
    %reduce_sum3A_1043 = vector.shape_cast %mul3A_1042 : vector<1x128xf32> to vector<1x1x128xf32>
    %reduce_sum3A_1044 = arith.constant dense<0.000000e+00> : vector<1xf32>
    %reduce_sum3A_1045 = vector.multi_reduction <add>, %reduce_sum3A_1043, %reduce_sum3A_1044 [1, 2] : vector<1x1x128xf32> to vector<1xf32>
    %reduce_sum3A_1046 = vector.shape_cast %reduce_sum3A_1045 : vector<1xf32> to vector<1x1x1xf32>
    %reduce_sum3A_1047 = vector.extract %reduce_sum3A_1046[0, 0, 0] : f32 from vector<1x1x1xf32>
    %sqrt3A_1048 = math.sqrt %reduce_sum3A_1047 : f32
    %div3A_1049 = vector.broadcast %sqrt3A_1048 : f32 to vector<1x128xf32>
    %div3A_1050 = arith.divf %get3A_7, %div3A_1049 : vector<1x128xf32>
    %mul3A_1051 = vector.broadcast %div3A_1050 : vector<1x128xf32> to vector<256x128xf32>
    %mul3A_1052 = arith.mulf %max3A_1041, %mul3A_1051 : vector<256x128xf32>
    %reduce_sum3A_1053 = arith.constant dense<0.000000e+00> : vector<256xf32>
    %reduce_sum3A_1054 = vector.multi_reduction <add>, %mul3A_1052, %reduce_sum3A_1053 [1] : vector<256x128xf32> to vector<256xf32>
    %broadcast_in_dim3A_1055 = vector.shape_cast %reduce_sum3A_1054 : vector<256xf32> to vector<256x1xf32>
    %gt3A_1056 = arith.constant 0.000000e+00 : f32
    %gt3A_1057 = vector.broadcast %gt3A_1056 : f32 to vector<256x1xf32>
    %gt3A_1058 = arith.cmpf ogt, %convert_element_type3A_1019, %gt3A_1057 : vector<256x1xf32>
    %jit3A_1059 = arith.constant 0xFF800000 : f32
    %broadcast_in_dim3A_1060 = vector.broadcast %jit3A_1059 : f32 to vector<256x1xf32>
    %select_n3A_1061 = arith.select %gt3A_1058, %broadcast_in_dim3A_1055, %broadcast_in_dim3A_1060 : vector<256x1xi1>, vector<256x1xf32>
    %transpose3A_1062 = tpu.transpose %select_n3A_1061, [1, 0] : vector<256x1xf32> -> vector<1x256xf32>
    %gt3A_1063 = vector.broadcast %select_n3A_1061 : vector<256x1xf32> to vector<256x256xf32>
    %gt3A_1064 = vector.broadcast %transpose3A_1062 : vector<1x256xf32> to vector<256x256xf32>
    %gt3A_1065 = arith.cmpf ogt, %gt3A_1063, %gt3A_1064 : vector<256x256xf32>
    %eq3A_1066 = vector.broadcast %select_n3A_1061 : vector<256x1xf32> to vector<256x256xf32>
    %eq3A_1067 = vector.broadcast %transpose3A_1062 : vector<1x256xf32> to vector<256x256xf32>
    %eq3A_1068 = arith.cmpf oeq, %eq3A_1066, %eq3A_1067 : vector<256x256xf32>
    %lt3A_1069 = arith.cmpi slt, %iota3A_1012, %iota3A_1013 : vector<256x256xi32>
    %and3A_1070 = arith.andi %eq3A_1068, %lt3A_1069 : vector<256x256xi1>
    %or3A_1071 = arith.ori %gt3A_1065, %and3A_1070 : vector<256x256xi1>
    %convert_element_type3A_1072 = arith.extui %or3A_1071 : vector<256x256xi1> to vector<256x256xi32>
    %reduce_sum3A_1073 = arith.constant dense<0> : vector<256xi32>
    %reduce_sum3A_1074 = vector.multi_reduction <add>, %convert_element_type3A_1072, %reduce_sum3A_1073 [0] : vector<256x256xi32> to vector<256xi32>
    %broadcast_in_dim3A_1075 = vector.shape_cast %reduce_sum3A_1074 : vector<256xi32> to vector<1x256xi32>
    %lt3A_1076 = arith.constant 160 : i32
    %lt3A_1077 = vector.broadcast %lt3A_1076 : i32 to vector<1x256xi32>
    %lt3A_1078 = arith.cmpi slt, %broadcast_in_dim3A_1075, %lt3A_1077 : vector<1x256xi32>
    %convert_element_type3A_1079 = arith.extui %lt3A_1078 : vector<1x256xi1> to vector<1x256xi32>
    %convert_element_type3A_1080 = arith.sitofp %convert_element_type3A_1079 : vector<1x256xi32> to vector<1x256xf32>
    %mul3A_1081 = arith.mulf %transpose3A_1020, %convert_element_type3A_1080 : vector<1x256xf32>
    %transpose3A_1082 = tpu.transpose %mul3A_1081, [1, 0] : vector<1x256xf32> -> vector<256x1xf32>
    %tanh3A_1083 = math.tanh %broadcast_in_dim3A_1055 : vector<256x1xf32>
    %mul3A_1084 = vector.broadcast %tanh3A_1083 : vector<256x1xf32> to vector<256x128xf32>
    %mul3A_1085 = arith.mulf %max3A_1041, %mul3A_1084 : vector<256x128xf32>
    %mul3A_1086 = vector.broadcast %transpose3A_1082 : vector<256x1xf32> to vector<256x128xf32>
    %mul3A_1087 = arith.mulf %mul3A_1085, %mul3A_1086 : vector<256x128xf32>
    %mul3A_1088 = vector.broadcast %transpose3A_1082 : vector<256x1xf32> to vector<256x256xf32>
    %mul3A_1089 = arith.mulf %concatenate3A_1011, %mul3A_1088 : vector<256x256xf32>
    %mul3A_1090 = vector.broadcast %mul3A_1081 : vector<1x256xf32> to vector<256x256xf32>
    %mul3A_1091 = arith.mulf %mul3A_1089, %mul3A_1090 : vector<256x256xf32>
    %dot_general3A_1092 = arith.constant dense<0.000000e+00> : vector<256x128xf32>
    %dot_general3A_1093 = tpu.matmul %mul3A_1087, %get3A_10, %dot_general3A_1092 {dimension_numbers = #tpu.dot_dimension_numbers<[1], [0], [0], [1], [0, 0, 1, 1], [], []>, precision = #tpu.contract_precision<fp32>, transpose_lhs_hint = false} : vector<256x128xf32>, vector<128x128xf32>, vector<256x128xf32> -> vector<256x128xf32>
    %reduce_sum3A_1094 = arith.constant dense<0.000000e+00> : vector<256xf32>
    %reduce_sum3A_1095 = vector.multi_reduction <add>, %mul3A_1091, %reduce_sum3A_1094 [1] : vector<256x256xf32> to vector<256xf32>
    %broadcast_in_dim3A_1096 = vector.shape_cast %reduce_sum3A_1095 : vector<256xf32> to vector<256x1xf32>
    %add3A_1097 = arith.constant 1.000000e+00 : f32
    %add3A_1098 = vector.broadcast %add3A_1097 : f32 to vector<256x1xf32>
    %add3A_1099 = arith.addf %broadcast_in_dim3A_1096, %add3A_1098 : vector<256x1xf32>
    %rsqrt3A_1100 = math.rsqrt %add3A_1099 : vector<256x1xf32>
    %mul3A_1101 = vector.broadcast %rsqrt3A_1100 : vector<256x1xf32> to vector<256x128xf32>
    %mul3A_1102 = arith.mulf %mul3A_1101, %dot_general3A_1093 : vector<256x128xf32>
    %dot_general3A_1103 = arith.constant dense<0.000000e+00> : vector<256x128xf32>
    %dot_general3A_1104 = tpu.matmul %mul3A_1091, %mul3A_1102, %dot_general3A_1103 {dimension_numbers = #tpu.dot_dimension_numbers<[1], [0], [0], [1], [0, 0, 1, 1], [], []>, precision = #tpu.contract_precision<fp32>, transpose_lhs_hint = false} : vector<256x256xf32>, vector<256x128xf32>, vector<256x128xf32> -> vector<256x128xf32>
    %add3A_1105 = arith.addf %dot_general3A_1104, %mul3A_1102 : vector<256x128xf32>
    %mul3A_1106 = vector.broadcast %rsqrt3A_1100 : vector<256x1xf32> to vector<256x128xf32>
    %mul3A_1107 = arith.mulf %mul3A_1106, %add3A_1105 : vector<256x128xf32>
    %add3A_1108 = vector.broadcast %get3A_13 : vector<1x128xf32> to vector<256x128xf32>
    %add3A_1109 = arith.addf %mul3A_1107, %add3A_1108 : vector<256x128xf32>
    %max3A_1110 = arith.constant 0.000000e+00 : f32
    %max3A_1111 = vector.broadcast %max3A_1110 : f32 to vector<256x128xf32>
    %max3A_1112 = arith.maximumf %add3A_1109, %max3A_1111 : vector<256x128xf32>
    %mul3A_1113 = arith.mulf %get3A_16, %get3A_16 : vector<1x128xf32>
    %reduce_sum3A_1114 = vector.shape_cast %mul3A_1113 : vector<1x128xf32> to vector<1x1x128xf32>
    %reduce_sum3A_1115 = arith.constant dense<0.000000e+00> : vector<1xf32>
    %reduce_sum3A_1116 = vector.multi_reduction <add>, %reduce_sum3A_1114, %reduce_sum3A_1115 [1, 2] : vector<1x1x128xf32> to vector<1xf32>
    %reduce_sum3A_1117 = vector.shape_cast %reduce_sum3A_1116 : vector<1xf32> to vector<1x1x1xf32>
    %reduce_sum3A_1118 = vector.extract %reduce_sum3A_1117[0, 0, 0] : f32 from vector<1x1x1xf32>
    %sqrt3A_1119 = math.sqrt %reduce_sum3A_1118 : f32
    %div3A_1120 = vector.broadcast %sqrt3A_1119 : f32 to vector<1x128xf32>
    %div3A_1121 = arith.divf %get3A_16, %div3A_1120 : vector<1x128xf32>
    %mul3A_1122 = vector.broadcast %div3A_1121 : vector<1x128xf32> to vector<256x128xf32>
    %mul3A_1123 = arith.mulf %max3A_1112, %mul3A_1122 : vector<256x128xf32>
    %reduce_sum3A_1124 = arith.constant dense<0.000000e+00> : vector<256xf32>
    %reduce_sum3A_1125 = vector.multi_reduction <add>, %mul3A_1123, %reduce_sum3A_1124 [1] : vector<256x128xf32> to vector<256xf32>
    %broadcast_in_dim3A_1126 = vector.shape_cast %reduce_sum3A_1125 : vector<256xf32> to vector<256x1xf32>
    %gt3A_1127 = arith.constant 0.000000e+00 : f32
    %gt3A_1128 = vector.broadcast %gt3A_1127 : f32 to vector<256x1xf32>
    %gt3A_1129 = arith.cmpf ogt, %transpose3A_1082, %gt3A_1128 : vector<256x1xf32>
    %jit3A_1130 = arith.constant 0xFF800000 : f32
    %broadcast_in_dim3A_1131 = vector.broadcast %jit3A_1130 : f32 to vector<256x1xf32>
    %select_n3A_1132 = arith.select %gt3A_1129, %broadcast_in_dim3A_1126, %broadcast_in_dim3A_1131 : vector<256x1xi1>, vector<256x1xf32>
    %transpose3A_1133 = tpu.transpose %select_n3A_1132, [1, 0] : vector<256x1xf32> -> vector<1x256xf32>
    %gt3A_1134 = vector.broadcast %select_n3A_1132 : vector<256x1xf32> to vector<256x256xf32>
    %gt3A_1135 = vector.broadcast %transpose3A_1133 : vector<1x256xf32> to vector<256x256xf32>
    %gt3A_1136 = arith.cmpf ogt, %gt3A_1134, %gt3A_1135 : vector<256x256xf32>
    %eq3A_1137 = vector.broadcast %select_n3A_1132 : vector<256x1xf32> to vector<256x256xf32>
    %eq3A_1138 = vector.broadcast %transpose3A_1133 : vector<1x256xf32> to vector<256x256xf32>
    %eq3A_1139 = arith.cmpf oeq, %eq3A_1137, %eq3A_1138 : vector<256x256xf32>
    %lt3A_1140 = arith.cmpi slt, %iota3A_1012, %iota3A_1013 : vector<256x256xi32>
    %and3A_1141 = arith.andi %eq3A_1139, %lt3A_1140 : vector<256x256xi1>
    %or3A_1142 = arith.ori %gt3A_1136, %and3A_1141 : vector<256x256xi1>
    %convert_element_type3A_1143 = arith.extui %or3A_1142 : vector<256x256xi1> to vector<256x256xi32>
    %reduce_sum3A_1144 = arith.constant dense<0> : vector<256xi32>
    %reduce_sum3A_1145 = vector.multi_reduction <add>, %convert_element_type3A_1143, %reduce_sum3A_1144 [0] : vector<256x256xi32> to vector<256xi32>
    %broadcast_in_dim3A_1146 = vector.shape_cast %reduce_sum3A_1145 : vector<256xi32> to vector<1x256xi32>
    %lt3A_1147 = arith.constant 128 : i32
    %lt3A_1148 = vector.broadcast %lt3A_1147 : i32 to vector<1x256xi32>
    %lt3A_1149 = arith.cmpi slt, %broadcast_in_dim3A_1146, %lt3A_1148 : vector<1x256xi32>
    %convert_element_type3A_1150 = arith.extui %lt3A_1149 : vector<1x256xi1> to vector<1x256xi32>
    %convert_element_type3A_1151 = arith.sitofp %convert_element_type3A_1150 : vector<1x256xi32> to vector<1x256xf32>
    %mul3A_1152 = arith.mulf %mul3A_1081, %convert_element_type3A_1151 : vector<1x256xf32>
    %transpose3A_1153 = tpu.transpose %mul3A_1152, [1, 0] : vector<1x256xf32> -> vector<256x1xf32>
    %tanh3A_1154 = math.tanh %broadcast_in_dim3A_1126 : vector<256x1xf32>
    %mul3A_1155 = vector.broadcast %tanh3A_1154 : vector<256x1xf32> to vector<256x128xf32>
    %mul3A_1156 = arith.mulf %max3A_1112, %mul3A_1155 : vector<256x128xf32>
    %mul3A_1157 = vector.broadcast %transpose3A_1153 : vector<256x1xf32> to vector<256x128xf32>
    %mul3A_1158 = arith.mulf %mul3A_1156, %mul3A_1157 : vector<256x128xf32>
    %mul3A_1159 = vector.broadcast %transpose3A_1153 : vector<256x1xf32> to vector<256x256xf32>
    %mul3A_1160 = arith.mulf %mul3A_1091, %mul3A_1159 : vector<256x256xf32>
    %mul3A_1161 = vector.broadcast %mul3A_1152 : vector<1x256xf32> to vector<256x256xf32>
    %mul3A_1162 = arith.mulf %mul3A_1160, %mul3A_1161 : vector<256x256xf32>
    %dot_general3A_1163 = arith.constant dense<0.000000e+00> : vector<256x128xf32>
    %dot_general3A_1164 = tpu.matmul %mul3A_1158, %get3A_19, %dot_general3A_1163 {dimension_numbers = #tpu.dot_dimension_numbers<[1], [0], [0], [1], [0, 0, 1, 1], [], []>, precision = #tpu.contract_precision<fp32>, transpose_lhs_hint = false} : vector<256x128xf32>, vector<128x128xf32>, vector<256x128xf32> -> vector<256x128xf32>
    %reduce_sum3A_1165 = arith.constant dense<0.000000e+00> : vector<256xf32>
    %reduce_sum3A_1166 = vector.multi_reduction <add>, %mul3A_1162, %reduce_sum3A_1165 [1] : vector<256x256xf32> to vector<256xf32>
    %broadcast_in_dim3A_1167 = vector.shape_cast %reduce_sum3A_1166 : vector<256xf32> to vector<256x1xf32>
    %add3A_1168 = arith.constant 1.000000e+00 : f32
    %add3A_1169 = vector.broadcast %add3A_1168 : f32 to vector<256x1xf32>
    %add3A_1170 = arith.addf %broadcast_in_dim3A_1167, %add3A_1169 : vector<256x1xf32>
    %rsqrt3A_1171 = math.rsqrt %add3A_1170 : vector<256x1xf32>
    %mul3A_1172 = vector.broadcast %rsqrt3A_1171 : vector<256x1xf32> to vector<256x128xf32>
    %mul3A_1173 = arith.mulf %mul3A_1172, %dot_general3A_1164 : vector<256x128xf32>
    %dot_general3A_1174 = arith.constant dense<0.000000e+00> : vector<256x128xf32>
    %dot_general3A_1175 = tpu.matmul %mul3A_1162, %mul3A_1173, %dot_general3A_1174 {dimension_numbers = #tpu.dot_dimension_numbers<[1], [0], [0], [1], [0, 0, 1, 1], [], []>, precision = #tpu.contract_precision<fp32>, transpose_lhs_hint = false} : vector<256x256xf32>, vector<256x128xf32>, vector<256x128xf32> -> vector<256x128xf32>
    %add3A_1176 = arith.addf %dot_general3A_1175, %mul3A_1173 : vector<256x128xf32>
    %mul3A_1177 = vector.broadcast %rsqrt3A_1171 : vector<256x1xf32> to vector<256x128xf32>
    %mul3A_1178 = arith.mulf %mul3A_1177, %add3A_1176 : vector<256x128xf32>
    %add3A_1179 = vector.broadcast %get3A_22 : vector<1x128xf32> to vector<256x128xf32>
    %add3A_1180 = arith.addf %mul3A_1178, %add3A_1179 : vector<256x128xf32>
    %max3A_1181 = arith.constant 0.000000e+00 : f32
    %max3A_1182 = vector.broadcast %max3A_1181 : f32 to vector<256x128xf32>
    %max3A_1183 = arith.maximumf %add3A_1180, %max3A_1182 : vector<256x128xf32>
    %mul3A_1184 = arith.mulf %get3A_25, %get3A_25 : vector<1x128xf32>
    %reduce_sum3A_1185 = vector.shape_cast %mul3A_1184 : vector<1x128xf32> to vector<1x1x128xf32>
    %reduce_sum3A_1186 = arith.constant dense<0.000000e+00> : vector<1xf32>
    %reduce_sum3A_1187 = vector.multi_reduction <add>, %reduce_sum3A_1185, %reduce_sum3A_1186 [1, 2] : vector<1x1x128xf32> to vector<1xf32>
    %reduce_sum3A_1188 = vector.shape_cast %reduce_sum3A_1187 : vector<1xf32> to vector<1x1x1xf32>
    %reduce_sum3A_1189 = vector.extract %reduce_sum3A_1188[0, 0, 0] : f32 from vector<1x1x1xf32>
    %sqrt3A_1190 = math.sqrt %reduce_sum3A_1189 : f32
    %div3A_1191 = vector.broadcast %sqrt3A_1190 : f32 to vector<1x128xf32>
    %div3A_1192 = arith.divf %get3A_25, %div3A_1191 : vector<1x128xf32>
    %mul3A_1193 = vector.broadcast %div3A_1192 : vector<1x128xf32> to vector<256x128xf32>
    %mul3A_1194 = arith.mulf %max3A_1183, %mul3A_1193 : vector<256x128xf32>
    %reduce_sum3A_1195 = arith.constant dense<0.000000e+00> : vector<256xf32>
    %reduce_sum3A_1196 = vector.multi_reduction <add>, %mul3A_1194, %reduce_sum3A_1195 [1] : vector<256x128xf32> to vector<256xf32>
    %broadcast_in_dim3A_1197 = vector.shape_cast %reduce_sum3A_1196 : vector<256xf32> to vector<256x1xf32>
    %gt3A_1198 = arith.constant 0.000000e+00 : f32
    %gt3A_1199 = vector.broadcast %gt3A_1198 : f32 to vector<256x1xf32>
    %gt3A_1200 = arith.cmpf ogt, %transpose3A_1153, %gt3A_1199 : vector<256x1xf32>
    %jit3A_1201 = arith.constant 0xFF800000 : f32
    %broadcast_in_dim3A_1202 = vector.broadcast %jit3A_1201 : f32 to vector<256x1xf32>
    %select_n3A_1203 = arith.select %gt3A_1200, %broadcast_in_dim3A_1197, %broadcast_in_dim3A_1202 : vector<256x1xi1>, vector<256x1xf32>
    %transpose3A_1204 = tpu.transpose %select_n3A_1203, [1, 0] : vector<256x1xf32> -> vector<1x256xf32>
    %gt3A_1205 = vector.broadcast %select_n3A_1203 : vector<256x1xf32> to vector<256x256xf32>
    %gt3A_1206 = vector.broadcast %transpose3A_1204 : vector<1x256xf32> to vector<256x256xf32>
    %gt3A_1207 = arith.cmpf ogt, %gt3A_1205, %gt3A_1206 : vector<256x256xf32>
    %eq3A_1208 = vector.broadcast %select_n3A_1203 : vector<256x1xf32> to vector<256x256xf32>
    %eq3A_1209 = vector.broadcast %transpose3A_1204 : vector<1x256xf32> to vector<256x256xf32>
    %eq3A_1210 = arith.cmpf oeq, %eq3A_1208, %eq3A_1209 : vector<256x256xf32>
    %lt3A_1211 = arith.cmpi slt, %iota3A_1012, %iota3A_1013 : vector<256x256xi32>
    %and3A_1212 = arith.andi %eq3A_1210, %lt3A_1211 : vector<256x256xi1>
    %or3A_1213 = arith.ori %gt3A_1207, %and3A_1212 : vector<256x256xi1>
    %convert_element_type3A_1214 = arith.extui %or3A_1213 : vector<256x256xi1> to vector<256x256xi32>
    %reduce_sum3A_1215 = arith.constant dense<0> : vector<256xi32>
    %reduce_sum3A_1216 = vector.multi_reduction <add>, %convert_element_type3A_1214, %reduce_sum3A_1215 [0] : vector<256x256xi32> to vector<256xi32>
    %broadcast_in_dim3A_1217 = vector.shape_cast %reduce_sum3A_1216 : vector<256xi32> to vector<1x256xi32>
    %lt3A_1218 = arith.constant 103 : i32
    %lt3A_1219 = vector.broadcast %lt3A_1218 : i32 to vector<1x256xi32>
    %lt3A_1220 = arith.cmpi slt, %broadcast_in_dim3A_1217, %lt3A_1219 : vector<1x256xi32>
    %convert_element_type3A_1221 = arith.extui %lt3A_1220 : vector<1x256xi1> to vector<1x256xi32>
    %convert_element_type3A_1222 = arith.sitofp %convert_element_type3A_1221 : vector<1x256xi32> to vector<1x256xf32>
    %mul3A_1223 = arith.mulf %mul3A_1152, %convert_element_type3A_1222 : vector<1x256xf32>
    %transpose3A_1224 = tpu.transpose %mul3A_1223, [1, 0] : vector<1x256xf32> -> vector<256x1xf32>
    %tanh3A_1225 = math.tanh %broadcast_in_dim3A_1197 : vector<256x1xf32>
    %mul3A_1226 = vector.broadcast %tanh3A_1225 : vector<256x1xf32> to vector<256x128xf32>
    %mul3A_1227 = arith.mulf %max3A_1183, %mul3A_1226 : vector<256x128xf32>
    %mul3A_1228 = vector.broadcast %transpose3A_1224 : vector<256x1xf32> to vector<256x128xf32>
    %mul3A_1229 = arith.mulf %mul3A_1227, %mul3A_1228 : vector<256x128xf32>
    %reduce_sum3A_1230 = arith.constant dense<0.000000e+00> : vector<128xf32>
    %reduce_sum3A_1231 = vector.multi_reduction <add>, %mul3A_1229, %reduce_sum3A_1230 [0] : vector<256x128xf32> to vector<128xf32>
    %broadcast_in_dim3A_1232 = vector.shape_cast %reduce_sum3A_1231 : vector<128xf32> to vector<1x128xf32>
    %mul3A_1233 = arith.constant 0.00970873795 : f32
    %mul3A_1234 = vector.broadcast %mul3A_1233 : f32 to vector<1x128xf32>
    %mul3A_1235 = arith.mulf %broadcast_in_dim3A_1232, %mul3A_1234 : vector<1x128xf32>
    %broadcast_in_dim3A_1236 = vector.shape_cast %mul3A_1235 : vector<1x128xf32> to vector<1x128xf32>
    %broadcast_in_dim3A_1237 = vector.broadcast %broadcast_in_dim3A_1236 : vector<1x128xf32> to vector<8x128xf32>
    %swap3A_1238 = arith.constant 4 : index
    %swap3A_1239 = arith.constant 0 : index
    %swap3A_1240 = arith.constant 0 : index
    %swap3A_1241 = vector.load %arg12[%swap3A_1238, %swap3A_1239, %swap3A_1240] : memref<10x8x128xf32, #tpu.memory_space<vmem>>, vector<1x8x128xf32>
    %swap3A_1242 = vector.shape_cast %swap3A_1241 : vector<1x8x128xf32> to vector<8x128xf32>
    %swap3A_1243 = vector.shape_cast %broadcast_in_dim3A_1237 : vector<8x128xf32> to vector<1x8x128xf32>
    tpu.vector_store %arg12[%swap3A_1238, %swap3A_1239, %swap3A_1240], %swap3A_1243 {strides = array<i32>} : memref<10x8x128xf32, #tpu.memory_space<vmem>>, vector<1x8x128xf32>,
    %get3A_1244 = arith.constant 5 : index
    %get3A_1245 = arith.constant 0 : index
    %get3A_1246 = arith.constant 0 : index
    %get3A_1247 = vector.load %arg1[%get3A_1244, %get3A_1245, %get3A_1246] : memref<10x200x128xf32, #tpu.memory_space<vmem>>, vector<1x200x128xf32>
    %get3A_1248 = vector.shape_cast %get3A_1247 : vector<1x200x128xf32> to vector<200x128xf32>
    %get3A_1249 = arith.constant 5 : index
    %get3A_1250 = arith.constant 0 : index
    %get3A_1251 = arith.constant 0 : index
    %get3A_1252 = vector.load %arg2[%get3A_1249, %get3A_1250, %get3A_1251] : memref<10x200x256xf32, #tpu.memory_space<vmem>>, vector<1x200x256xf32>
    %get3A_1253 = vector.shape_cast %get3A_1252 : vector<1x200x256xf32> to vector<200x256xf32>
    %broadcast_in_dim3A_1254 = arith.constant 0.000000e+00 : f32
    %broadcast_in_dim3A_1255 = vector.broadcast %broadcast_in_dim3A_1254 : f32 to vector<56x128xf32>
    %concatenate3A_1256 = tpu.concatenate %get3A_1248, %broadcast_in_dim3A_1255 in 0 : vector<200x128xf32>, vector<56x128xf32> -> vector<256x128xf32>
    %broadcast_in_dim3A_1257 = arith.constant 0.000000e+00 : f32
    %broadcast_in_dim3A_1258 = vector.broadcast %broadcast_in_dim3A_1257 : f32 to vector<56x256xf32>
    %concatenate3A_1259 = tpu.concatenate %get3A_1253, %broadcast_in_dim3A_1258 in 0 : vector<200x256xf32>, vector<56x256xf32> -> vector<256x256xf32>
    %iota3A_1260 = tpu.iota {dimensions = array<i32: 0>} : vector<256x256xi32>
    %iota3A_1261 = tpu.iota {dimensions = array<i32: 1>} : vector<256x256xi32>
    %iota3A_1262 = tpu.iota {dimensions = array<i32: 0>} : vector<256x1xi32>
    %lt3A_1263 = arith.constant 200 : i32
    %lt3A_1264 = vector.broadcast %lt3A_1263 : i32 to vector<256x1xi32>
    %lt3A_1265 = arith.cmpi slt, %iota3A_1262, %lt3A_1264 : vector<256x1xi32>
    %convert_element_type3A_1266 = arith.extui %lt3A_1265 : vector<256x1xi1> to vector<256x1xi32>
    %convert_element_type3A_1267 = arith.sitofp %convert_element_type3A_1266 : vector<256x1xi32> to vector<256x1xf32>
    %transpose3A_1268 = tpu.transpose %convert_element_type3A_1267, [1, 0] : vector<256x1xf32> -> vector<1x256xf32>
    %dot_general3A_1269 = arith.constant dense<0.000000e+00> : vector<256x128xf32>
    %dot_general3A_1270 = tpu.matmul %concatenate3A_1256, %get3A_1, %dot_general3A_1269 {dimension_numbers = #tpu.dot_dimension_numbers<[1], [0], [0], [1], [0, 0, 1, 1], [], []>, precision = #tpu.contract_precision<fp32>, transpose_lhs_hint = false} : vector<256x128xf32>, vector<128x128xf32>, vector<256x128xf32> -> vector<256x128xf32>
    %reduce_sum3A_1271 = arith.constant dense<0.000000e+00> : vector<256xf32>
    %reduce_sum3A_1272 = vector.multi_reduction <add>, %concatenate3A_1259, %reduce_sum3A_1271 [1] : vector<256x256xf32> to vector<256xf32>
    %broadcast_in_dim3A_1273 = vector.shape_cast %reduce_sum3A_1272 : vector<256xf32> to vector<256x1xf32>
    %add3A_1274 = arith.constant 1.000000e+00 : f32
    %add3A_1275 = vector.broadcast %add3A_1274 : f32 to vector<256x1xf32>
    %add3A_1276 = arith.addf %broadcast_in_dim3A_1273, %add3A_1275 : vector<256x1xf32>
    %rsqrt3A_1277 = math.rsqrt %add3A_1276 : vector<256x1xf32>
    %mul3A_1278 = vector.broadcast %rsqrt3A_1277 : vector<256x1xf32> to vector<256x128xf32>
    %mul3A_1279 = arith.mulf %mul3A_1278, %dot_general3A_1270 : vector<256x128xf32>
    %dot_general3A_1280 = arith.constant dense<0.000000e+00> : vector<256x128xf32>
    %dot_general3A_1281 = tpu.matmul %concatenate3A_1259, %mul3A_1279, %dot_general3A_1280 {dimension_numbers = #tpu.dot_dimension_numbers<[1], [0], [0], [1], [0, 0, 1, 1], [], []>, precision = #tpu.contract_precision<fp32>, transpose_lhs_hint = false} : vector<256x256xf32>, vector<256x128xf32>, vector<256x128xf32> -> vector<256x128xf32>
    %add3A_1282 = arith.addf %dot_general3A_1281, %mul3A_1279 : vector<256x128xf32>
    %mul3A_1283 = vector.broadcast %rsqrt3A_1277 : vector<256x1xf32> to vector<256x128xf32>
    %mul3A_1284 = arith.mulf %mul3A_1283, %add3A_1282 : vector<256x128xf32>
    %add3A_1285 = vector.broadcast %get3A_4 : vector<1x128xf32> to vector<256x128xf32>
    %add3A_1286 = arith.addf %mul3A_1284, %add3A_1285 : vector<256x128xf32>
    %max3A_1287 = arith.constant 0.000000e+00 : f32
    %max3A_1288 = vector.broadcast %max3A_1287 : f32 to vector<256x128xf32>
    %max3A_1289 = arith.maximumf %add3A_1286, %max3A_1288 : vector<256x128xf32>
    %mul3A_1290 = arith.mulf %get3A_7, %get3A_7 : vector<1x128xf32>
    %reduce_sum3A_1291 = vector.shape_cast %mul3A_1290 : vector<1x128xf32> to vector<1x1x128xf32>
    %reduce_sum3A_1292 = arith.constant dense<0.000000e+00> : vector<1xf32>
    %reduce_sum3A_1293 = vector.multi_reduction <add>, %reduce_sum3A_1291, %reduce_sum3A_1292 [1, 2] : vector<1x1x128xf32> to vector<1xf32>
    %reduce_sum3A_1294 = vector.shape_cast %reduce_sum3A_1293 : vector<1xf32> to vector<1x1x1xf32>
    %reduce_sum3A_1295 = vector.extract %reduce_sum3A_1294[0, 0, 0] : f32 from vector<1x1x1xf32>
    %sqrt3A_1296 = math.sqrt %reduce_sum3A_1295 : f32
    %div3A_1297 = vector.broadcast %sqrt3A_1296 : f32 to vector<1x128xf32>
    %div3A_1298 = arith.divf %get3A_7, %div3A_1297 : vector<1x128xf32>
    %mul3A_1299 = vector.broadcast %div3A_1298 : vector<1x128xf32> to vector<256x128xf32>
    %mul3A_1300 = arith.mulf %max3A_1289, %mul3A_1299 : vector<256x128xf32>
    %reduce_sum3A_1301 = arith.constant dense<0.000000e+00> : vector<256xf32>
    %reduce_sum3A_1302 = vector.multi_reduction <add>, %mul3A_1300, %reduce_sum3A_1301 [1] : vector<256x128xf32> to vector<256xf32>
    %broadcast_in_dim3A_1303 = vector.shape_cast %reduce_sum3A_1302 : vector<256xf32> to vector<256x1xf32>
    %gt3A_1304 = arith.constant 0.000000e+00 : f32
    %gt3A_1305 = vector.broadcast %gt3A_1304 : f32 to vector<256x1xf32>
    %gt3A_1306 = arith.cmpf ogt, %convert_element_type3A_1267, %gt3A_1305 : vector<256x1xf32>
    %jit3A_1307 = arith.constant 0xFF800000 : f32
    %broadcast_in_dim3A_1308 = vector.broadcast %jit3A_1307 : f32 to vector<256x1xf32>
    %select_n3A_1309 = arith.select %gt3A_1306, %broadcast_in_dim3A_1303, %broadcast_in_dim3A_1308 : vector<256x1xi1>, vector<256x1xf32>
    %transpose3A_1310 = tpu.transpose %select_n3A_1309, [1, 0] : vector<256x1xf32> -> vector<1x256xf32>
    %gt3A_1311 = vector.broadcast %select_n3A_1309 : vector<256x1xf32> to vector<256x256xf32>
    %gt3A_1312 = vector.broadcast %transpose3A_1310 : vector<1x256xf32> to vector<256x256xf32>
    %gt3A_1313 = arith.cmpf ogt, %gt3A_1311, %gt3A_1312 : vector<256x256xf32>
    %eq3A_1314 = vector.broadcast %select_n3A_1309 : vector<256x1xf32> to vector<256x256xf32>
    %eq3A_1315 = vector.broadcast %transpose3A_1310 : vector<1x256xf32> to vector<256x256xf32>
    %eq3A_1316 = arith.cmpf oeq, %eq3A_1314, %eq3A_1315 : vector<256x256xf32>
    %lt3A_1317 = arith.cmpi slt, %iota3A_1260, %iota3A_1261 : vector<256x256xi32>
    %and3A_1318 = arith.andi %eq3A_1316, %lt3A_1317 : vector<256x256xi1>
    %or3A_1319 = arith.ori %gt3A_1313, %and3A_1318 : vector<256x256xi1>
    %convert_element_type3A_1320 = arith.extui %or3A_1319 : vector<256x256xi1> to vector<256x256xi32>
    %reduce_sum3A_1321 = arith.constant dense<0> : vector<256xi32>
    %reduce_sum3A_1322 = vector.multi_reduction <add>, %convert_element_type3A_1320, %reduce_sum3A_1321 [0] : vector<256x256xi32> to vector<256xi32>
    %broadcast_in_dim3A_1323 = vector.shape_cast %reduce_sum3A_1322 : vector<256xi32> to vector<1x256xi32>
    %lt3A_1324 = arith.constant 160 : i32
    %lt3A_1325 = vector.broadcast %lt3A_1324 : i32 to vector<1x256xi32>
    %lt3A_1326 = arith.cmpi slt, %broadcast_in_dim3A_1323, %lt3A_1325 : vector<1x256xi32>
    %convert_element_type3A_1327 = arith.extui %lt3A_1326 : vector<1x256xi1> to vector<1x256xi32>
    %convert_element_type3A_1328 = arith.sitofp %convert_element_type3A_1327 : vector<1x256xi32> to vector<1x256xf32>
    %mul3A_1329 = arith.mulf %transpose3A_1268, %convert_element_type3A_1328 : vector<1x256xf32>
    %transpose3A_1330 = tpu.transpose %mul3A_1329, [1, 0] : vector<1x256xf32> -> vector<256x1xf32>
    %tanh3A_1331 = math.tanh %broadcast_in_dim3A_1303 : vector<256x1xf32>
    %mul3A_1332 = vector.broadcast %tanh3A_1331 : vector<256x1xf32> to vector<256x128xf32>
    %mul3A_1333 = arith.mulf %max3A_1289, %mul3A_1332 : vector<256x128xf32>
    %mul3A_1334 = vector.broadcast %transpose3A_1330 : vector<256x1xf32> to vector<256x128xf32>
    %mul3A_1335 = arith.mulf %mul3A_1333, %mul3A_1334 : vector<256x128xf32>
    %mul3A_1336 = vector.broadcast %transpose3A_1330 : vector<256x1xf32> to vector<256x256xf32>
    %mul3A_1337 = arith.mulf %concatenate3A_1259, %mul3A_1336 : vector<256x256xf32>
    %mul3A_1338 = vector.broadcast %mul3A_1329 : vector<1x256xf32> to vector<256x256xf32>
    %mul3A_1339 = arith.mulf %mul3A_1337, %mul3A_1338 : vector<256x256xf32>
    %dot_general3A_1340 = arith.constant dense<0.000000e+00> : vector<256x128xf32>
    %dot_general3A_1341 = tpu.matmul %mul3A_1335, %get3A_10, %dot_general3A_1340 {dimension_numbers = #tpu.dot_dimension_numbers<[1], [0], [0], [1], [0, 0, 1, 1], [], []>, precision = #tpu.contract_precision<fp32>, transpose_lhs_hint = false} : vector<256x128xf32>, vector<128x128xf32>, vector<256x128xf32> -> vector<256x128xf32>
    %reduce_sum3A_1342 = arith.constant dense<0.000000e+00> : vector<256xf32>
    %reduce_sum3A_1343 = vector.multi_reduction <add>, %mul3A_1339, %reduce_sum3A_1342 [1] : vector<256x256xf32> to vector<256xf32>
    %broadcast_in_dim3A_1344 = vector.shape_cast %reduce_sum3A_1343 : vector<256xf32> to vector<256x1xf32>
    %add3A_1345 = arith.constant 1.000000e+00 : f32
    %add3A_1346 = vector.broadcast %add3A_1345 : f32 to vector<256x1xf32>
    %add3A_1347 = arith.addf %broadcast_in_dim3A_1344, %add3A_1346 : vector<256x1xf32>
    %rsqrt3A_1348 = math.rsqrt %add3A_1347 : vector<256x1xf32>
    %mul3A_1349 = vector.broadcast %rsqrt3A_1348 : vector<256x1xf32> to vector<256x128xf32>
    %mul3A_1350 = arith.mulf %mul3A_1349, %dot_general3A_1341 : vector<256x128xf32>
    %dot_general3A_1351 = arith.constant dense<0.000000e+00> : vector<256x128xf32>
    %dot_general3A_1352 = tpu.matmul %mul3A_1339, %mul3A_1350, %dot_general3A_1351 {dimension_numbers = #tpu.dot_dimension_numbers<[1], [0], [0], [1], [0, 0, 1, 1], [], []>, precision = #tpu.contract_precision<fp32>, transpose_lhs_hint = false} : vector<256x256xf32>, vector<256x128xf32>, vector<256x128xf32> -> vector<256x128xf32>
    %add3A_1353 = arith.addf %dot_general3A_1352, %mul3A_1350 : vector<256x128xf32>
    %mul3A_1354 = vector.broadcast %rsqrt3A_1348 : vector<256x1xf32> to vector<256x128xf32>
    %mul3A_1355 = arith.mulf %mul3A_1354, %add3A_1353 : vector<256x128xf32>
    %add3A_1356 = vector.broadcast %get3A_13 : vector<1x128xf32> to vector<256x128xf32>
    %add3A_1357 = arith.addf %mul3A_1355, %add3A_1356 : vector<256x128xf32>
    %max3A_1358 = arith.constant 0.000000e+00 : f32
    %max3A_1359 = vector.broadcast %max3A_1358 : f32 to vector<256x128xf32>
    %max3A_1360 = arith.maximumf %add3A_1357, %max3A_1359 : vector<256x128xf32>
    %mul3A_1361 = arith.mulf %get3A_16, %get3A_16 : vector<1x128xf32>
    %reduce_sum3A_1362 = vector.shape_cast %mul3A_1361 : vector<1x128xf32> to vector<1x1x128xf32>
    %reduce_sum3A_1363 = arith.constant dense<0.000000e+00> : vector<1xf32>
    %reduce_sum3A_1364 = vector.multi_reduction <add>, %reduce_sum3A_1362, %reduce_sum3A_1363 [1, 2] : vector<1x1x128xf32> to vector<1xf32>
    %reduce_sum3A_1365 = vector.shape_cast %reduce_sum3A_1364 : vector<1xf32> to vector<1x1x1xf32>
    %reduce_sum3A_1366 = vector.extract %reduce_sum3A_1365[0, 0, 0] : f32 from vector<1x1x1xf32>
    %sqrt3A_1367 = math.sqrt %reduce_sum3A_1366 : f32
    %div3A_1368 = vector.broadcast %sqrt3A_1367 : f32 to vector<1x128xf32>
    %div3A_1369 = arith.divf %get3A_16, %div3A_1368 : vector<1x128xf32>
    %mul3A_1370 = vector.broadcast %div3A_1369 : vector<1x128xf32> to vector<256x128xf32>
    %mul3A_1371 = arith.mulf %max3A_1360, %mul3A_1370 : vector<256x128xf32>
    %reduce_sum3A_1372 = arith.constant dense<0.000000e+00> : vector<256xf32>
    %reduce_sum3A_1373 = vector.multi_reduction <add>, %mul3A_1371, %reduce_sum3A_1372 [1] : vector<256x128xf32> to vector<256xf32>
    %broadcast_in_dim3A_1374 = vector.shape_cast %reduce_sum3A_1373 : vector<256xf32> to vector<256x1xf32>
    %gt3A_1375 = arith.constant 0.000000e+00 : f32
    %gt3A_1376 = vector.broadcast %gt3A_1375 : f32 to vector<256x1xf32>
    %gt3A_1377 = arith.cmpf ogt, %transpose3A_1330, %gt3A_1376 : vector<256x1xf32>
    %jit3A_1378 = arith.constant 0xFF800000 : f32
    %broadcast_in_dim3A_1379 = vector.broadcast %jit3A_1378 : f32 to vector<256x1xf32>
    %select_n3A_1380 = arith.select %gt3A_1377, %broadcast_in_dim3A_1374, %broadcast_in_dim3A_1379 : vector<256x1xi1>, vector<256x1xf32>
    %transpose3A_1381 = tpu.transpose %select_n3A_1380, [1, 0] : vector<256x1xf32> -> vector<1x256xf32>
    %gt3A_1382 = vector.broadcast %select_n3A_1380 : vector<256x1xf32> to vector<256x256xf32>
    %gt3A_1383 = vector.broadcast %transpose3A_1381 : vector<1x256xf32> to vector<256x256xf32>
    %gt3A_1384 = arith.cmpf ogt, %gt3A_1382, %gt3A_1383 : vector<256x256xf32>
    %eq3A_1385 = vector.broadcast %select_n3A_1380 : vector<256x1xf32> to vector<256x256xf32>
    %eq3A_1386 = vector.broadcast %transpose3A_1381 : vector<1x256xf32> to vector<256x256xf32>
    %eq3A_1387 = arith.cmpf oeq, %eq3A_1385, %eq3A_1386 : vector<256x256xf32>
    %lt3A_1388 = arith.cmpi slt, %iota3A_1260, %iota3A_1261 : vector<256x256xi32>
    %and3A_1389 = arith.andi %eq3A_1387, %lt3A_1388 : vector<256x256xi1>
    %or3A_1390 = arith.ori %gt3A_1384, %and3A_1389 : vector<256x256xi1>
    %convert_element_type3A_1391 = arith.extui %or3A_1390 : vector<256x256xi1> to vector<256x256xi32>
    %reduce_sum3A_1392 = arith.constant dense<0> : vector<256xi32>
    %reduce_sum3A_1393 = vector.multi_reduction <add>, %convert_element_type3A_1391, %reduce_sum3A_1392 [0] : vector<256x256xi32> to vector<256xi32>
    %broadcast_in_dim3A_1394 = vector.shape_cast %reduce_sum3A_1393 : vector<256xi32> to vector<1x256xi32>
    %lt3A_1395 = arith.constant 128 : i32
    %lt3A_1396 = vector.broadcast %lt3A_1395 : i32 to vector<1x256xi32>
    %lt3A_1397 = arith.cmpi slt, %broadcast_in_dim3A_1394, %lt3A_1396 : vector<1x256xi32>
    %convert_element_type3A_1398 = arith.extui %lt3A_1397 : vector<1x256xi1> to vector<1x256xi32>
    %convert_element_type3A_1399 = arith.sitofp %convert_element_type3A_1398 : vector<1x256xi32> to vector<1x256xf32>
    %mul3A_1400 = arith.mulf %mul3A_1329, %convert_element_type3A_1399 : vector<1x256xf32>
    %transpose3A_1401 = tpu.transpose %mul3A_1400, [1, 0] : vector<1x256xf32> -> vector<256x1xf32>
    %tanh3A_1402 = math.tanh %broadcast_in_dim3A_1374 : vector<256x1xf32>
    %mul3A_1403 = vector.broadcast %tanh3A_1402 : vector<256x1xf32> to vector<256x128xf32>
    %mul3A_1404 = arith.mulf %max3A_1360, %mul3A_1403 : vector<256x128xf32>
    %mul3A_1405 = vector.broadcast %transpose3A_1401 : vector<256x1xf32> to vector<256x128xf32>
    %mul3A_1406 = arith.mulf %mul3A_1404, %mul3A_1405 : vector<256x128xf32>
    %mul3A_1407 = vector.broadcast %transpose3A_1401 : vector<256x1xf32> to vector<256x256xf32>
    %mul3A_1408 = arith.mulf %mul3A_1339, %mul3A_1407 : vector<256x256xf32>
    %mul3A_1409 = vector.broadcast %mul3A_1400 : vector<1x256xf32> to vector<256x256xf32>
    %mul3A_1410 = arith.mulf %mul3A_1408, %mul3A_1409 : vector<256x256xf32>
    %dot_general3A_1411 = arith.constant dense<0.000000e+00> : vector<256x128xf32>
    %dot_general3A_1412 = tpu.matmul %mul3A_1406, %get3A_19, %dot_general3A_1411 {dimension_numbers = #tpu.dot_dimension_numbers<[1], [0], [0], [1], [0, 0, 1, 1], [], []>, precision = #tpu.contract_precision<fp32>, transpose_lhs_hint = false} : vector<256x128xf32>, vector<128x128xf32>, vector<256x128xf32> -> vector<256x128xf32>
    %reduce_sum3A_1413 = arith.constant dense<0.000000e+00> : vector<256xf32>
    %reduce_sum3A_1414 = vector.multi_reduction <add>, %mul3A_1410, %reduce_sum3A_1413 [1] : vector<256x256xf32> to vector<256xf32>
    %broadcast_in_dim3A_1415 = vector.shape_cast %reduce_sum3A_1414 : vector<256xf32> to vector<256x1xf32>
    %add3A_1416 = arith.constant 1.000000e+00 : f32
    %add3A_1417 = vector.broadcast %add3A_1416 : f32 to vector<256x1xf32>
    %add3A_1418 = arith.addf %broadcast_in_dim3A_1415, %add3A_1417 : vector<256x1xf32>
    %rsqrt3A_1419 = math.rsqrt %add3A_1418 : vector<256x1xf32>
    %mul3A_1420 = vector.broadcast %rsqrt3A_1419 : vector<256x1xf32> to vector<256x128xf32>
    %mul3A_1421 = arith.mulf %mul3A_1420, %dot_general3A_1412 : vector<256x128xf32>
    %dot_general3A_1422 = arith.constant dense<0.000000e+00> : vector<256x128xf32>
    %dot_general3A_1423 = tpu.matmul %mul3A_1410, %mul3A_1421, %dot_general3A_1422 {dimension_numbers = #tpu.dot_dimension_numbers<[1], [0], [0], [1], [0, 0, 1, 1], [], []>, precision = #tpu.contract_precision<fp32>, transpose_lhs_hint = false} : vector<256x256xf32>, vector<256x128xf32>, vector<256x128xf32> -> vector<256x128xf32>
    %add3A_1424 = arith.addf %dot_general3A_1423, %mul3A_1421 : vector<256x128xf32>
    %mul3A_1425 = vector.broadcast %rsqrt3A_1419 : vector<256x1xf32> to vector<256x128xf32>
    %mul3A_1426 = arith.mulf %mul3A_1425, %add3A_1424 : vector<256x128xf32>
    %add3A_1427 = vector.broadcast %get3A_22 : vector<1x128xf32> to vector<256x128xf32>
    %add3A_1428 = arith.addf %mul3A_1426, %add3A_1427 : vector<256x128xf32>
    %max3A_1429 = arith.constant 0.000000e+00 : f32
    %max3A_1430 = vector.broadcast %max3A_1429 : f32 to vector<256x128xf32>
    %max3A_1431 = arith.maximumf %add3A_1428, %max3A_1430 : vector<256x128xf32>
    %mul3A_1432 = arith.mulf %get3A_25, %get3A_25 : vector<1x128xf32>
    %reduce_sum3A_1433 = vector.shape_cast %mul3A_1432 : vector<1x128xf32> to vector<1x1x128xf32>
    %reduce_sum3A_1434 = arith.constant dense<0.000000e+00> : vector<1xf32>
    %reduce_sum3A_1435 = vector.multi_reduction <add>, %reduce_sum3A_1433, %reduce_sum3A_1434 [1, 2] : vector<1x1x128xf32> to vector<1xf32>
    %reduce_sum3A_1436 = vector.shape_cast %reduce_sum3A_1435 : vector<1xf32> to vector<1x1x1xf32>
    %reduce_sum3A_1437 = vector.extract %reduce_sum3A_1436[0, 0, 0] : f32 from vector<1x1x1xf32>
    %sqrt3A_1438 = math.sqrt %reduce_sum3A_1437 : f32
    %div3A_1439 = vector.broadcast %sqrt3A_1438 : f32 to vector<1x128xf32>
    %div3A_1440 = arith.divf %get3A_25, %div3A_1439 : vector<1x128xf32>
    %mul3A_1441 = vector.broadcast %div3A_1440 : vector<1x128xf32> to vector<256x128xf32>
    %mul3A_1442 = arith.mulf %max3A_1431, %mul3A_1441 : vector<256x128xf32>
    %reduce_sum3A_1443 = arith.constant dense<0.000000e+00> : vector<256xf32>
    %reduce_sum3A_1444 = vector.multi_reduction <add>, %mul3A_1442, %reduce_sum3A_1443 [1] : vector<256x128xf32> to vector<256xf32>
    %broadcast_in_dim3A_1445 = vector.shape_cast %reduce_sum3A_1444 : vector<256xf32> to vector<256x1xf32>
    %gt3A_1446 = arith.constant 0.000000e+00 : f32
    %gt3A_1447 = vector.broadcast %gt3A_1446 : f32 to vector<256x1xf32>
    %gt3A_1448 = arith.cmpf ogt, %transpose3A_1401, %gt3A_1447 : vector<256x1xf32>
    %jit3A_1449 = arith.constant 0xFF800000 : f32
    %broadcast_in_dim3A_1450 = vector.broadcast %jit3A_1449 : f32 to vector<256x1xf32>
    %select_n3A_1451 = arith.select %gt3A_1448, %broadcast_in_dim3A_1445, %broadcast_in_dim3A_1450 : vector<256x1xi1>, vector<256x1xf32>
    %transpose3A_1452 = tpu.transpose %select_n3A_1451, [1, 0] : vector<256x1xf32> -> vector<1x256xf32>
    %gt3A_1453 = vector.broadcast %select_n3A_1451 : vector<256x1xf32> to vector<256x256xf32>
    %gt3A_1454 = vector.broadcast %transpose3A_1452 : vector<1x256xf32> to vector<256x256xf32>
    %gt3A_1455 = arith.cmpf ogt, %gt3A_1453, %gt3A_1454 : vector<256x256xf32>
    %eq3A_1456 = vector.broadcast %select_n3A_1451 : vector<256x1xf32> to vector<256x256xf32>
    %eq3A_1457 = vector.broadcast %transpose3A_1452 : vector<1x256xf32> to vector<256x256xf32>
    %eq3A_1458 = arith.cmpf oeq, %eq3A_1456, %eq3A_1457 : vector<256x256xf32>
    %lt3A_1459 = arith.cmpi slt, %iota3A_1260, %iota3A_1261 : vector<256x256xi32>
    %and3A_1460 = arith.andi %eq3A_1458, %lt3A_1459 : vector<256x256xi1>
    %or3A_1461 = arith.ori %gt3A_1455, %and3A_1460 : vector<256x256xi1>
    %convert_element_type3A_1462 = arith.extui %or3A_1461 : vector<256x256xi1> to vector<256x256xi32>
    %reduce_sum3A_1463 = arith.constant dense<0> : vector<256xi32>
    %reduce_sum3A_1464 = vector.multi_reduction <add>, %convert_element_type3A_1462, %reduce_sum3A_1463 [0] : vector<256x256xi32> to vector<256xi32>
    %broadcast_in_dim3A_1465 = vector.shape_cast %reduce_sum3A_1464 : vector<256xi32> to vector<1x256xi32>
    %lt3A_1466 = arith.constant 103 : i32
    %lt3A_1467 = vector.broadcast %lt3A_1466 : i32 to vector<1x256xi32>
    %lt3A_1468 = arith.cmpi slt, %broadcast_in_dim3A_1465, %lt3A_1467 : vector<1x256xi32>
    %convert_element_type3A_1469 = arith.extui %lt3A_1468 : vector<1x256xi1> to vector<1x256xi32>
    %convert_element_type3A_1470 = arith.sitofp %convert_element_type3A_1469 : vector<1x256xi32> to vector<1x256xf32>
    %mul3A_1471 = arith.mulf %mul3A_1400, %convert_element_type3A_1470 : vector<1x256xf32>
    %transpose3A_1472 = tpu.transpose %mul3A_1471, [1, 0] : vector<1x256xf32> -> vector<256x1xf32>
    %tanh3A_1473 = math.tanh %broadcast_in_dim3A_1445 : vector<256x1xf32>
    %mul3A_1474 = vector.broadcast %tanh3A_1473 : vector<256x1xf32> to vector<256x128xf32>
    %mul3A_1475 = arith.mulf %max3A_1431, %mul3A_1474 : vector<256x128xf32>
    %mul3A_1476 = vector.broadcast %transpose3A_1472 : vector<256x1xf32> to vector<256x128xf32>
    %mul3A_1477 = arith.mulf %mul3A_1475, %mul3A_1476 : vector<256x128xf32>
    %reduce_sum3A_1478 = arith.constant dense<0.000000e+00> : vector<128xf32>
    %reduce_sum3A_1479 = vector.multi_reduction <add>, %mul3A_1477, %reduce_sum3A_1478 [0] : vector<256x128xf32> to vector<128xf32>
    %broadcast_in_dim3A_1480 = vector.shape_cast %reduce_sum3A_1479 : vector<128xf32> to vector<1x128xf32>
    %mul3A_1481 = arith.constant 0.00970873795 : f32
    %mul3A_1482 = vector.broadcast %mul3A_1481 : f32 to vector<1x128xf32>
    %mul3A_1483 = arith.mulf %broadcast_in_dim3A_1480, %mul3A_1482 : vector<1x128xf32>
    %broadcast_in_dim3A_1484 = vector.shape_cast %mul3A_1483 : vector<1x128xf32> to vector<1x128xf32>
    %broadcast_in_dim3A_1485 = vector.broadcast %broadcast_in_dim3A_1484 : vector<1x128xf32> to vector<8x128xf32>
    %swap3A_1486 = arith.constant 5 : index
    %swap3A_1487 = arith.constant 0 : index
    %swap3A_1488 = arith.constant 0 : index
    %swap3A_1489 = vector.load %arg12[%swap3A_1486, %swap3A_1487, %swap3A_1488] : memref<10x8x128xf32, #tpu.memory_space<vmem>>, vector<1x8x128xf32>
    %swap3A_1490 = vector.shape_cast %swap3A_1489 : vector<1x8x128xf32> to vector<8x128xf32>
    %swap3A_1491 = vector.shape_cast %broadcast_in_dim3A_1485 : vector<8x128xf32> to vector<1x8x128xf32>
    tpu.vector_store %arg12[%swap3A_1486, %swap3A_1487, %swap3A_1488], %swap3A_1491 {strides = array<i32>} : memref<10x8x128xf32, #tpu.memory_space<vmem>>, vector<1x8x128xf32>,
    %get3A_1492 = arith.constant 6 : index
    %get3A_1493 = arith.constant 0 : index
    %get3A_1494 = arith.constant 0 : index
    %get3A_1495 = vector.load %arg1[%get3A_1492, %get3A_1493, %get3A_1494] : memref<10x200x128xf32, #tpu.memory_space<vmem>>, vector<1x200x128xf32>
    %get3A_1496 = vector.shape_cast %get3A_1495 : vector<1x200x128xf32> to vector<200x128xf32>
    %get3A_1497 = arith.constant 6 : index
    %get3A_1498 = arith.constant 0 : index
    %get3A_1499 = arith.constant 0 : index
    %get3A_1500 = vector.load %arg2[%get3A_1497, %get3A_1498, %get3A_1499] : memref<10x200x256xf32, #tpu.memory_space<vmem>>, vector<1x200x256xf32>
    %get3A_1501 = vector.shape_cast %get3A_1500 : vector<1x200x256xf32> to vector<200x256xf32>
    %broadcast_in_dim3A_1502 = arith.constant 0.000000e+00 : f32
    %broadcast_in_dim3A_1503 = vector.broadcast %broadcast_in_dim3A_1502 : f32 to vector<56x128xf32>
    %concatenate3A_1504 = tpu.concatenate %get3A_1496, %broadcast_in_dim3A_1503 in 0 : vector<200x128xf32>, vector<56x128xf32> -> vector<256x128xf32>
    %broadcast_in_dim3A_1505 = arith.constant 0.000000e+00 : f32
    %broadcast_in_dim3A_1506 = vector.broadcast %broadcast_in_dim3A_1505 : f32 to vector<56x256xf32>
    %concatenate3A_1507 = tpu.concatenate %get3A_1501, %broadcast_in_dim3A_1506 in 0 : vector<200x256xf32>, vector<56x256xf32> -> vector<256x256xf32>
    %iota3A_1508 = tpu.iota {dimensions = array<i32: 0>} : vector<256x256xi32>
    %iota3A_1509 = tpu.iota {dimensions = array<i32: 1>} : vector<256x256xi32>
    %iota3A_1510 = tpu.iota {dimensions = array<i32: 0>} : vector<256x1xi32>
    %lt3A_1511 = arith.constant 200 : i32
    %lt3A_1512 = vector.broadcast %lt3A_1511 : i32 to vector<256x1xi32>
    %lt3A_1513 = arith.cmpi slt, %iota3A_1510, %lt3A_1512 : vector<256x1xi32>
    %convert_element_type3A_1514 = arith.extui %lt3A_1513 : vector<256x1xi1> to vector<256x1xi32>
    %convert_element_type3A_1515 = arith.sitofp %convert_element_type3A_1514 : vector<256x1xi32> to vector<256x1xf32>
    %transpose3A_1516 = tpu.transpose %convert_element_type3A_1515, [1, 0] : vector<256x1xf32> -> vector<1x256xf32>
    %dot_general3A_1517 = arith.constant dense<0.000000e+00> : vector<256x128xf32>
    %dot_general3A_1518 = tpu.matmul %concatenate3A_1504, %get3A_1, %dot_general3A_1517 {dimension_numbers = #tpu.dot_dimension_numbers<[1], [0], [0], [1], [0, 0, 1, 1], [], []>, precision = #tpu.contract_precision<fp32>, transpose_lhs_hint = false} : vector<256x128xf32>, vector<128x128xf32>, vector<256x128xf32> -> vector<256x128xf32>
    %reduce_sum3A_1519 = arith.constant dense<0.000000e+00> : vector<256xf32>
    %reduce_sum3A_1520 = vector.multi_reduction <add>, %concatenate3A_1507, %reduce_sum3A_1519 [1] : vector<256x256xf32> to vector<256xf32>
    %broadcast_in_dim3A_1521 = vector.shape_cast %reduce_sum3A_1520 : vector<256xf32> to vector<256x1xf32>
    %add3A_1522 = arith.constant 1.000000e+00 : f32
    %add3A_1523 = vector.broadcast %add3A_1522 : f32 to vector<256x1xf32>
    %add3A_1524 = arith.addf %broadcast_in_dim3A_1521, %add3A_1523 : vector<256x1xf32>
    %rsqrt3A_1525 = math.rsqrt %add3A_1524 : vector<256x1xf32>
    %mul3A_1526 = vector.broadcast %rsqrt3A_1525 : vector<256x1xf32> to vector<256x128xf32>
    %mul3A_1527 = arith.mulf %mul3A_1526, %dot_general3A_1518 : vector<256x128xf32>
    %dot_general3A_1528 = arith.constant dense<0.000000e+00> : vector<256x128xf32>
    %dot_general3A_1529 = tpu.matmul %concatenate3A_1507, %mul3A_1527, %dot_general3A_1528 {dimension_numbers = #tpu.dot_dimension_numbers<[1], [0], [0], [1], [0, 0, 1, 1], [], []>, precision = #tpu.contract_precision<fp32>, transpose_lhs_hint = false} : vector<256x256xf32>, vector<256x128xf32>, vector<256x128xf32> -> vector<256x128xf32>
    %add3A_1530 = arith.addf %dot_general3A_1529, %mul3A_1527 : vector<256x128xf32>
    %mul3A_1531 = vector.broadcast %rsqrt3A_1525 : vector<256x1xf32> to vector<256x128xf32>
    %mul3A_1532 = arith.mulf %mul3A_1531, %add3A_1530 : vector<256x128xf32>
    %add3A_1533 = vector.broadcast %get3A_4 : vector<1x128xf32> to vector<256x128xf32>
    %add3A_1534 = arith.addf %mul3A_1532, %add3A_1533 : vector<256x128xf32>
    %max3A_1535 = arith.constant 0.000000e+00 : f32
    %max3A_1536 = vector.broadcast %max3A_1535 : f32 to vector<256x128xf32>
    %max3A_1537 = arith.maximumf %add3A_1534, %max3A_1536 : vector<256x128xf32>
    %mul3A_1538 = arith.mulf %get3A_7, %get3A_7 : vector<1x128xf32>
    %reduce_sum3A_1539 = vector.shape_cast %mul3A_1538 : vector<1x128xf32> to vector<1x1x128xf32>
    %reduce_sum3A_1540 = arith.constant dense<0.000000e+00> : vector<1xf32>
    %reduce_sum3A_1541 = vector.multi_reduction <add>, %reduce_sum3A_1539, %reduce_sum3A_1540 [1, 2] : vector<1x1x128xf32> to vector<1xf32>
    %reduce_sum3A_1542 = vector.shape_cast %reduce_sum3A_1541 : vector<1xf32> to vector<1x1x1xf32>
    %reduce_sum3A_1543 = vector.extract %reduce_sum3A_1542[0, 0, 0] : f32 from vector<1x1x1xf32>
    %sqrt3A_1544 = math.sqrt %reduce_sum3A_1543 : f32
    %div3A_1545 = vector.broadcast %sqrt3A_1544 : f32 to vector<1x128xf32>
    %div3A_1546 = arith.divf %get3A_7, %div3A_1545 : vector<1x128xf32>
    %mul3A_1547 = vector.broadcast %div3A_1546 : vector<1x128xf32> to vector<256x128xf32>
    %mul3A_1548 = arith.mulf %max3A_1537, %mul3A_1547 : vector<256x128xf32>
    %reduce_sum3A_1549 = arith.constant dense<0.000000e+00> : vector<256xf32>
    %reduce_sum3A_1550 = vector.multi_reduction <add>, %mul3A_1548, %reduce_sum3A_1549 [1] : vector<256x128xf32> to vector<256xf32>
    %broadcast_in_dim3A_1551 = vector.shape_cast %reduce_sum3A_1550 : vector<256xf32> to vector<256x1xf32>
    %gt3A_1552 = arith.constant 0.000000e+00 : f32
    %gt3A_1553 = vector.broadcast %gt3A_1552 : f32 to vector<256x1xf32>
    %gt3A_1554 = arith.cmpf ogt, %convert_element_type3A_1515, %gt3A_1553 : vector<256x1xf32>
    %jit3A_1555 = arith.constant 0xFF800000 : f32
    %broadcast_in_dim3A_1556 = vector.broadcast %jit3A_1555 : f32 to vector<256x1xf32>
    %select_n3A_1557 = arith.select %gt3A_1554, %broadcast_in_dim3A_1551, %broadcast_in_dim3A_1556 : vector<256x1xi1>, vector<256x1xf32>
    %transpose3A_1558 = tpu.transpose %select_n3A_1557, [1, 0] : vector<256x1xf32> -> vector<1x256xf32>
    %gt3A_1559 = vector.broadcast %select_n3A_1557 : vector<256x1xf32> to vector<256x256xf32>
    %gt3A_1560 = vector.broadcast %transpose3A_1558 : vector<1x256xf32> to vector<256x256xf32>
    %gt3A_1561 = arith.cmpf ogt, %gt3A_1559, %gt3A_1560 : vector<256x256xf32>
    %eq3A_1562 = vector.broadcast %select_n3A_1557 : vector<256x1xf32> to vector<256x256xf32>
    %eq3A_1563 = vector.broadcast %transpose3A_1558 : vector<1x256xf32> to vector<256x256xf32>
    %eq3A_1564 = arith.cmpf oeq, %eq3A_1562, %eq3A_1563 : vector<256x256xf32>
    %lt3A_1565 = arith.cmpi slt, %iota3A_1508, %iota3A_1509 : vector<256x256xi32>
    %and3A_1566 = arith.andi %eq3A_1564, %lt3A_1565 : vector<256x256xi1>
    %or3A_1567 = arith.ori %gt3A_1561, %and3A_1566 : vector<256x256xi1>
    %convert_element_type3A_1568 = arith.extui %or3A_1567 : vector<256x256xi1> to vector<256x256xi32>
    %reduce_sum3A_1569 = arith.constant dense<0> : vector<256xi32>
    %reduce_sum3A_1570 = vector.multi_reduction <add>, %convert_element_type3A_1568, %reduce_sum3A_1569 [0] : vector<256x256xi32> to vector<256xi32>
    %broadcast_in_dim3A_1571 = vector.shape_cast %reduce_sum3A_1570 : vector<256xi32> to vector<1x256xi32>
    %lt3A_1572 = arith.constant 160 : i32
    %lt3A_1573 = vector.broadcast %lt3A_1572 : i32 to vector<1x256xi32>
    %lt3A_1574 = arith.cmpi slt, %broadcast_in_dim3A_1571, %lt3A_1573 : vector<1x256xi32>
    %convert_element_type3A_1575 = arith.extui %lt3A_1574 : vector<1x256xi1> to vector<1x256xi32>
    %convert_element_type3A_1576 = arith.sitofp %convert_element_type3A_1575 : vector<1x256xi32> to vector<1x256xf32>
    %mul3A_1577 = arith.mulf %transpose3A_1516, %convert_element_type3A_1576 : vector<1x256xf32>
    %transpose3A_1578 = tpu.transpose %mul3A_1577, [1, 0] : vector<1x256xf32> -> vector<256x1xf32>
    %tanh3A_1579 = math.tanh %broadcast_in_dim3A_1551 : vector<256x1xf32>
    %mul3A_1580 = vector.broadcast %tanh3A_1579 : vector<256x1xf32> to vector<256x128xf32>
    %mul3A_1581 = arith.mulf %max3A_1537, %mul3A_1580 : vector<256x128xf32>
    %mul3A_1582 = vector.broadcast %transpose3A_1578 : vector<256x1xf32> to vector<256x128xf32>
    %mul3A_1583 = arith.mulf %mul3A_1581, %mul3A_1582 : vector<256x128xf32>
    %mul3A_1584 = vector.broadcast %transpose3A_1578 : vector<256x1xf32> to vector<256x256xf32>
    %mul3A_1585 = arith.mulf %concatenate3A_1507, %mul3A_1584 : vector<256x256xf32>
    %mul3A_1586 = vector.broadcast %mul3A_1577 : vector<1x256xf32> to vector<256x256xf32>
    %mul3A_1587 = arith.mulf %mul3A_1585, %mul3A_1586 : vector<256x256xf32>
    %dot_general3A_1588 = arith.constant dense<0.000000e+00> : vector<256x128xf32>
    %dot_general3A_1589 = tpu.matmul %mul3A_1583, %get3A_10, %dot_general3A_1588 {dimension_numbers = #tpu.dot_dimension_numbers<[1], [0], [0], [1], [0, 0, 1, 1], [], []>, precision = #tpu.contract_precision<fp32>, transpose_lhs_hint = false} : vector<256x128xf32>, vector<128x128xf32>, vector<256x128xf32> -> vector<256x128xf32>
    %reduce_sum3A_1590 = arith.constant dense<0.000000e+00> : vector<256xf32>
    %reduce_sum3A_1591 = vector.multi_reduction <add>, %mul3A_1587, %reduce_sum3A_1590 [1] : vector<256x256xf32> to vector<256xf32>
    %broadcast_in_dim3A_1592 = vector.shape_cast %reduce_sum3A_1591 : vector<256xf32> to vector<256x1xf32>
    %add3A_1593 = arith.constant 1.000000e+00 : f32
    %add3A_1594 = vector.broadcast %add3A_1593 : f32 to vector<256x1xf32>
    %add3A_1595 = arith.addf %broadcast_in_dim3A_1592, %add3A_1594 : vector<256x1xf32>
    %rsqrt3A_1596 = math.rsqrt %add3A_1595 : vector<256x1xf32>
    %mul3A_1597 = vector.broadcast %rsqrt3A_1596 : vector<256x1xf32> to vector<256x128xf32>
    %mul3A_1598 = arith.mulf %mul3A_1597, %dot_general3A_1589 : vector<256x128xf32>
    %dot_general3A_1599 = arith.constant dense<0.000000e+00> : vector<256x128xf32>
    %dot_general3A_1600 = tpu.matmul %mul3A_1587, %mul3A_1598, %dot_general3A_1599 {dimension_numbers = #tpu.dot_dimension_numbers<[1], [0], [0], [1], [0, 0, 1, 1], [], []>, precision = #tpu.contract_precision<fp32>, transpose_lhs_hint = false} : vector<256x256xf32>, vector<256x128xf32>, vector<256x128xf32> -> vector<256x128xf32>
    %add3A_1601 = arith.addf %dot_general3A_1600, %mul3A_1598 : vector<256x128xf32>
    %mul3A_1602 = vector.broadcast %rsqrt3A_1596 : vector<256x1xf32> to vector<256x128xf32>
    %mul3A_1603 = arith.mulf %mul3A_1602, %add3A_1601 : vector<256x128xf32>
    %add3A_1604 = vector.broadcast %get3A_13 : vector<1x128xf32> to vector<256x128xf32>
    %add3A_1605 = arith.addf %mul3A_1603, %add3A_1604 : vector<256x128xf32>
    %max3A_1606 = arith.constant 0.000000e+00 : f32
    %max3A_1607 = vector.broadcast %max3A_1606 : f32 to vector<256x128xf32>
    %max3A_1608 = arith.maximumf %add3A_1605, %max3A_1607 : vector<256x128xf32>
    %mul3A_1609 = arith.mulf %get3A_16, %get3A_16 : vector<1x128xf32>
    %reduce_sum3A_1610 = vector.shape_cast %mul3A_1609 : vector<1x128xf32> to vector<1x1x128xf32>
    %reduce_sum3A_1611 = arith.constant dense<0.000000e+00> : vector<1xf32>
    %reduce_sum3A_1612 = vector.multi_reduction <add>, %reduce_sum3A_1610, %reduce_sum3A_1611 [1, 2] : vector<1x1x128xf32> to vector<1xf32>
    %reduce_sum3A_1613 = vector.shape_cast %reduce_sum3A_1612 : vector<1xf32> to vector<1x1x1xf32>
    %reduce_sum3A_1614 = vector.extract %reduce_sum3A_1613[0, 0, 0] : f32 from vector<1x1x1xf32>
    %sqrt3A_1615 = math.sqrt %reduce_sum3A_1614 : f32
    %div3A_1616 = vector.broadcast %sqrt3A_1615 : f32 to vector<1x128xf32>
    %div3A_1617 = arith.divf %get3A_16, %div3A_1616 : vector<1x128xf32>
    %mul3A_1618 = vector.broadcast %div3A_1617 : vector<1x128xf32> to vector<256x128xf32>
    %mul3A_1619 = arith.mulf %max3A_1608, %mul3A_1618 : vector<256x128xf32>
    %reduce_sum3A_1620 = arith.constant dense<0.000000e+00> : vector<256xf32>
    %reduce_sum3A_1621 = vector.multi_reduction <add>, %mul3A_1619, %reduce_sum3A_1620 [1] : vector<256x128xf32> to vector<256xf32>
    %broadcast_in_dim3A_1622 = vector.shape_cast %reduce_sum3A_1621 : vector<256xf32> to vector<256x1xf32>
    %gt3A_1623 = arith.constant 0.000000e+00 : f32
    %gt3A_1624 = vector.broadcast %gt3A_1623 : f32 to vector<256x1xf32>
    %gt3A_1625 = arith.cmpf ogt, %transpose3A_1578, %gt3A_1624 : vector<256x1xf32>
    %jit3A_1626 = arith.constant 0xFF800000 : f32
    %broadcast_in_dim3A_1627 = vector.broadcast %jit3A_1626 : f32 to vector<256x1xf32>
    %select_n3A_1628 = arith.select %gt3A_1625, %broadcast_in_dim3A_1622, %broadcast_in_dim3A_1627 : vector<256x1xi1>, vector<256x1xf32>
    %transpose3A_1629 = tpu.transpose %select_n3A_1628, [1, 0] : vector<256x1xf32> -> vector<1x256xf32>
    %gt3A_1630 = vector.broadcast %select_n3A_1628 : vector<256x1xf32> to vector<256x256xf32>
    %gt3A_1631 = vector.broadcast %transpose3A_1629 : vector<1x256xf32> to vector<256x256xf32>
    %gt3A_1632 = arith.cmpf ogt, %gt3A_1630, %gt3A_1631 : vector<256x256xf32>
    %eq3A_1633 = vector.broadcast %select_n3A_1628 : vector<256x1xf32> to vector<256x256xf32>
    %eq3A_1634 = vector.broadcast %transpose3A_1629 : vector<1x256xf32> to vector<256x256xf32>
    %eq3A_1635 = arith.cmpf oeq, %eq3A_1633, %eq3A_1634 : vector<256x256xf32>
    %lt3A_1636 = arith.cmpi slt, %iota3A_1508, %iota3A_1509 : vector<256x256xi32>
    %and3A_1637 = arith.andi %eq3A_1635, %lt3A_1636 : vector<256x256xi1>
    %or3A_1638 = arith.ori %gt3A_1632, %and3A_1637 : vector<256x256xi1>
    %convert_element_type3A_1639 = arith.extui %or3A_1638 : vector<256x256xi1> to vector<256x256xi32>
    %reduce_sum3A_1640 = arith.constant dense<0> : vector<256xi32>
    %reduce_sum3A_1641 = vector.multi_reduction <add>, %convert_element_type3A_1639, %reduce_sum3A_1640 [0] : vector<256x256xi32> to vector<256xi32>
    %broadcast_in_dim3A_1642 = vector.shape_cast %reduce_sum3A_1641 : vector<256xi32> to vector<1x256xi32>
    %lt3A_1643 = arith.constant 128 : i32
    %lt3A_1644 = vector.broadcast %lt3A_1643 : i32 to vector<1x256xi32>
    %lt3A_1645 = arith.cmpi slt, %broadcast_in_dim3A_1642, %lt3A_1644 : vector<1x256xi32>
    %convert_element_type3A_1646 = arith.extui %lt3A_1645 : vector<1x256xi1> to vector<1x256xi32>
    %convert_element_type3A_1647 = arith.sitofp %convert_element_type3A_1646 : vector<1x256xi32> to vector<1x256xf32>
    %mul3A_1648 = arith.mulf %mul3A_1577, %convert_element_type3A_1647 : vector<1x256xf32>
    %transpose3A_1649 = tpu.transpose %mul3A_1648, [1, 0] : vector<1x256xf32> -> vector<256x1xf32>
    %tanh3A_1650 = math.tanh %broadcast_in_dim3A_1622 : vector<256x1xf32>
    %mul3A_1651 = vector.broadcast %tanh3A_1650 : vector<256x1xf32> to vector<256x128xf32>
    %mul3A_1652 = arith.mulf %max3A_1608, %mul3A_1651 : vector<256x128xf32>
    %mul3A_1653 = vector.broadcast %transpose3A_1649 : vector<256x1xf32> to vector<256x128xf32>
    %mul3A_1654 = arith.mulf %mul3A_1652, %mul3A_1653 : vector<256x128xf32>
    %mul3A_1655 = vector.broadcast %transpose3A_1649 : vector<256x1xf32> to vector<256x256xf32>
    %mul3A_1656 = arith.mulf %mul3A_1587, %mul3A_1655 : vector<256x256xf32>
    %mul3A_1657 = vector.broadcast %mul3A_1648 : vector<1x256xf32> to vector<256x256xf32>
    %mul3A_1658 = arith.mulf %mul3A_1656, %mul3A_1657 : vector<256x256xf32>
    %dot_general3A_1659 = arith.constant dense<0.000000e+00> : vector<256x128xf32>
    %dot_general3A_1660 = tpu.matmul %mul3A_1654, %get3A_19, %dot_general3A_1659 {dimension_numbers = #tpu.dot_dimension_numbers<[1], [0], [0], [1], [0, 0, 1, 1], [], []>, precision = #tpu.contract_precision<fp32>, transpose_lhs_hint = false} : vector<256x128xf32>, vector<128x128xf32>, vector<256x128xf32> -> vector<256x128xf32>
    %reduce_sum3A_1661 = arith.constant dense<0.000000e+00> : vector<256xf32>
    %reduce_sum3A_1662 = vector.multi_reduction <add>, %mul3A_1658, %reduce_sum3A_1661 [1] : vector<256x256xf32> to vector<256xf32>
    %broadcast_in_dim3A_1663 = vector.shape_cast %reduce_sum3A_1662 : vector<256xf32> to vector<256x1xf32>
    %add3A_1664 = arith.constant 1.000000e+00 : f32
    %add3A_1665 = vector.broadcast %add3A_1664 : f32 to vector<256x1xf32>
    %add3A_1666 = arith.addf %broadcast_in_dim3A_1663, %add3A_1665 : vector<256x1xf32>
    %rsqrt3A_1667 = math.rsqrt %add3A_1666 : vector<256x1xf32>
    %mul3A_1668 = vector.broadcast %rsqrt3A_1667 : vector<256x1xf32> to vector<256x128xf32>
    %mul3A_1669 = arith.mulf %mul3A_1668, %dot_general3A_1660 : vector<256x128xf32>
    %dot_general3A_1670 = arith.constant dense<0.000000e+00> : vector<256x128xf32>
    %dot_general3A_1671 = tpu.matmul %mul3A_1658, %mul3A_1669, %dot_general3A_1670 {dimension_numbers = #tpu.dot_dimension_numbers<[1], [0], [0], [1], [0, 0, 1, 1], [], []>, precision = #tpu.contract_precision<fp32>, transpose_lhs_hint = false} : vector<256x256xf32>, vector<256x128xf32>, vector<256x128xf32> -> vector<256x128xf32>
    %add3A_1672 = arith.addf %dot_general3A_1671, %mul3A_1669 : vector<256x128xf32>
    %mul3A_1673 = vector.broadcast %rsqrt3A_1667 : vector<256x1xf32> to vector<256x128xf32>
    %mul3A_1674 = arith.mulf %mul3A_1673, %add3A_1672 : vector<256x128xf32>
    %add3A_1675 = vector.broadcast %get3A_22 : vector<1x128xf32> to vector<256x128xf32>
    %add3A_1676 = arith.addf %mul3A_1674, %add3A_1675 : vector<256x128xf32>
    %max3A_1677 = arith.constant 0.000000e+00 : f32
    %max3A_1678 = vector.broadcast %max3A_1677 : f32 to vector<256x128xf32>
    %max3A_1679 = arith.maximumf %add3A_1676, %max3A_1678 : vector<256x128xf32>
    %mul3A_1680 = arith.mulf %get3A_25, %get3A_25 : vector<1x128xf32>
    %reduce_sum3A_1681 = vector.shape_cast %mul3A_1680 : vector<1x128xf32> to vector<1x1x128xf32>
    %reduce_sum3A_1682 = arith.constant dense<0.000000e+00> : vector<1xf32>
    %reduce_sum3A_1683 = vector.multi_reduction <add>, %reduce_sum3A_1681, %reduce_sum3A_1682 [1, 2] : vector<1x1x128xf32> to vector<1xf32>
    %reduce_sum3A_1684 = vector.shape_cast %reduce_sum3A_1683 : vector<1xf32> to vector<1x1x1xf32>
    %reduce_sum3A_1685 = vector.extract %reduce_sum3A_1684[0, 0, 0] : f32 from vector<1x1x1xf32>
    %sqrt3A_1686 = math.sqrt %reduce_sum3A_1685 : f32
    %div3A_1687 = vector.broadcast %sqrt3A_1686 : f32 to vector<1x128xf32>
    %div3A_1688 = arith.divf %get3A_25, %div3A_1687 : vector<1x128xf32>
    %mul3A_1689 = vector.broadcast %div3A_1688 : vector<1x128xf32> to vector<256x128xf32>
    %mul3A_1690 = arith.mulf %max3A_1679, %mul3A_1689 : vector<256x128xf32>
    %reduce_sum3A_1691 = arith.constant dense<0.000000e+00> : vector<256xf32>
    %reduce_sum3A_1692 = vector.multi_reduction <add>, %mul3A_1690, %reduce_sum3A_1691 [1] : vector<256x128xf32> to vector<256xf32>
    %broadcast_in_dim3A_1693 = vector.shape_cast %reduce_sum3A_1692 : vector<256xf32> to vector<256x1xf32>
    %gt3A_1694 = arith.constant 0.000000e+00 : f32
    %gt3A_1695 = vector.broadcast %gt3A_1694 : f32 to vector<256x1xf32>
    %gt3A_1696 = arith.cmpf ogt, %transpose3A_1649, %gt3A_1695 : vector<256x1xf32>
    %jit3A_1697 = arith.constant 0xFF800000 : f32
    %broadcast_in_dim3A_1698 = vector.broadcast %jit3A_1697 : f32 to vector<256x1xf32>
    %select_n3A_1699 = arith.select %gt3A_1696, %broadcast_in_dim3A_1693, %broadcast_in_dim3A_1698 : vector<256x1xi1>, vector<256x1xf32>
    %transpose3A_1700 = tpu.transpose %select_n3A_1699, [1, 0] : vector<256x1xf32> -> vector<1x256xf32>
    %gt3A_1701 = vector.broadcast %select_n3A_1699 : vector<256x1xf32> to vector<256x256xf32>
    %gt3A_1702 = vector.broadcast %transpose3A_1700 : vector<1x256xf32> to vector<256x256xf32>
    %gt3A_1703 = arith.cmpf ogt, %gt3A_1701, %gt3A_1702 : vector<256x256xf32>
    %eq3A_1704 = vector.broadcast %select_n3A_1699 : vector<256x1xf32> to vector<256x256xf32>
    %eq3A_1705 = vector.broadcast %transpose3A_1700 : vector<1x256xf32> to vector<256x256xf32>
    %eq3A_1706 = arith.cmpf oeq, %eq3A_1704, %eq3A_1705 : vector<256x256xf32>
    %lt3A_1707 = arith.cmpi slt, %iota3A_1508, %iota3A_1509 : vector<256x256xi32>
    %and3A_1708 = arith.andi %eq3A_1706, %lt3A_1707 : vector<256x256xi1>
    %or3A_1709 = arith.ori %gt3A_1703, %and3A_1708 : vector<256x256xi1>
    %convert_element_type3A_1710 = arith.extui %or3A_1709 : vector<256x256xi1> to vector<256x256xi32>
    %reduce_sum3A_1711 = arith.constant dense<0> : vector<256xi32>
    %reduce_sum3A_1712 = vector.multi_reduction <add>, %convert_element_type3A_1710, %reduce_sum3A_1711 [0] : vector<256x256xi32> to vector<256xi32>
    %broadcast_in_dim3A_1713 = vector.shape_cast %reduce_sum3A_1712 : vector<256xi32> to vector<1x256xi32>
    %lt3A_1714 = arith.constant 103 : i32
    %lt3A_1715 = vector.broadcast %lt3A_1714 : i32 to vector<1x256xi32>
    %lt3A_1716 = arith.cmpi slt, %broadcast_in_dim3A_1713, %lt3A_1715 : vector<1x256xi32>
    %convert_element_type3A_1717 = arith.extui %lt3A_1716 : vector<1x256xi1> to vector<1x256xi32>
    %convert_element_type3A_1718 = arith.sitofp %convert_element_type3A_1717 : vector<1x256xi32> to vector<1x256xf32>
    %mul3A_1719 = arith.mulf %mul3A_1648, %convert_element_type3A_1718 : vector<1x256xf32>
    %transpose3A_1720 = tpu.transpose %mul3A_1719, [1, 0] : vector<1x256xf32> -> vector<256x1xf32>
    %tanh3A_1721 = math.tanh %broadcast_in_dim3A_1693 : vector<256x1xf32>
    %mul3A_1722 = vector.broadcast %tanh3A_1721 : vector<256x1xf32> to vector<256x128xf32>
    %mul3A_1723 = arith.mulf %max3A_1679, %mul3A_1722 : vector<256x128xf32>
    %mul3A_1724 = vector.broadcast %transpose3A_1720 : vector<256x1xf32> to vector<256x128xf32>
    %mul3A_1725 = arith.mulf %mul3A_1723, %mul3A_1724 : vector<256x128xf32>
    %reduce_sum3A_1726 = arith.constant dense<0.000000e+00> : vector<128xf32>
    %reduce_sum3A_1727 = vector.multi_reduction <add>, %mul3A_1725, %reduce_sum3A_1726 [0] : vector<256x128xf32> to vector<128xf32>
    %broadcast_in_dim3A_1728 = vector.shape_cast %reduce_sum3A_1727 : vector<128xf32> to vector<1x128xf32>
    %mul3A_1729 = arith.constant 0.00970873795 : f32
    %mul3A_1730 = vector.broadcast %mul3A_1729 : f32 to vector<1x128xf32>
    %mul3A_1731 = arith.mulf %broadcast_in_dim3A_1728, %mul3A_1730 : vector<1x128xf32>
    %broadcast_in_dim3A_1732 = vector.shape_cast %mul3A_1731 : vector<1x128xf32> to vector<1x128xf32>
    %broadcast_in_dim3A_1733 = vector.broadcast %broadcast_in_dim3A_1732 : vector<1x128xf32> to vector<8x128xf32>
    %swap3A_1734 = arith.constant 6 : index
    %swap3A_1735 = arith.constant 0 : index
    %swap3A_1736 = arith.constant 0 : index
    %swap3A_1737 = vector.load %arg12[%swap3A_1734, %swap3A_1735, %swap3A_1736] : memref<10x8x128xf32, #tpu.memory_space<vmem>>, vector<1x8x128xf32>
    %swap3A_1738 = vector.shape_cast %swap3A_1737 : vector<1x8x128xf32> to vector<8x128xf32>
    %swap3A_1739 = vector.shape_cast %broadcast_in_dim3A_1733 : vector<8x128xf32> to vector<1x8x128xf32>
    tpu.vector_store %arg12[%swap3A_1734, %swap3A_1735, %swap3A_1736], %swap3A_1739 {strides = array<i32>} : memref<10x8x128xf32, #tpu.memory_space<vmem>>, vector<1x8x128xf32>,
    %get3A_1740 = arith.constant 7 : index
    %get3A_1741 = arith.constant 0 : index
    %get3A_1742 = arith.constant 0 : index
    %get3A_1743 = vector.load %arg1[%get3A_1740, %get3A_1741, %get3A_1742] : memref<10x200x128xf32, #tpu.memory_space<vmem>>, vector<1x200x128xf32>
    %get3A_1744 = vector.shape_cast %get3A_1743 : vector<1x200x128xf32> to vector<200x128xf32>
    %get3A_1745 = arith.constant 7 : index
    %get3A_1746 = arith.constant 0 : index
    %get3A_1747 = arith.constant 0 : index
    %get3A_1748 = vector.load %arg2[%get3A_1745, %get3A_1746, %get3A_1747] : memref<10x200x256xf32, #tpu.memory_space<vmem>>, vector<1x200x256xf32>
    %get3A_1749 = vector.shape_cast %get3A_1748 : vector<1x200x256xf32> to vector<200x256xf32>
    %broadcast_in_dim3A_1750 = arith.constant 0.000000e+00 : f32
    %broadcast_in_dim3A_1751 = vector.broadcast %broadcast_in_dim3A_1750 : f32 to vector<56x128xf32>
    %concatenate3A_1752 = tpu.concatenate %get3A_1744, %broadcast_in_dim3A_1751 in 0 : vector<200x128xf32>, vector<56x128xf32> -> vector<256x128xf32>
    %broadcast_in_dim3A_1753 = arith.constant 0.000000e+00 : f32
    %broadcast_in_dim3A_1754 = vector.broadcast %broadcast_in_dim3A_1753 : f32 to vector<56x256xf32>
    %concatenate3A_1755 = tpu.concatenate %get3A_1749, %broadcast_in_dim3A_1754 in 0 : vector<200x256xf32>, vector<56x256xf32> -> vector<256x256xf32>
    %iota3A_1756 = tpu.iota {dimensions = array<i32: 0>} : vector<256x256xi32>
    %iota3A_1757 = tpu.iota {dimensions = array<i32: 1>} : vector<256x256xi32>
    %iota3A_1758 = tpu.iota {dimensions = array<i32: 0>} : vector<256x1xi32>
    %lt3A_1759 = arith.constant 200 : i32
    %lt3A_1760 = vector.broadcast %lt3A_1759 : i32 to vector<256x1xi32>
    %lt3A_1761 = arith.cmpi slt, %iota3A_1758, %lt3A_1760 : vector<256x1xi32>
    %convert_element_type3A_1762 = arith.extui %lt3A_1761 : vector<256x1xi1> to vector<256x1xi32>
    %convert_element_type3A_1763 = arith.sitofp %convert_element_type3A_1762 : vector<256x1xi32> to vector<256x1xf32>
    %transpose3A_1764 = tpu.transpose %convert_element_type3A_1763, [1, 0] : vector<256x1xf32> -> vector<1x256xf32>
    %dot_general3A_1765 = arith.constant dense<0.000000e+00> : vector<256x128xf32>
    %dot_general3A_1766 = tpu.matmul %concatenate3A_1752, %get3A_1, %dot_general3A_1765 {dimension_numbers = #tpu.dot_dimension_numbers<[1], [0], [0], [1], [0, 0, 1, 1], [], []>, precision = #tpu.contract_precision<fp32>, transpose_lhs_hint = false} : vector<256x128xf32>, vector<128x128xf32>, vector<256x128xf32> -> vector<256x128xf32>
    %reduce_sum3A_1767 = arith.constant dense<0.000000e+00> : vector<256xf32>
    %reduce_sum3A_1768 = vector.multi_reduction <add>, %concatenate3A_1755, %reduce_sum3A_1767 [1] : vector<256x256xf32> to vector<256xf32>
    %broadcast_in_dim3A_1769 = vector.shape_cast %reduce_sum3A_1768 : vector<256xf32> to vector<256x1xf32>
    %add3A_1770 = arith.constant 1.000000e+00 : f32
    %add3A_1771 = vector.broadcast %add3A_1770 : f32 to vector<256x1xf32>
    %add3A_1772 = arith.addf %broadcast_in_dim3A_1769, %add3A_1771 : vector<256x1xf32>
    %rsqrt3A_1773 = math.rsqrt %add3A_1772 : vector<256x1xf32>
    %mul3A_1774 = vector.broadcast %rsqrt3A_1773 : vector<256x1xf32> to vector<256x128xf32>
    %mul3A_1775 = arith.mulf %mul3A_1774, %dot_general3A_1766 : vector<256x128xf32>
    %dot_general3A_1776 = arith.constant dense<0.000000e+00> : vector<256x128xf32>
    %dot_general3A_1777 = tpu.matmul %concatenate3A_1755, %mul3A_1775, %dot_general3A_1776 {dimension_numbers = #tpu.dot_dimension_numbers<[1], [0], [0], [1], [0, 0, 1, 1], [], []>, precision = #tpu.contract_precision<fp32>, transpose_lhs_hint = false} : vector<256x256xf32>, vector<256x128xf32>, vector<256x128xf32> -> vector<256x128xf32>
    %add3A_1778 = arith.addf %dot_general3A_1777, %mul3A_1775 : vector<256x128xf32>
    %mul3A_1779 = vector.broadcast %rsqrt3A_1773 : vector<256x1xf32> to vector<256x128xf32>
    %mul3A_1780 = arith.mulf %mul3A_1779, %add3A_1778 : vector<256x128xf32>
    %add3A_1781 = vector.broadcast %get3A_4 : vector<1x128xf32> to vector<256x128xf32>
    %add3A_1782 = arith.addf %mul3A_1780, %add3A_1781 : vector<256x128xf32>
    %max3A_1783 = arith.constant 0.000000e+00 : f32
    %max3A_1784 = vector.broadcast %max3A_1783 : f32 to vector<256x128xf32>
    %max3A_1785 = arith.maximumf %add3A_1782, %max3A_1784 : vector<256x128xf32>
    %mul3A_1786 = arith.mulf %get3A_7, %get3A_7 : vector<1x128xf32>
    %reduce_sum3A_1787 = vector.shape_cast %mul3A_1786 : vector<1x128xf32> to vector<1x1x128xf32>
    %reduce_sum3A_1788 = arith.constant dense<0.000000e+00> : vector<1xf32>
    %reduce_sum3A_1789 = vector.multi_reduction <add>, %reduce_sum3A_1787, %reduce_sum3A_1788 [1, 2] : vector<1x1x128xf32> to vector<1xf32>
    %reduce_sum3A_1790 = vector.shape_cast %reduce_sum3A_1789 : vector<1xf32> to vector<1x1x1xf32>
    %reduce_sum3A_1791 = vector.extract %reduce_sum3A_1790[0, 0, 0] : f32 from vector<1x1x1xf32>
    %sqrt3A_1792 = math.sqrt %reduce_sum3A_1791 : f32
    %div3A_1793 = vector.broadcast %sqrt3A_1792 : f32 to vector<1x128xf32>
    %div3A_1794 = arith.divf %get3A_7, %div3A_1793 : vector<1x128xf32>
    %mul3A_1795 = vector.broadcast %div3A_1794 : vector<1x128xf32> to vector<256x128xf32>
    %mul3A_1796 = arith.mulf %max3A_1785, %mul3A_1795 : vector<256x128xf32>
    %reduce_sum3A_1797 = arith.constant dense<0.000000e+00> : vector<256xf32>
    %reduce_sum3A_1798 = vector.multi_reduction <add>, %mul3A_1796, %reduce_sum3A_1797 [1] : vector<256x128xf32> to vector<256xf32>
    %broadcast_in_dim3A_1799 = vector.shape_cast %reduce_sum3A_1798 : vector<256xf32> to vector<256x1xf32>
    %gt3A_1800 = arith.constant 0.000000e+00 : f32
    %gt3A_1801 = vector.broadcast %gt3A_1800 : f32 to vector<256x1xf32>
    %gt3A_1802 = arith.cmpf ogt, %convert_element_type3A_1763, %gt3A_1801 : vector<256x1xf32>
    %jit3A_1803 = arith.constant 0xFF800000 : f32
    %broadcast_in_dim3A_1804 = vector.broadcast %jit3A_1803 : f32 to vector<256x1xf32>
    %select_n3A_1805 = arith.select %gt3A_1802, %broadcast_in_dim3A_1799, %broadcast_in_dim3A_1804 : vector<256x1xi1>, vector<256x1xf32>
    %transpose3A_1806 = tpu.transpose %select_n3A_1805, [1, 0] : vector<256x1xf32> -> vector<1x256xf32>
    %gt3A_1807 = vector.broadcast %select_n3A_1805 : vector<256x1xf32> to vector<256x256xf32>
    %gt3A_1808 = vector.broadcast %transpose3A_1806 : vector<1x256xf32> to vector<256x256xf32>
    %gt3A_1809 = arith.cmpf ogt, %gt3A_1807, %gt3A_1808 : vector<256x256xf32>
    %eq3A_1810 = vector.broadcast %select_n3A_1805 : vector<256x1xf32> to vector<256x256xf32>
    %eq3A_1811 = vector.broadcast %transpose3A_1806 : vector<1x256xf32> to vector<256x256xf32>
    %eq3A_1812 = arith.cmpf oeq, %eq3A_1810, %eq3A_1811 : vector<256x256xf32>
    %lt3A_1813 = arith.cmpi slt, %iota3A_1756, %iota3A_1757 : vector<256x256xi32>
    %and3A_1814 = arith.andi %eq3A_1812, %lt3A_1813 : vector<256x256xi1>
    %or3A_1815 = arith.ori %gt3A_1809, %and3A_1814 : vector<256x256xi1>
    %convert_element_type3A_1816 = arith.extui %or3A_1815 : vector<256x256xi1> to vector<256x256xi32>
    %reduce_sum3A_1817 = arith.constant dense<0> : vector<256xi32>
    %reduce_sum3A_1818 = vector.multi_reduction <add>, %convert_element_type3A_1816, %reduce_sum3A_1817 [0] : vector<256x256xi32> to vector<256xi32>
    %broadcast_in_dim3A_1819 = vector.shape_cast %reduce_sum3A_1818 : vector<256xi32> to vector<1x256xi32>
    %lt3A_1820 = arith.constant 160 : i32
    %lt3A_1821 = vector.broadcast %lt3A_1820 : i32 to vector<1x256xi32>
    %lt3A_1822 = arith.cmpi slt, %broadcast_in_dim3A_1819, %lt3A_1821 : vector<1x256xi32>
    %convert_element_type3A_1823 = arith.extui %lt3A_1822 : vector<1x256xi1> to vector<1x256xi32>
    %convert_element_type3A_1824 = arith.sitofp %convert_element_type3A_1823 : vector<1x256xi32> to vector<1x256xf32>
    %mul3A_1825 = arith.mulf %transpose3A_1764, %convert_element_type3A_1824 : vector<1x256xf32>
    %transpose3A_1826 = tpu.transpose %mul3A_1825, [1, 0] : vector<1x256xf32> -> vector<256x1xf32>
    %tanh3A_1827 = math.tanh %broadcast_in_dim3A_1799 : vector<256x1xf32>
    %mul3A_1828 = vector.broadcast %tanh3A_1827 : vector<256x1xf32> to vector<256x128xf32>
    %mul3A_1829 = arith.mulf %max3A_1785, %mul3A_1828 : vector<256x128xf32>
    %mul3A_1830 = vector.broadcast %transpose3A_1826 : vector<256x1xf32> to vector<256x128xf32>
    %mul3A_1831 = arith.mulf %mul3A_1829, %mul3A_1830 : vector<256x128xf32>
    %mul3A_1832 = vector.broadcast %transpose3A_1826 : vector<256x1xf32> to vector<256x256xf32>
    %mul3A_1833 = arith.mulf %concatenate3A_1755, %mul3A_1832 : vector<256x256xf32>
    %mul3A_1834 = vector.broadcast %mul3A_1825 : vector<1x256xf32> to vector<256x256xf32>
    %mul3A_1835 = arith.mulf %mul3A_1833, %mul3A_1834 : vector<256x256xf32>
    %dot_general3A_1836 = arith.constant dense<0.000000e+00> : vector<256x128xf32>
    %dot_general3A_1837 = tpu.matmul %mul3A_1831, %get3A_10, %dot_general3A_1836 {dimension_numbers = #tpu.dot_dimension_numbers<[1], [0], [0], [1], [0, 0, 1, 1], [], []>, precision = #tpu.contract_precision<fp32>, transpose_lhs_hint = false} : vector<256x128xf32>, vector<128x128xf32>, vector<256x128xf32> -> vector<256x128xf32>
    %reduce_sum3A_1838 = arith.constant dense<0.000000e+00> : vector<256xf32>
    %reduce_sum3A_1839 = vector.multi_reduction <add>, %mul3A_1835, %reduce_sum3A_1838 [1] : vector<256x256xf32> to vector<256xf32>
    %broadcast_in_dim3A_1840 = vector.shape_cast %reduce_sum3A_1839 : vector<256xf32> to vector<256x1xf32>
    %add3A_1841 = arith.constant 1.000000e+00 : f32
    %add3A_1842 = vector.broadcast %add3A_1841 : f32 to vector<256x1xf32>
    %add3A_1843 = arith.addf %broadcast_in_dim3A_1840, %add3A_1842 : vector<256x1xf32>
    %rsqrt3A_1844 = math.rsqrt %add3A_1843 : vector<256x1xf32>
    %mul3A_1845 = vector.broadcast %rsqrt3A_1844 : vector<256x1xf32> to vector<256x128xf32>
    %mul3A_1846 = arith.mulf %mul3A_1845, %dot_general3A_1837 : vector<256x128xf32>
    %dot_general3A_1847 = arith.constant dense<0.000000e+00> : vector<256x128xf32>
    %dot_general3A_1848 = tpu.matmul %mul3A_1835, %mul3A_1846, %dot_general3A_1847 {dimension_numbers = #tpu.dot_dimension_numbers<[1], [0], [0], [1], [0, 0, 1, 1], [], []>, precision = #tpu.contract_precision<fp32>, transpose_lhs_hint = false} : vector<256x256xf32>, vector<256x128xf32>, vector<256x128xf32> -> vector<256x128xf32>
    %add3A_1849 = arith.addf %dot_general3A_1848, %mul3A_1846 : vector<256x128xf32>
    %mul3A_1850 = vector.broadcast %rsqrt3A_1844 : vector<256x1xf32> to vector<256x128xf32>
    %mul3A_1851 = arith.mulf %mul3A_1850, %add3A_1849 : vector<256x128xf32>
    %add3A_1852 = vector.broadcast %get3A_13 : vector<1x128xf32> to vector<256x128xf32>
    %add3A_1853 = arith.addf %mul3A_1851, %add3A_1852 : vector<256x128xf32>
    %max3A_1854 = arith.constant 0.000000e+00 : f32
    %max3A_1855 = vector.broadcast %max3A_1854 : f32 to vector<256x128xf32>
    %max3A_1856 = arith.maximumf %add3A_1853, %max3A_1855 : vector<256x128xf32>
    %mul3A_1857 = arith.mulf %get3A_16, %get3A_16 : vector<1x128xf32>
    %reduce_sum3A_1858 = vector.shape_cast %mul3A_1857 : vector<1x128xf32> to vector<1x1x128xf32>
    %reduce_sum3A_1859 = arith.constant dense<0.000000e+00> : vector<1xf32>
    %reduce_sum3A_1860 = vector.multi_reduction <add>, %reduce_sum3A_1858, %reduce_sum3A_1859 [1, 2] : vector<1x1x128xf32> to vector<1xf32>
    %reduce_sum3A_1861 = vector.shape_cast %reduce_sum3A_1860 : vector<1xf32> to vector<1x1x1xf32>
    %reduce_sum3A_1862 = vector.extract %reduce_sum3A_1861[0, 0, 0] : f32 from vector<1x1x1xf32>
    %sqrt3A_1863 = math.sqrt %reduce_sum3A_1862 : f32
    %div3A_1864 = vector.broadcast %sqrt3A_1863 : f32 to vector<1x128xf32>
    %div3A_1865 = arith.divf %get3A_16, %div3A_1864 : vector<1x128xf32>
    %mul3A_1866 = vector.broadcast %div3A_1865 : vector<1x128xf32> to vector<256x128xf32>
    %mul3A_1867 = arith.mulf %max3A_1856, %mul3A_1866 : vector<256x128xf32>
    %reduce_sum3A_1868 = arith.constant dense<0.000000e+00> : vector<256xf32>
    %reduce_sum3A_1869 = vector.multi_reduction <add>, %mul3A_1867, %reduce_sum3A_1868 [1] : vector<256x128xf32> to vector<256xf32>
    %broadcast_in_dim3A_1870 = vector.shape_cast %reduce_sum3A_1869 : vector<256xf32> to vector<256x1xf32>
    %gt3A_1871 = arith.constant 0.000000e+00 : f32
    %gt3A_1872 = vector.broadcast %gt3A_1871 : f32 to vector<256x1xf32>
    %gt3A_1873 = arith.cmpf ogt, %transpose3A_1826, %gt3A_1872 : vector<256x1xf32>
    %jit3A_1874 = arith.constant 0xFF800000 : f32
    %broadcast_in_dim3A_1875 = vector.broadcast %jit3A_1874 : f32 to vector<256x1xf32>
    %select_n3A_1876 = arith.select %gt3A_1873, %broadcast_in_dim3A_1870, %broadcast_in_dim3A_1875 : vector<256x1xi1>, vector<256x1xf32>
    %transpose3A_1877 = tpu.transpose %select_n3A_1876, [1, 0] : vector<256x1xf32> -> vector<1x256xf32>
    %gt3A_1878 = vector.broadcast %select_n3A_1876 : vector<256x1xf32> to vector<256x256xf32>
    %gt3A_1879 = vector.broadcast %transpose3A_1877 : vector<1x256xf32> to vector<256x256xf32>
    %gt3A_1880 = arith.cmpf ogt, %gt3A_1878, %gt3A_1879 : vector<256x256xf32>
    %eq3A_1881 = vector.broadcast %select_n3A_1876 : vector<256x1xf32> to vector<256x256xf32>
    %eq3A_1882 = vector.broadcast %transpose3A_1877 : vector<1x256xf32> to vector<256x256xf32>
    %eq3A_1883 = arith.cmpf oeq, %eq3A_1881, %eq3A_1882 : vector<256x256xf32>
    %lt3A_1884 = arith.cmpi slt, %iota3A_1756, %iota3A_1757 : vector<256x256xi32>
    %and3A_1885 = arith.andi %eq3A_1883, %lt3A_1884 : vector<256x256xi1>
    %or3A_1886 = arith.ori %gt3A_1880, %and3A_1885 : vector<256x256xi1>
    %convert_element_type3A_1887 = arith.extui %or3A_1886 : vector<256x256xi1> to vector<256x256xi32>
    %reduce_sum3A_1888 = arith.constant dense<0> : vector<256xi32>
    %reduce_sum3A_1889 = vector.multi_reduction <add>, %convert_element_type3A_1887, %reduce_sum3A_1888 [0] : vector<256x256xi32> to vector<256xi32>
    %broadcast_in_dim3A_1890 = vector.shape_cast %reduce_sum3A_1889 : vector<256xi32> to vector<1x256xi32>
    %lt3A_1891 = arith.constant 128 : i32
    %lt3A_1892 = vector.broadcast %lt3A_1891 : i32 to vector<1x256xi32>
    %lt3A_1893 = arith.cmpi slt, %broadcast_in_dim3A_1890, %lt3A_1892 : vector<1x256xi32>
    %convert_element_type3A_1894 = arith.extui %lt3A_1893 : vector<1x256xi1> to vector<1x256xi32>
    %convert_element_type3A_1895 = arith.sitofp %convert_element_type3A_1894 : vector<1x256xi32> to vector<1x256xf32>
    %mul3A_1896 = arith.mulf %mul3A_1825, %convert_element_type3A_1895 : vector<1x256xf32>
    %transpose3A_1897 = tpu.transpose %mul3A_1896, [1, 0] : vector<1x256xf32> -> vector<256x1xf32>
    %tanh3A_1898 = math.tanh %broadcast_in_dim3A_1870 : vector<256x1xf32>
    %mul3A_1899 = vector.broadcast %tanh3A_1898 : vector<256x1xf32> to vector<256x128xf32>
    %mul3A_1900 = arith.mulf %max3A_1856, %mul3A_1899 : vector<256x128xf32>
    %mul3A_1901 = vector.broadcast %transpose3A_1897 : vector<256x1xf32> to vector<256x128xf32>
    %mul3A_1902 = arith.mulf %mul3A_1900, %mul3A_1901 : vector<256x128xf32>
    %mul3A_1903 = vector.broadcast %transpose3A_1897 : vector<256x1xf32> to vector<256x256xf32>
    %mul3A_1904 = arith.mulf %mul3A_1835, %mul3A_1903 : vector<256x256xf32>
    %mul3A_1905 = vector.broadcast %mul3A_1896 : vector<1x256xf32> to vector<256x256xf32>
    %mul3A_1906 = arith.mulf %mul3A_1904, %mul3A_1905 : vector<256x256xf32>
    %dot_general3A_1907 = arith.constant dense<0.000000e+00> : vector<256x128xf32>
    %dot_general3A_1908 = tpu.matmul %mul3A_1902, %get3A_19, %dot_general3A_1907 {dimension_numbers = #tpu.dot_dimension_numbers<[1], [0], [0], [1], [0, 0, 1, 1], [], []>, precision = #tpu.contract_precision<fp32>, transpose_lhs_hint = false} : vector<256x128xf32>, vector<128x128xf32>, vector<256x128xf32> -> vector<256x128xf32>
    %reduce_sum3A_1909 = arith.constant dense<0.000000e+00> : vector<256xf32>
    %reduce_sum3A_1910 = vector.multi_reduction <add>, %mul3A_1906, %reduce_sum3A_1909 [1] : vector<256x256xf32> to vector<256xf32>
    %broadcast_in_dim3A_1911 = vector.shape_cast %reduce_sum3A_1910 : vector<256xf32> to vector<256x1xf32>
    %add3A_1912 = arith.constant 1.000000e+00 : f32
    %add3A_1913 = vector.broadcast %add3A_1912 : f32 to vector<256x1xf32>
    %add3A_1914 = arith.addf %broadcast_in_dim3A_1911, %add3A_1913 : vector<256x1xf32>
    %rsqrt3A_1915 = math.rsqrt %add3A_1914 : vector<256x1xf32>
    %mul3A_1916 = vector.broadcast %rsqrt3A_1915 : vector<256x1xf32> to vector<256x128xf32>
    %mul3A_1917 = arith.mulf %mul3A_1916, %dot_general3A_1908 : vector<256x128xf32>
    %dot_general3A_1918 = arith.constant dense<0.000000e+00> : vector<256x128xf32>
    %dot_general3A_1919 = tpu.matmul %mul3A_1906, %mul3A_1917, %dot_general3A_1918 {dimension_numbers = #tpu.dot_dimension_numbers<[1], [0], [0], [1], [0, 0, 1, 1], [], []>, precision = #tpu.contract_precision<fp32>, transpose_lhs_hint = false} : vector<256x256xf32>, vector<256x128xf32>, vector<256x128xf32> -> vector<256x128xf32>
    %add3A_1920 = arith.addf %dot_general3A_1919, %mul3A_1917 : vector<256x128xf32>
    %mul3A_1921 = vector.broadcast %rsqrt3A_1915 : vector<256x1xf32> to vector<256x128xf32>
    %mul3A_1922 = arith.mulf %mul3A_1921, %add3A_1920 : vector<256x128xf32>
    %add3A_1923 = vector.broadcast %get3A_22 : vector<1x128xf32> to vector<256x128xf32>
    %add3A_1924 = arith.addf %mul3A_1922, %add3A_1923 : vector<256x128xf32>
    %max3A_1925 = arith.constant 0.000000e+00 : f32
    %max3A_1926 = vector.broadcast %max3A_1925 : f32 to vector<256x128xf32>
    %max3A_1927 = arith.maximumf %add3A_1924, %max3A_1926 : vector<256x128xf32>
    %mul3A_1928 = arith.mulf %get3A_25, %get3A_25 : vector<1x128xf32>
    %reduce_sum3A_1929 = vector.shape_cast %mul3A_1928 : vector<1x128xf32> to vector<1x1x128xf32>
    %reduce_sum3A_1930 = arith.constant dense<0.000000e+00> : vector<1xf32>
    %reduce_sum3A_1931 = vector.multi_reduction <add>, %reduce_sum3A_1929, %reduce_sum3A_1930 [1, 2] : vector<1x1x128xf32> to vector<1xf32>
    %reduce_sum3A_1932 = vector.shape_cast %reduce_sum3A_1931 : vector<1xf32> to vector<1x1x1xf32>
    %reduce_sum3A_1933 = vector.extract %reduce_sum3A_1932[0, 0, 0] : f32 from vector<1x1x1xf32>
    %sqrt3A_1934 = math.sqrt %reduce_sum3A_1933 : f32
    %div3A_1935 = vector.broadcast %sqrt3A_1934 : f32 to vector<1x128xf32>
    %div3A_1936 = arith.divf %get3A_25, %div3A_1935 : vector<1x128xf32>
    %mul3A_1937 = vector.broadcast %div3A_1936 : vector<1x128xf32> to vector<256x128xf32>
    %mul3A_1938 = arith.mulf %max3A_1927, %mul3A_1937 : vector<256x128xf32>
    %reduce_sum3A_1939 = arith.constant dense<0.000000e+00> : vector<256xf32>
    %reduce_sum3A_1940 = vector.multi_reduction <add>, %mul3A_1938, %reduce_sum3A_1939 [1] : vector<256x128xf32> to vector<256xf32>
    %broadcast_in_dim3A_1941 = vector.shape_cast %reduce_sum3A_1940 : vector<256xf32> to vector<256x1xf32>
    %gt3A_1942 = arith.constant 0.000000e+00 : f32
    %gt3A_1943 = vector.broadcast %gt3A_1942 : f32 to vector<256x1xf32>
    %gt3A_1944 = arith.cmpf ogt, %transpose3A_1897, %gt3A_1943 : vector<256x1xf32>
    %jit3A_1945 = arith.constant 0xFF800000 : f32
    %broadcast_in_dim3A_1946 = vector.broadcast %jit3A_1945 : f32 to vector<256x1xf32>
    %select_n3A_1947 = arith.select %gt3A_1944, %broadcast_in_dim3A_1941, %broadcast_in_dim3A_1946 : vector<256x1xi1>, vector<256x1xf32>
    %transpose3A_1948 = tpu.transpose %select_n3A_1947, [1, 0] : vector<256x1xf32> -> vector<1x256xf32>
    %gt3A_1949 = vector.broadcast %select_n3A_1947 : vector<256x1xf32> to vector<256x256xf32>
    %gt3A_1950 = vector.broadcast %transpose3A_1948 : vector<1x256xf32> to vector<256x256xf32>
    %gt3A_1951 = arith.cmpf ogt, %gt3A_1949, %gt3A_1950 : vector<256x256xf32>
    %eq3A_1952 = vector.broadcast %select_n3A_1947 : vector<256x1xf32> to vector<256x256xf32>
    %eq3A_1953 = vector.broadcast %transpose3A_1948 : vector<1x256xf32> to vector<256x256xf32>
    %eq3A_1954 = arith.cmpf oeq, %eq3A_1952, %eq3A_1953 : vector<256x256xf32>
    %lt3A_1955 = arith.cmpi slt, %iota3A_1756, %iota3A_1757 : vector<256x256xi32>
    %and3A_1956 = arith.andi %eq3A_1954, %lt3A_1955 : vector<256x256xi1>
    %or3A_1957 = arith.ori %gt3A_1951, %and3A_1956 : vector<256x256xi1>
    %convert_element_type3A_1958 = arith.extui %or3A_1957 : vector<256x256xi1> to vector<256x256xi32>
    %reduce_sum3A_1959 = arith.constant dense<0> : vector<256xi32>
    %reduce_sum3A_1960 = vector.multi_reduction <add>, %convert_element_type3A_1958, %reduce_sum3A_1959 [0] : vector<256x256xi32> to vector<256xi32>
    %broadcast_in_dim3A_1961 = vector.shape_cast %reduce_sum3A_1960 : vector<256xi32> to vector<1x256xi32>
    %lt3A_1962 = arith.constant 103 : i32
    %lt3A_1963 = vector.broadcast %lt3A_1962 : i32 to vector<1x256xi32>
    %lt3A_1964 = arith.cmpi slt, %broadcast_in_dim3A_1961, %lt3A_1963 : vector<1x256xi32>
    %convert_element_type3A_1965 = arith.extui %lt3A_1964 : vector<1x256xi1> to vector<1x256xi32>
    %convert_element_type3A_1966 = arith.sitofp %convert_element_type3A_1965 : vector<1x256xi32> to vector<1x256xf32>
    %mul3A_1967 = arith.mulf %mul3A_1896, %convert_element_type3A_1966 : vector<1x256xf32>
    %transpose3A_1968 = tpu.transpose %mul3A_1967, [1, 0] : vector<1x256xf32> -> vector<256x1xf32>
    %tanh3A_1969 = math.tanh %broadcast_in_dim3A_1941 : vector<256x1xf32>
    %mul3A_1970 = vector.broadcast %tanh3A_1969 : vector<256x1xf32> to vector<256x128xf32>
    %mul3A_1971 = arith.mulf %max3A_1927, %mul3A_1970 : vector<256x128xf32>
    %mul3A_1972 = vector.broadcast %transpose3A_1968 : vector<256x1xf32> to vector<256x128xf32>
    %mul3A_1973 = arith.mulf %mul3A_1971, %mul3A_1972 : vector<256x128xf32>
    %reduce_sum3A_1974 = arith.constant dense<0.000000e+00> : vector<128xf32>
    %reduce_sum3A_1975 = vector.multi_reduction <add>, %mul3A_1973, %reduce_sum3A_1974 [0] : vector<256x128xf32> to vector<128xf32>
    %broadcast_in_dim3A_1976 = vector.shape_cast %reduce_sum3A_1975 : vector<128xf32> to vector<1x128xf32>
    %mul3A_1977 = arith.constant 0.00970873795 : f32
    %mul3A_1978 = vector.broadcast %mul3A_1977 : f32 to vector<1x128xf32>
    %mul3A_1979 = arith.mulf %broadcast_in_dim3A_1976, %mul3A_1978 : vector<1x128xf32>
    %broadcast_in_dim3A_1980 = vector.shape_cast %mul3A_1979 : vector<1x128xf32> to vector<1x128xf32>
    %broadcast_in_dim3A_1981 = vector.broadcast %broadcast_in_dim3A_1980 : vector<1x128xf32> to vector<8x128xf32>
    %swap3A_1982 = arith.constant 7 : index
    %swap3A_1983 = arith.constant 0 : index
    %swap3A_1984 = arith.constant 0 : index
    %swap3A_1985 = vector.load %arg12[%swap3A_1982, %swap3A_1983, %swap3A_1984] : memref<10x8x128xf32, #tpu.memory_space<vmem>>, vector<1x8x128xf32>
    %swap3A_1986 = vector.shape_cast %swap3A_1985 : vector<1x8x128xf32> to vector<8x128xf32>
    %swap3A_1987 = vector.shape_cast %broadcast_in_dim3A_1981 : vector<8x128xf32> to vector<1x8x128xf32>
    tpu.vector_store %arg12[%swap3A_1982, %swap3A_1983, %swap3A_1984], %swap3A_1987 {strides = array<i32>} : memref<10x8x128xf32, #tpu.memory_space<vmem>>, vector<1x8x128xf32>,
    %get3A_1988 = arith.constant 8 : index
    %get3A_1989 = arith.constant 0 : index
    %get3A_1990 = arith.constant 0 : index
    %get3A_1991 = vector.load %arg1[%get3A_1988, %get3A_1989, %get3A_1990] : memref<10x200x128xf32, #tpu.memory_space<vmem>>, vector<1x200x128xf32>
    %get3A_1992 = vector.shape_cast %get3A_1991 : vector<1x200x128xf32> to vector<200x128xf32>
    %get3A_1993 = arith.constant 8 : index
    %get3A_1994 = arith.constant 0 : index
    %get3A_1995 = arith.constant 0 : index
    %get3A_1996 = vector.load %arg2[%get3A_1993, %get3A_1994, %get3A_1995] : memref<10x200x256xf32, #tpu.memory_space<vmem>>, vector<1x200x256xf32>
    %get3A_1997 = vector.shape_cast %get3A_1996 : vector<1x200x256xf32> to vector<200x256xf32>
    %broadcast_in_dim3A_1998 = arith.constant 0.000000e+00 : f32
    %broadcast_in_dim3A_1999 = vector.broadcast %broadcast_in_dim3A_1998 : f32 to vector<56x128xf32>
    %concatenate3A_2000 = tpu.concatenate %get3A_1992, %broadcast_in_dim3A_1999 in 0 : vector<200x128xf32>, vector<56x128xf32> -> vector<256x128xf32>
    %broadcast_in_dim3A_2001 = arith.constant 0.000000e+00 : f32
    %broadcast_in_dim3A_2002 = vector.broadcast %broadcast_in_dim3A_2001 : f32 to vector<56x256xf32>
    %concatenate3A_2003 = tpu.concatenate %get3A_1997, %broadcast_in_dim3A_2002 in 0 : vector<200x256xf32>, vector<56x256xf32> -> vector<256x256xf32>
    %iota3A_2004 = tpu.iota {dimensions = array<i32: 0>} : vector<256x256xi32>
    %iota3A_2005 = tpu.iota {dimensions = array<i32: 1>} : vector<256x256xi32>
    %iota3A_2006 = tpu.iota {dimensions = array<i32: 0>} : vector<256x1xi32>
    %lt3A_2007 = arith.constant 200 : i32
    %lt3A_2008 = vector.broadcast %lt3A_2007 : i32 to vector<256x1xi32>
    %lt3A_2009 = arith.cmpi slt, %iota3A_2006, %lt3A_2008 : vector<256x1xi32>
    %convert_element_type3A_2010 = arith.extui %lt3A_2009 : vector<256x1xi1> to vector<256x1xi32>
    %convert_element_type3A_2011 = arith.sitofp %convert_element_type3A_2010 : vector<256x1xi32> to vector<256x1xf32>
    %transpose3A_2012 = tpu.transpose %convert_element_type3A_2011, [1, 0] : vector<256x1xf32> -> vector<1x256xf32>
    %dot_general3A_2013 = arith.constant dense<0.000000e+00> : vector<256x128xf32>
    %dot_general3A_2014 = tpu.matmul %concatenate3A_2000, %get3A_1, %dot_general3A_2013 {dimension_numbers = #tpu.dot_dimension_numbers<[1], [0], [0], [1], [0, 0, 1, 1], [], []>, precision = #tpu.contract_precision<fp32>, transpose_lhs_hint = false} : vector<256x128xf32>, vector<128x128xf32>, vector<256x128xf32> -> vector<256x128xf32>
    %reduce_sum3A_2015 = arith.constant dense<0.000000e+00> : vector<256xf32>
    %reduce_sum3A_2016 = vector.multi_reduction <add>, %concatenate3A_2003, %reduce_sum3A_2015 [1] : vector<256x256xf32> to vector<256xf32>
    %broadcast_in_dim3A_2017 = vector.shape_cast %reduce_sum3A_2016 : vector<256xf32> to vector<256x1xf32>
    %add3A_2018 = arith.constant 1.000000e+00 : f32
    %add3A_2019 = vector.broadcast %add3A_2018 : f32 to vector<256x1xf32>
    %add3A_2020 = arith.addf %broadcast_in_dim3A_2017, %add3A_2019 : vector<256x1xf32>
    %rsqrt3A_2021 = math.rsqrt %add3A_2020 : vector<256x1xf32>
    %mul3A_2022 = vector.broadcast %rsqrt3A_2021 : vector<256x1xf32> to vector<256x128xf32>
    %mul3A_2023 = arith.mulf %mul3A_2022, %dot_general3A_2014 : vector<256x128xf32>
    %dot_general3A_2024 = arith.constant dense<0.000000e+00> : vector<256x128xf32>
    %dot_general3A_2025 = tpu.matmul %concatenate3A_2003, %mul3A_2023, %dot_general3A_2024 {dimension_numbers = #tpu.dot_dimension_numbers<[1], [0], [0], [1], [0, 0, 1, 1], [], []>, precision = #tpu.contract_precision<fp32>, transpose_lhs_hint = false} : vector<256x256xf32>, vector<256x128xf32>, vector<256x128xf32> -> vector<256x128xf32>
    %add3A_2026 = arith.addf %dot_general3A_2025, %mul3A_2023 : vector<256x128xf32>
    %mul3A_2027 = vector.broadcast %rsqrt3A_2021 : vector<256x1xf32> to vector<256x128xf32>
    %mul3A_2028 = arith.mulf %mul3A_2027, %add3A_2026 : vector<256x128xf32>
    %add3A_2029 = vector.broadcast %get3A_4 : vector<1x128xf32> to vector<256x128xf32>
    %add3A_2030 = arith.addf %mul3A_2028, %add3A_2029 : vector<256x128xf32>
    %max3A_2031 = arith.constant 0.000000e+00 : f32
    %max3A_2032 = vector.broadcast %max3A_2031 : f32 to vector<256x128xf32>
    %max3A_2033 = arith.maximumf %add3A_2030, %max3A_2032 : vector<256x128xf32>
    %mul3A_2034 = arith.mulf %get3A_7, %get3A_7 : vector<1x128xf32>
    %reduce_sum3A_2035 = vector.shape_cast %mul3A_2034 : vector<1x128xf32> to vector<1x1x128xf32>
    %reduce_sum3A_2036 = arith.constant dense<0.000000e+00> : vector<1xf32>
    %reduce_sum3A_2037 = vector.multi_reduction <add>, %reduce_sum3A_2035, %reduce_sum3A_2036 [1, 2] : vector<1x1x128xf32> to vector<1xf32>
    %reduce_sum3A_2038 = vector.shape_cast %reduce_sum3A_2037 : vector<1xf32> to vector<1x1x1xf32>
    %reduce_sum3A_2039 = vector.extract %reduce_sum3A_2038[0, 0, 0] : f32 from vector<1x1x1xf32>
    %sqrt3A_2040 = math.sqrt %reduce_sum3A_2039 : f32
    %div3A_2041 = vector.broadcast %sqrt3A_2040 : f32 to vector<1x128xf32>
    %div3A_2042 = arith.divf %get3A_7, %div3A_2041 : vector<1x128xf32>
    %mul3A_2043 = vector.broadcast %div3A_2042 : vector<1x128xf32> to vector<256x128xf32>
    %mul3A_2044 = arith.mulf %max3A_2033, %mul3A_2043 : vector<256x128xf32>
    %reduce_sum3A_2045 = arith.constant dense<0.000000e+00> : vector<256xf32>
    %reduce_sum3A_2046 = vector.multi_reduction <add>, %mul3A_2044, %reduce_sum3A_2045 [1] : vector<256x128xf32> to vector<256xf32>
    %broadcast_in_dim3A_2047 = vector.shape_cast %reduce_sum3A_2046 : vector<256xf32> to vector<256x1xf32>
    %gt3A_2048 = arith.constant 0.000000e+00 : f32
    %gt3A_2049 = vector.broadcast %gt3A_2048 : f32 to vector<256x1xf32>
    %gt3A_2050 = arith.cmpf ogt, %convert_element_type3A_2011, %gt3A_2049 : vector<256x1xf32>
    %jit3A_2051 = arith.constant 0xFF800000 : f32
    %broadcast_in_dim3A_2052 = vector.broadcast %jit3A_2051 : f32 to vector<256x1xf32>
    %select_n3A_2053 = arith.select %gt3A_2050, %broadcast_in_dim3A_2047, %broadcast_in_dim3A_2052 : vector<256x1xi1>, vector<256x1xf32>
    %transpose3A_2054 = tpu.transpose %select_n3A_2053, [1, 0] : vector<256x1xf32> -> vector<1x256xf32>
    %gt3A_2055 = vector.broadcast %select_n3A_2053 : vector<256x1xf32> to vector<256x256xf32>
    %gt3A_2056 = vector.broadcast %transpose3A_2054 : vector<1x256xf32> to vector<256x256xf32>
    %gt3A_2057 = arith.cmpf ogt, %gt3A_2055, %gt3A_2056 : vector<256x256xf32>
    %eq3A_2058 = vector.broadcast %select_n3A_2053 : vector<256x1xf32> to vector<256x256xf32>
    %eq3A_2059 = vector.broadcast %transpose3A_2054 : vector<1x256xf32> to vector<256x256xf32>
    %eq3A_2060 = arith.cmpf oeq, %eq3A_2058, %eq3A_2059 : vector<256x256xf32>
    %lt3A_2061 = arith.cmpi slt, %iota3A_2004, %iota3A_2005 : vector<256x256xi32>
    %and3A_2062 = arith.andi %eq3A_2060, %lt3A_2061 : vector<256x256xi1>
    %or3A_2063 = arith.ori %gt3A_2057, %and3A_2062 : vector<256x256xi1>
    %convert_element_type3A_2064 = arith.extui %or3A_2063 : vector<256x256xi1> to vector<256x256xi32>
    %reduce_sum3A_2065 = arith.constant dense<0> : vector<256xi32>
    %reduce_sum3A_2066 = vector.multi_reduction <add>, %convert_element_type3A_2064, %reduce_sum3A_2065 [0] : vector<256x256xi32> to vector<256xi32>
    %broadcast_in_dim3A_2067 = vector.shape_cast %reduce_sum3A_2066 : vector<256xi32> to vector<1x256xi32>
    %lt3A_2068 = arith.constant 160 : i32
    %lt3A_2069 = vector.broadcast %lt3A_2068 : i32 to vector<1x256xi32>
    %lt3A_2070 = arith.cmpi slt, %broadcast_in_dim3A_2067, %lt3A_2069 : vector<1x256xi32>
    %convert_element_type3A_2071 = arith.extui %lt3A_2070 : vector<1x256xi1> to vector<1x256xi32>
    %convert_element_type3A_2072 = arith.sitofp %convert_element_type3A_2071 : vector<1x256xi32> to vector<1x256xf32>
    %mul3A_2073 = arith.mulf %transpose3A_2012, %convert_element_type3A_2072 : vector<1x256xf32>
    %transpose3A_2074 = tpu.transpose %mul3A_2073, [1, 0] : vector<1x256xf32> -> vector<256x1xf32>
    %tanh3A_2075 = math.tanh %broadcast_in_dim3A_2047 : vector<256x1xf32>
    %mul3A_2076 = vector.broadcast %tanh3A_2075 : vector<256x1xf32> to vector<256x128xf32>
    %mul3A_2077 = arith.mulf %max3A_2033, %mul3A_2076 : vector<256x128xf32>
    %mul3A_2078 = vector.broadcast %transpose3A_2074 : vector<256x1xf32> to vector<256x128xf32>
    %mul3A_2079 = arith.mulf %mul3A_2077, %mul3A_2078 : vector<256x128xf32>
    %mul3A_2080 = vector.broadcast %transpose3A_2074 : vector<256x1xf32> to vector<256x256xf32>
    %mul3A_2081 = arith.mulf %concatenate3A_2003, %mul3A_2080 : vector<256x256xf32>
    %mul3A_2082 = vector.broadcast %mul3A_2073 : vector<1x256xf32> to vector<256x256xf32>
    %mul3A_2083 = arith.mulf %mul3A_2081, %mul3A_2082 : vector<256x256xf32>
    %dot_general3A_2084 = arith.constant dense<0.000000e+00> : vector<256x128xf32>
    %dot_general3A_2085 = tpu.matmul %mul3A_2079, %get3A_10, %dot_general3A_2084 {dimension_numbers = #tpu.dot_dimension_numbers<[1], [0], [0], [1], [0, 0, 1, 1], [], []>, precision = #tpu.contract_precision<fp32>, transpose_lhs_hint = false} : vector<256x128xf32>, vector<128x128xf32>, vector<256x128xf32> -> vector<256x128xf32>
    %reduce_sum3A_2086 = arith.constant dense<0.000000e+00> : vector<256xf32>
    %reduce_sum3A_2087 = vector.multi_reduction <add>, %mul3A_2083, %reduce_sum3A_2086 [1] : vector<256x256xf32> to vector<256xf32>
    %broadcast_in_dim3A_2088 = vector.shape_cast %reduce_sum3A_2087 : vector<256xf32> to vector<256x1xf32>
    %add3A_2089 = arith.constant 1.000000e+00 : f32
    %add3A_2090 = vector.broadcast %add3A_2089 : f32 to vector<256x1xf32>
    %add3A_2091 = arith.addf %broadcast_in_dim3A_2088, %add3A_2090 : vector<256x1xf32>
    %rsqrt3A_2092 = math.rsqrt %add3A_2091 : vector<256x1xf32>
    %mul3A_2093 = vector.broadcast %rsqrt3A_2092 : vector<256x1xf32> to vector<256x128xf32>
    %mul3A_2094 = arith.mulf %mul3A_2093, %dot_general3A_2085 : vector<256x128xf32>
    %dot_general3A_2095 = arith.constant dense<0.000000e+00> : vector<256x128xf32>
    %dot_general3A_2096 = tpu.matmul %mul3A_2083, %mul3A_2094, %dot_general3A_2095 {dimension_numbers = #tpu.dot_dimension_numbers<[1], [0], [0], [1], [0, 0, 1, 1], [], []>, precision = #tpu.contract_precision<fp32>, transpose_lhs_hint = false} : vector<256x256xf32>, vector<256x128xf32>, vector<256x128xf32> -> vector<256x128xf32>
    %add3A_2097 = arith.addf %dot_general3A_2096, %mul3A_2094 : vector<256x128xf32>
    %mul3A_2098 = vector.broadcast %rsqrt3A_2092 : vector<256x1xf32> to vector<256x128xf32>
    %mul3A_2099 = arith.mulf %mul3A_2098, %add3A_2097 : vector<256x128xf32>
    %add3A_2100 = vector.broadcast %get3A_13 : vector<1x128xf32> to vector<256x128xf32>
    %add3A_2101 = arith.addf %mul3A_2099, %add3A_2100 : vector<256x128xf32>
    %max3A_2102 = arith.constant 0.000000e+00 : f32
    %max3A_2103 = vector.broadcast %max3A_2102 : f32 to vector<256x128xf32>
    %max3A_2104 = arith.maximumf %add3A_2101, %max3A_2103 : vector<256x128xf32>
    %mul3A_2105 = arith.mulf %get3A_16, %get3A_16 : vector<1x128xf32>
    %reduce_sum3A_2106 = vector.shape_cast %mul3A_2105 : vector<1x128xf32> to vector<1x1x128xf32>
    %reduce_sum3A_2107 = arith.constant dense<0.000000e+00> : vector<1xf32>
    %reduce_sum3A_2108 = vector.multi_reduction <add>, %reduce_sum3A_2106, %reduce_sum3A_2107 [1, 2] : vector<1x1x128xf32> to vector<1xf32>
    %reduce_sum3A_2109 = vector.shape_cast %reduce_sum3A_2108 : vector<1xf32> to vector<1x1x1xf32>
    %reduce_sum3A_2110 = vector.extract %reduce_sum3A_2109[0, 0, 0] : f32 from vector<1x1x1xf32>
    %sqrt3A_2111 = math.sqrt %reduce_sum3A_2110 : f32
    %div3A_2112 = vector.broadcast %sqrt3A_2111 : f32 to vector<1x128xf32>
    %div3A_2113 = arith.divf %get3A_16, %div3A_2112 : vector<1x128xf32>
    %mul3A_2114 = vector.broadcast %div3A_2113 : vector<1x128xf32> to vector<256x128xf32>
    %mul3A_2115 = arith.mulf %max3A_2104, %mul3A_2114 : vector<256x128xf32>
    %reduce_sum3A_2116 = arith.constant dense<0.000000e+00> : vector<256xf32>
    %reduce_sum3A_2117 = vector.multi_reduction <add>, %mul3A_2115, %reduce_sum3A_2116 [1] : vector<256x128xf32> to vector<256xf32>
    %broadcast_in_dim3A_2118 = vector.shape_cast %reduce_sum3A_2117 : vector<256xf32> to vector<256x1xf32>
    %gt3A_2119 = arith.constant 0.000000e+00 : f32
    %gt3A_2120 = vector.broadcast %gt3A_2119 : f32 to vector<256x1xf32>
    %gt3A_2121 = arith.cmpf ogt, %transpose3A_2074, %gt3A_2120 : vector<256x1xf32>
    %jit3A_2122 = arith.constant 0xFF800000 : f32
    %broadcast_in_dim3A_2123 = vector.broadcast %jit3A_2122 : f32 to vector<256x1xf32>
    %select_n3A_2124 = arith.select %gt3A_2121, %broadcast_in_dim3A_2118, %broadcast_in_dim3A_2123 : vector<256x1xi1>, vector<256x1xf32>
    %transpose3A_2125 = tpu.transpose %select_n3A_2124, [1, 0] : vector<256x1xf32> -> vector<1x256xf32>
    %gt3A_2126 = vector.broadcast %select_n3A_2124 : vector<256x1xf32> to vector<256x256xf32>
    %gt3A_2127 = vector.broadcast %transpose3A_2125 : vector<1x256xf32> to vector<256x256xf32>
    %gt3A_2128 = arith.cmpf ogt, %gt3A_2126, %gt3A_2127 : vector<256x256xf32>
    %eq3A_2129 = vector.broadcast %select_n3A_2124 : vector<256x1xf32> to vector<256x256xf32>
    %eq3A_2130 = vector.broadcast %transpose3A_2125 : vector<1x256xf32> to vector<256x256xf32>
    %eq3A_2131 = arith.cmpf oeq, %eq3A_2129, %eq3A_2130 : vector<256x256xf32>
    %lt3A_2132 = arith.cmpi slt, %iota3A_2004, %iota3A_2005 : vector<256x256xi32>
    %and3A_2133 = arith.andi %eq3A_2131, %lt3A_2132 : vector<256x256xi1>
    %or3A_2134 = arith.ori %gt3A_2128, %and3A_2133 : vector<256x256xi1>
    %convert_element_type3A_2135 = arith.extui %or3A_2134 : vector<256x256xi1> to vector<256x256xi32>
    %reduce_sum3A_2136 = arith.constant dense<0> : vector<256xi32>
    %reduce_sum3A_2137 = vector.multi_reduction <add>, %convert_element_type3A_2135, %reduce_sum3A_2136 [0] : vector<256x256xi32> to vector<256xi32>
    %broadcast_in_dim3A_2138 = vector.shape_cast %reduce_sum3A_2137 : vector<256xi32> to vector<1x256xi32>
    %lt3A_2139 = arith.constant 128 : i32
    %lt3A_2140 = vector.broadcast %lt3A_2139 : i32 to vector<1x256xi32>
    %lt3A_2141 = arith.cmpi slt, %broadcast_in_dim3A_2138, %lt3A_2140 : vector<1x256xi32>
    %convert_element_type3A_2142 = arith.extui %lt3A_2141 : vector<1x256xi1> to vector<1x256xi32>
    %convert_element_type3A_2143 = arith.sitofp %convert_element_type3A_2142 : vector<1x256xi32> to vector<1x256xf32>
    %mul3A_2144 = arith.mulf %mul3A_2073, %convert_element_type3A_2143 : vector<1x256xf32>
    %transpose3A_2145 = tpu.transpose %mul3A_2144, [1, 0] : vector<1x256xf32> -> vector<256x1xf32>
    %tanh3A_2146 = math.tanh %broadcast_in_dim3A_2118 : vector<256x1xf32>
    %mul3A_2147 = vector.broadcast %tanh3A_2146 : vector<256x1xf32> to vector<256x128xf32>
    %mul3A_2148 = arith.mulf %max3A_2104, %mul3A_2147 : vector<256x128xf32>
    %mul3A_2149 = vector.broadcast %transpose3A_2145 : vector<256x1xf32> to vector<256x128xf32>
    %mul3A_2150 = arith.mulf %mul3A_2148, %mul3A_2149 : vector<256x128xf32>
    %mul3A_2151 = vector.broadcast %transpose3A_2145 : vector<256x1xf32> to vector<256x256xf32>
    %mul3A_2152 = arith.mulf %mul3A_2083, %mul3A_2151 : vector<256x256xf32>
    %mul3A_2153 = vector.broadcast %mul3A_2144 : vector<1x256xf32> to vector<256x256xf32>
    %mul3A_2154 = arith.mulf %mul3A_2152, %mul3A_2153 : vector<256x256xf32>
    %dot_general3A_2155 = arith.constant dense<0.000000e+00> : vector<256x128xf32>
    %dot_general3A_2156 = tpu.matmul %mul3A_2150, %get3A_19, %dot_general3A_2155 {dimension_numbers = #tpu.dot_dimension_numbers<[1], [0], [0], [1], [0, 0, 1, 1], [], []>, precision = #tpu.contract_precision<fp32>, transpose_lhs_hint = false} : vector<256x128xf32>, vector<128x128xf32>, vector<256x128xf32> -> vector<256x128xf32>
    %reduce_sum3A_2157 = arith.constant dense<0.000000e+00> : vector<256xf32>
    %reduce_sum3A_2158 = vector.multi_reduction <add>, %mul3A_2154, %reduce_sum3A_2157 [1] : vector<256x256xf32> to vector<256xf32>
    %broadcast_in_dim3A_2159 = vector.shape_cast %reduce_sum3A_2158 : vector<256xf32> to vector<256x1xf32>
    %add3A_2160 = arith.constant 1.000000e+00 : f32
    %add3A_2161 = vector.broadcast %add3A_2160 : f32 to vector<256x1xf32>
    %add3A_2162 = arith.addf %broadcast_in_dim3A_2159, %add3A_2161 : vector<256x1xf32>
    %rsqrt3A_2163 = math.rsqrt %add3A_2162 : vector<256x1xf32>
    %mul3A_2164 = vector.broadcast %rsqrt3A_2163 : vector<256x1xf32> to vector<256x128xf32>
    %mul3A_2165 = arith.mulf %mul3A_2164, %dot_general3A_2156 : vector<256x128xf32>
    %dot_general3A_2166 = arith.constant dense<0.000000e+00> : vector<256x128xf32>
    %dot_general3A_2167 = tpu.matmul %mul3A_2154, %mul3A_2165, %dot_general3A_2166 {dimension_numbers = #tpu.dot_dimension_numbers<[1], [0], [0], [1], [0, 0, 1, 1], [], []>, precision = #tpu.contract_precision<fp32>, transpose_lhs_hint = false} : vector<256x256xf32>, vector<256x128xf32>, vector<256x128xf32> -> vector<256x128xf32>
    %add3A_2168 = arith.addf %dot_general3A_2167, %mul3A_2165 : vector<256x128xf32>
    %mul3A_2169 = vector.broadcast %rsqrt3A_2163 : vector<256x1xf32> to vector<256x128xf32>
    %mul3A_2170 = arith.mulf %mul3A_2169, %add3A_2168 : vector<256x128xf32>
    %add3A_2171 = vector.broadcast %get3A_22 : vector<1x128xf32> to vector<256x128xf32>
    %add3A_2172 = arith.addf %mul3A_2170, %add3A_2171 : vector<256x128xf32>
    %max3A_2173 = arith.constant 0.000000e+00 : f32
    %max3A_2174 = vector.broadcast %max3A_2173 : f32 to vector<256x128xf32>
    %max3A_2175 = arith.maximumf %add3A_2172, %max3A_2174 : vector<256x128xf32>
    %mul3A_2176 = arith.mulf %get3A_25, %get3A_25 : vector<1x128xf32>
    %reduce_sum3A_2177 = vector.shape_cast %mul3A_2176 : vector<1x128xf32> to vector<1x1x128xf32>
    %reduce_sum3A_2178 = arith.constant dense<0.000000e+00> : vector<1xf32>
    %reduce_sum3A_2179 = vector.multi_reduction <add>, %reduce_sum3A_2177, %reduce_sum3A_2178 [1, 2] : vector<1x1x128xf32> to vector<1xf32>
    %reduce_sum3A_2180 = vector.shape_cast %reduce_sum3A_2179 : vector<1xf32> to vector<1x1x1xf32>
    %reduce_sum3A_2181 = vector.extract %reduce_sum3A_2180[0, 0, 0] : f32 from vector<1x1x1xf32>
    %sqrt3A_2182 = math.sqrt %reduce_sum3A_2181 : f32
    %div3A_2183 = vector.broadcast %sqrt3A_2182 : f32 to vector<1x128xf32>
    %div3A_2184 = arith.divf %get3A_25, %div3A_2183 : vector<1x128xf32>
    %mul3A_2185 = vector.broadcast %div3A_2184 : vector<1x128xf32> to vector<256x128xf32>
    %mul3A_2186 = arith.mulf %max3A_2175, %mul3A_2185 : vector<256x128xf32>
    %reduce_sum3A_2187 = arith.constant dense<0.000000e+00> : vector<256xf32>
    %reduce_sum3A_2188 = vector.multi_reduction <add>, %mul3A_2186, %reduce_sum3A_2187 [1] : vector<256x128xf32> to vector<256xf32>
    %broadcast_in_dim3A_2189 = vector.shape_cast %reduce_sum3A_2188 : vector<256xf32> to vector<256x1xf32>
    %gt3A_2190 = arith.constant 0.000000e+00 : f32
    %gt3A_2191 = vector.broadcast %gt3A_2190 : f32 to vector<256x1xf32>
    %gt3A_2192 = arith.cmpf ogt, %transpose3A_2145, %gt3A_2191 : vector<256x1xf32>
    %jit3A_2193 = arith.constant 0xFF800000 : f32
    %broadcast_in_dim3A_2194 = vector.broadcast %jit3A_2193 : f32 to vector<256x1xf32>
    %select_n3A_2195 = arith.select %gt3A_2192, %broadcast_in_dim3A_2189, %broadcast_in_dim3A_2194 : vector<256x1xi1>, vector<256x1xf32>
    %transpose3A_2196 = tpu.transpose %select_n3A_2195, [1, 0] : vector<256x1xf32> -> vector<1x256xf32>
    %gt3A_2197 = vector.broadcast %select_n3A_2195 : vector<256x1xf32> to vector<256x256xf32>
    %gt3A_2198 = vector.broadcast %transpose3A_2196 : vector<1x256xf32> to vector<256x256xf32>
    %gt3A_2199 = arith.cmpf ogt, %gt3A_2197, %gt3A_2198 : vector<256x256xf32>
    %eq3A_2200 = vector.broadcast %select_n3A_2195 : vector<256x1xf32> to vector<256x256xf32>
    %eq3A_2201 = vector.broadcast %transpose3A_2196 : vector<1x256xf32> to vector<256x256xf32>
    %eq3A_2202 = arith.cmpf oeq, %eq3A_2200, %eq3A_2201 : vector<256x256xf32>
    %lt3A_2203 = arith.cmpi slt, %iota3A_2004, %iota3A_2005 : vector<256x256xi32>
    %and3A_2204 = arith.andi %eq3A_2202, %lt3A_2203 : vector<256x256xi1>
    %or3A_2205 = arith.ori %gt3A_2199, %and3A_2204 : vector<256x256xi1>
    %convert_element_type3A_2206 = arith.extui %or3A_2205 : vector<256x256xi1> to vector<256x256xi32>
    %reduce_sum3A_2207 = arith.constant dense<0> : vector<256xi32>
    %reduce_sum3A_2208 = vector.multi_reduction <add>, %convert_element_type3A_2206, %reduce_sum3A_2207 [0] : vector<256x256xi32> to vector<256xi32>
    %broadcast_in_dim3A_2209 = vector.shape_cast %reduce_sum3A_2208 : vector<256xi32> to vector<1x256xi32>
    %lt3A_2210 = arith.constant 103 : i32
    %lt3A_2211 = vector.broadcast %lt3A_2210 : i32 to vector<1x256xi32>
    %lt3A_2212 = arith.cmpi slt, %broadcast_in_dim3A_2209, %lt3A_2211 : vector<1x256xi32>
    %convert_element_type3A_2213 = arith.extui %lt3A_2212 : vector<1x256xi1> to vector<1x256xi32>
    %convert_element_type3A_2214 = arith.sitofp %convert_element_type3A_2213 : vector<1x256xi32> to vector<1x256xf32>
    %mul3A_2215 = arith.mulf %mul3A_2144, %convert_element_type3A_2214 : vector<1x256xf32>
    %transpose3A_2216 = tpu.transpose %mul3A_2215, [1, 0] : vector<1x256xf32> -> vector<256x1xf32>
    %tanh3A_2217 = math.tanh %broadcast_in_dim3A_2189 : vector<256x1xf32>
    %mul3A_2218 = vector.broadcast %tanh3A_2217 : vector<256x1xf32> to vector<256x128xf32>
    %mul3A_2219 = arith.mulf %max3A_2175, %mul3A_2218 : vector<256x128xf32>
    %mul3A_2220 = vector.broadcast %transpose3A_2216 : vector<256x1xf32> to vector<256x128xf32>
    %mul3A_2221 = arith.mulf %mul3A_2219, %mul3A_2220 : vector<256x128xf32>
    %reduce_sum3A_2222 = arith.constant dense<0.000000e+00> : vector<128xf32>
    %reduce_sum3A_2223 = vector.multi_reduction <add>, %mul3A_2221, %reduce_sum3A_2222 [0] : vector<256x128xf32> to vector<128xf32>
    %broadcast_in_dim3A_2224 = vector.shape_cast %reduce_sum3A_2223 : vector<128xf32> to vector<1x128xf32>
    %mul3A_2225 = arith.constant 0.00970873795 : f32
    %mul3A_2226 = vector.broadcast %mul3A_2225 : f32 to vector<1x128xf32>
    %mul3A_2227 = arith.mulf %broadcast_in_dim3A_2224, %mul3A_2226 : vector<1x128xf32>
    %broadcast_in_dim3A_2228 = vector.shape_cast %mul3A_2227 : vector<1x128xf32> to vector<1x128xf32>
    %broadcast_in_dim3A_2229 = vector.broadcast %broadcast_in_dim3A_2228 : vector<1x128xf32> to vector<8x128xf32>
    %swap3A_2230 = arith.constant 8 : index
    %swap3A_2231 = arith.constant 0 : index
    %swap3A_2232 = arith.constant 0 : index
    %swap3A_2233 = vector.load %arg12[%swap3A_2230, %swap3A_2231, %swap3A_2232] : memref<10x8x128xf32, #tpu.memory_space<vmem>>, vector<1x8x128xf32>
    %swap3A_2234 = vector.shape_cast %swap3A_2233 : vector<1x8x128xf32> to vector<8x128xf32>
    %swap3A_2235 = vector.shape_cast %broadcast_in_dim3A_2229 : vector<8x128xf32> to vector<1x8x128xf32>
    tpu.vector_store %arg12[%swap3A_2230, %swap3A_2231, %swap3A_2232], %swap3A_2235 {strides = array<i32>} : memref<10x8x128xf32, #tpu.memory_space<vmem>>, vector<1x8x128xf32>,
    %get3A_2236 = arith.constant 9 : index
    %get3A_2237 = arith.constant 0 : index
    %get3A_2238 = arith.constant 0 : index
    %get3A_2239 = vector.load %arg1[%get3A_2236, %get3A_2237, %get3A_2238] : memref<10x200x128xf32, #tpu.memory_space<vmem>>, vector<1x200x128xf32>
    %get3A_2240 = vector.shape_cast %get3A_2239 : vector<1x200x128xf32> to vector<200x128xf32>
    %get3A_2241 = arith.constant 9 : index
    %get3A_2242 = arith.constant 0 : index
    %get3A_2243 = arith.constant 0 : index
    %get3A_2244 = vector.load %arg2[%get3A_2241, %get3A_2242, %get3A_2243] : memref<10x200x256xf32, #tpu.memory_space<vmem>>, vector<1x200x256xf32>
    %get3A_2245 = vector.shape_cast %get3A_2244 : vector<1x200x256xf32> to vector<200x256xf32>
    %broadcast_in_dim3A_2246 = arith.constant 0.000000e+00 : f32
    %broadcast_in_dim3A_2247 = vector.broadcast %broadcast_in_dim3A_2246 : f32 to vector<56x128xf32>
    %concatenate3A_2248 = tpu.concatenate %get3A_2240, %broadcast_in_dim3A_2247 in 0 : vector<200x128xf32>, vector<56x128xf32> -> vector<256x128xf32>
    %broadcast_in_dim3A_2249 = arith.constant 0.000000e+00 : f32
    %broadcast_in_dim3A_2250 = vector.broadcast %broadcast_in_dim3A_2249 : f32 to vector<56x256xf32>
    %concatenate3A_2251 = tpu.concatenate %get3A_2245, %broadcast_in_dim3A_2250 in 0 : vector<200x256xf32>, vector<56x256xf32> -> vector<256x256xf32>
    %iota3A_2252 = tpu.iota {dimensions = array<i32: 0>} : vector<256x256xi32>
    %iota3A_2253 = tpu.iota {dimensions = array<i32: 1>} : vector<256x256xi32>
    %iota3A_2254 = tpu.iota {dimensions = array<i32: 0>} : vector<256x1xi32>
    %lt3A_2255 = arith.constant 200 : i32
    %lt3A_2256 = vector.broadcast %lt3A_2255 : i32 to vector<256x1xi32>
    %lt3A_2257 = arith.cmpi slt, %iota3A_2254, %lt3A_2256 : vector<256x1xi32>
    %convert_element_type3A_2258 = arith.extui %lt3A_2257 : vector<256x1xi1> to vector<256x1xi32>
    %convert_element_type3A_2259 = arith.sitofp %convert_element_type3A_2258 : vector<256x1xi32> to vector<256x1xf32>
    %transpose3A_2260 = tpu.transpose %convert_element_type3A_2259, [1, 0] : vector<256x1xf32> -> vector<1x256xf32>
    %dot_general3A_2261 = arith.constant dense<0.000000e+00> : vector<256x128xf32>
    %dot_general3A_2262 = tpu.matmul %concatenate3A_2248, %get3A_1, %dot_general3A_2261 {dimension_numbers = #tpu.dot_dimension_numbers<[1], [0], [0], [1], [0, 0, 1, 1], [], []>, precision = #tpu.contract_precision<fp32>, transpose_lhs_hint = false} : vector<256x128xf32>, vector<128x128xf32>, vector<256x128xf32> -> vector<256x128xf32>
    %reduce_sum3A_2263 = arith.constant dense<0.000000e+00> : vector<256xf32>
    %reduce_sum3A_2264 = vector.multi_reduction <add>, %concatenate3A_2251, %reduce_sum3A_2263 [1] : vector<256x256xf32> to vector<256xf32>
    %broadcast_in_dim3A_2265 = vector.shape_cast %reduce_sum3A_2264 : vector<256xf32> to vector<256x1xf32>
    %add3A_2266 = arith.constant 1.000000e+00 : f32
    %add3A_2267 = vector.broadcast %add3A_2266 : f32 to vector<256x1xf32>
    %add3A_2268 = arith.addf %broadcast_in_dim3A_2265, %add3A_2267 : vector<256x1xf32>
    %rsqrt3A_2269 = math.rsqrt %add3A_2268 : vector<256x1xf32>
    %mul3A_2270 = vector.broadcast %rsqrt3A_2269 : vector<256x1xf32> to vector<256x128xf32>
    %mul3A_2271 = arith.mulf %mul3A_2270, %dot_general3A_2262 : vector<256x128xf32>
    %dot_general3A_2272 = arith.constant dense<0.000000e+00> : vector<256x128xf32>
    %dot_general3A_2273 = tpu.matmul %concatenate3A_2251, %mul3A_2271, %dot_general3A_2272 {dimension_numbers = #tpu.dot_dimension_numbers<[1], [0], [0], [1], [0, 0, 1, 1], [], []>, precision = #tpu.contract_precision<fp32>, transpose_lhs_hint = false} : vector<256x256xf32>, vector<256x128xf32>, vector<256x128xf32> -> vector<256x128xf32>
    %add3A_2274 = arith.addf %dot_general3A_2273, %mul3A_2271 : vector<256x128xf32>
    %mul3A_2275 = vector.broadcast %rsqrt3A_2269 : vector<256x1xf32> to vector<256x128xf32>
    %mul3A_2276 = arith.mulf %mul3A_2275, %add3A_2274 : vector<256x128xf32>
    %add3A_2277 = vector.broadcast %get3A_4 : vector<1x128xf32> to vector<256x128xf32>
    %add3A_2278 = arith.addf %mul3A_2276, %add3A_2277 : vector<256x128xf32>
    %max3A_2279 = arith.constant 0.000000e+00 : f32
    %max3A_2280 = vector.broadcast %max3A_2279 : f32 to vector<256x128xf32>
    %max3A_2281 = arith.maximumf %add3A_2278, %max3A_2280 : vector<256x128xf32>
    %mul3A_2282 = arith.mulf %get3A_7, %get3A_7 : vector<1x128xf32>
    %reduce_sum3A_2283 = vector.shape_cast %mul3A_2282 : vector<1x128xf32> to vector<1x1x128xf32>
    %reduce_sum3A_2284 = arith.constant dense<0.000000e+00> : vector<1xf32>
    %reduce_sum3A_2285 = vector.multi_reduction <add>, %reduce_sum3A_2283, %reduce_sum3A_2284 [1, 2] : vector<1x1x128xf32> to vector<1xf32>
    %reduce_sum3A_2286 = vector.shape_cast %reduce_sum3A_2285 : vector<1xf32> to vector<1x1x1xf32>
    %reduce_sum3A_2287 = vector.extract %reduce_sum3A_2286[0, 0, 0] : f32 from vector<1x1x1xf32>
    %sqrt3A_2288 = math.sqrt %reduce_sum3A_2287 : f32
    %div3A_2289 = vector.broadcast %sqrt3A_2288 : f32 to vector<1x128xf32>
    %div3A_2290 = arith.divf %get3A_7, %div3A_2289 : vector<1x128xf32>
    %mul3A_2291 = vector.broadcast %div3A_2290 : vector<1x128xf32> to vector<256x128xf32>
    %mul3A_2292 = arith.mulf %max3A_2281, %mul3A_2291 : vector<256x128xf32>
    %reduce_sum3A_2293 = arith.constant dense<0.000000e+00> : vector<256xf32>
    %reduce_sum3A_2294 = vector.multi_reduction <add>, %mul3A_2292, %reduce_sum3A_2293 [1] : vector<256x128xf32> to vector<256xf32>
    %broadcast_in_dim3A_2295 = vector.shape_cast %reduce_sum3A_2294 : vector<256xf32> to vector<256x1xf32>
    %gt3A_2296 = arith.constant 0.000000e+00 : f32
    %gt3A_2297 = vector.broadcast %gt3A_2296 : f32 to vector<256x1xf32>
    %gt3A_2298 = arith.cmpf ogt, %convert_element_type3A_2259, %gt3A_2297 : vector<256x1xf32>
    %jit3A_2299 = arith.constant 0xFF800000 : f32
    %broadcast_in_dim3A_2300 = vector.broadcast %jit3A_2299 : f32 to vector<256x1xf32>
    %select_n3A_2301 = arith.select %gt3A_2298, %broadcast_in_dim3A_2295, %broadcast_in_dim3A_2300 : vector<256x1xi1>, vector<256x1xf32>
    %transpose3A_2302 = tpu.transpose %select_n3A_2301, [1, 0] : vector<256x1xf32> -> vector<1x256xf32>
    %gt3A_2303 = vector.broadcast %select_n3A_2301 : vector<256x1xf32> to vector<256x256xf32>
    %gt3A_2304 = vector.broadcast %transpose3A_2302 : vector<1x256xf32> to vector<256x256xf32>
    %gt3A_2305 = arith.cmpf ogt, %gt3A_2303, %gt3A_2304 : vector<256x256xf32>
    %eq3A_2306 = vector.broadcast %select_n3A_2301 : vector<256x1xf32> to vector<256x256xf32>
    %eq3A_2307 = vector.broadcast %transpose3A_2302 : vector<1x256xf32> to vector<256x256xf32>
    %eq3A_2308 = arith.cmpf oeq, %eq3A_2306, %eq3A_2307 : vector<256x256xf32>
    %lt3A_2309 = arith.cmpi slt, %iota3A_2252, %iota3A_2253 : vector<256x256xi32>
    %and3A_2310 = arith.andi %eq3A_2308, %lt3A_2309 : vector<256x256xi1>
    %or3A_2311 = arith.ori %gt3A_2305, %and3A_2310 : vector<256x256xi1>
    %convert_element_type3A_2312 = arith.extui %or3A_2311 : vector<256x256xi1> to vector<256x256xi32>
    %reduce_sum3A_2313 = arith.constant dense<0> : vector<256xi32>
    %reduce_sum3A_2314 = vector.multi_reduction <add>, %convert_element_type3A_2312, %reduce_sum3A_2313 [0] : vector<256x256xi32> to vector<256xi32>
    %broadcast_in_dim3A_2315 = vector.shape_cast %reduce_sum3A_2314 : vector<256xi32> to vector<1x256xi32>
    %lt3A_2316 = arith.constant 160 : i32
    %lt3A_2317 = vector.broadcast %lt3A_2316 : i32 to vector<1x256xi32>
    %lt3A_2318 = arith.cmpi slt, %broadcast_in_dim3A_2315, %lt3A_2317 : vector<1x256xi32>
    %convert_element_type3A_2319 = arith.extui %lt3A_2318 : vector<1x256xi1> to vector<1x256xi32>
    %convert_element_type3A_2320 = arith.sitofp %convert_element_type3A_2319 : vector<1x256xi32> to vector<1x256xf32>
    %mul3A_2321 = arith.mulf %transpose3A_2260, %convert_element_type3A_2320 : vector<1x256xf32>
    %transpose3A_2322 = tpu.transpose %mul3A_2321, [1, 0] : vector<1x256xf32> -> vector<256x1xf32>
    %tanh3A_2323 = math.tanh %broadcast_in_dim3A_2295 : vector<256x1xf32>
    %mul3A_2324 = vector.broadcast %tanh3A_2323 : vector<256x1xf32> to vector<256x128xf32>
    %mul3A_2325 = arith.mulf %max3A_2281, %mul3A_2324 : vector<256x128xf32>
    %mul3A_2326 = vector.broadcast %transpose3A_2322 : vector<256x1xf32> to vector<256x128xf32>
    %mul3A_2327 = arith.mulf %mul3A_2325, %mul3A_2326 : vector<256x128xf32>
    %mul3A_2328 = vector.broadcast %transpose3A_2322 : vector<256x1xf32> to vector<256x256xf32>
    %mul3A_2329 = arith.mulf %concatenate3A_2251, %mul3A_2328 : vector<256x256xf32>
    %mul3A_2330 = vector.broadcast %mul3A_2321 : vector<1x256xf32> to vector<256x256xf32>
    %mul3A_2331 = arith.mulf %mul3A_2329, %mul3A_2330 : vector<256x256xf32>
    %dot_general3A_2332 = arith.constant dense<0.000000e+00> : vector<256x128xf32>
    %dot_general3A_2333 = tpu.matmul %mul3A_2327, %get3A_10, %dot_general3A_2332 {dimension_numbers = #tpu.dot_dimension_numbers<[1], [0], [0], [1], [0, 0, 1, 1], [], []>, precision = #tpu.contract_precision<fp32>, transpose_lhs_hint = false} : vector<256x128xf32>, vector<128x128xf32>, vector<256x128xf32> -> vector<256x128xf32>
    %reduce_sum3A_2334 = arith.constant dense<0.000000e+00> : vector<256xf32>
    %reduce_sum3A_2335 = vector.multi_reduction <add>, %mul3A_2331, %reduce_sum3A_2334 [1] : vector<256x256xf32> to vector<256xf32>
    %broadcast_in_dim3A_2336 = vector.shape_cast %reduce_sum3A_2335 : vector<256xf32> to vector<256x1xf32>
    %add3A_2337 = arith.constant 1.000000e+00 : f32
    %add3A_2338 = vector.broadcast %add3A_2337 : f32 to vector<256x1xf32>
    %add3A_2339 = arith.addf %broadcast_in_dim3A_2336, %add3A_2338 : vector<256x1xf32>
    %rsqrt3A_2340 = math.rsqrt %add3A_2339 : vector<256x1xf32>
    %mul3A_2341 = vector.broadcast %rsqrt3A_2340 : vector<256x1xf32> to vector<256x128xf32>
    %mul3A_2342 = arith.mulf %mul3A_2341, %dot_general3A_2333 : vector<256x128xf32>
    %dot_general3A_2343 = arith.constant dense<0.000000e+00> : vector<256x128xf32>
    %dot_general3A_2344 = tpu.matmul %mul3A_2331, %mul3A_2342, %dot_general3A_2343 {dimension_numbers = #tpu.dot_dimension_numbers<[1], [0], [0], [1], [0, 0, 1, 1], [], []>, precision = #tpu.contract_precision<fp32>, transpose_lhs_hint = false} : vector<256x256xf32>, vector<256x128xf32>, vector<256x128xf32> -> vector<256x128xf32>
    %add3A_2345 = arith.addf %dot_general3A_2344, %mul3A_2342 : vector<256x128xf32>
    %mul3A_2346 = vector.broadcast %rsqrt3A_2340 : vector<256x1xf32> to vector<256x128xf32>
    %mul3A_2347 = arith.mulf %mul3A_2346, %add3A_2345 : vector<256x128xf32>
    %add3A_2348 = vector.broadcast %get3A_13 : vector<1x128xf32> to vector<256x128xf32>
    %add3A_2349 = arith.addf %mul3A_2347, %add3A_2348 : vector<256x128xf32>
    %max3A_2350 = arith.constant 0.000000e+00 : f32
    %max3A_2351 = vector.broadcast %max3A_2350 : f32 to vector<256x128xf32>
    %max3A_2352 = arith.maximumf %add3A_2349, %max3A_2351 : vector<256x128xf32>
    %mul3A_2353 = arith.mulf %get3A_16, %get3A_16 : vector<1x128xf32>
    %reduce_sum3A_2354 = vector.shape_cast %mul3A_2353 : vector<1x128xf32> to vector<1x1x128xf32>
    %reduce_sum3A_2355 = arith.constant dense<0.000000e+00> : vector<1xf32>
    %reduce_sum3A_2356 = vector.multi_reduction <add>, %reduce_sum3A_2354, %reduce_sum3A_2355 [1, 2] : vector<1x1x128xf32> to vector<1xf32>
    %reduce_sum3A_2357 = vector.shape_cast %reduce_sum3A_2356 : vector<1xf32> to vector<1x1x1xf32>
    %reduce_sum3A_2358 = vector.extract %reduce_sum3A_2357[0, 0, 0] : f32 from vector<1x1x1xf32>
    %sqrt3A_2359 = math.sqrt %reduce_sum3A_2358 : f32
    %div3A_2360 = vector.broadcast %sqrt3A_2359 : f32 to vector<1x128xf32>
    %div3A_2361 = arith.divf %get3A_16, %div3A_2360 : vector<1x128xf32>
    %mul3A_2362 = vector.broadcast %div3A_2361 : vector<1x128xf32> to vector<256x128xf32>
    %mul3A_2363 = arith.mulf %max3A_2352, %mul3A_2362 : vector<256x128xf32>
    %reduce_sum3A_2364 = arith.constant dense<0.000000e+00> : vector<256xf32>
    %reduce_sum3A_2365 = vector.multi_reduction <add>, %mul3A_2363, %reduce_sum3A_2364 [1] : vector<256x128xf32> to vector<256xf32>
    %broadcast_in_dim3A_2366 = vector.shape_cast %reduce_sum3A_2365 : vector<256xf32> to vector<256x1xf32>
    %gt3A_2367 = arith.constant 0.000000e+00 : f32
    %gt3A_2368 = vector.broadcast %gt3A_2367 : f32 to vector<256x1xf32>
    %gt3A_2369 = arith.cmpf ogt, %transpose3A_2322, %gt3A_2368 : vector<256x1xf32>
    %jit3A_2370 = arith.constant 0xFF800000 : f32
    %broadcast_in_dim3A_2371 = vector.broadcast %jit3A_2370 : f32 to vector<256x1xf32>
    %select_n3A_2372 = arith.select %gt3A_2369, %broadcast_in_dim3A_2366, %broadcast_in_dim3A_2371 : vector<256x1xi1>, vector<256x1xf32>
    %transpose3A_2373 = tpu.transpose %select_n3A_2372, [1, 0] : vector<256x1xf32> -> vector<1x256xf32>
    %gt3A_2374 = vector.broadcast %select_n3A_2372 : vector<256x1xf32> to vector<256x256xf32>
    %gt3A_2375 = vector.broadcast %transpose3A_2373 : vector<1x256xf32> to vector<256x256xf32>
    %gt3A_2376 = arith.cmpf ogt, %gt3A_2374, %gt3A_2375 : vector<256x256xf32>
    %eq3A_2377 = vector.broadcast %select_n3A_2372 : vector<256x1xf32> to vector<256x256xf32>
    %eq3A_2378 = vector.broadcast %transpose3A_2373 : vector<1x256xf32> to vector<256x256xf32>
    %eq3A_2379 = arith.cmpf oeq, %eq3A_2377, %eq3A_2378 : vector<256x256xf32>
    %lt3A_2380 = arith.cmpi slt, %iota3A_2252, %iota3A_2253 : vector<256x256xi32>
    %and3A_2381 = arith.andi %eq3A_2379, %lt3A_2380 : vector<256x256xi1>
    %or3A_2382 = arith.ori %gt3A_2376, %and3A_2381 : vector<256x256xi1>
    %convert_element_type3A_2383 = arith.extui %or3A_2382 : vector<256x256xi1> to vector<256x256xi32>
    %reduce_sum3A_2384 = arith.constant dense<0> : vector<256xi32>
    %reduce_sum3A_2385 = vector.multi_reduction <add>, %convert_element_type3A_2383, %reduce_sum3A_2384 [0] : vector<256x256xi32> to vector<256xi32>
    %broadcast_in_dim3A_2386 = vector.shape_cast %reduce_sum3A_2385 : vector<256xi32> to vector<1x256xi32>
    %lt3A_2387 = arith.constant 128 : i32
    %lt3A_2388 = vector.broadcast %lt3A_2387 : i32 to vector<1x256xi32>
    %lt3A_2389 = arith.cmpi slt, %broadcast_in_dim3A_2386, %lt3A_2388 : vector<1x256xi32>
    %convert_element_type3A_2390 = arith.extui %lt3A_2389 : vector<1x256xi1> to vector<1x256xi32>
    %convert_element_type3A_2391 = arith.sitofp %convert_element_type3A_2390 : vector<1x256xi32> to vector<1x256xf32>
    %mul3A_2392 = arith.mulf %mul3A_2321, %convert_element_type3A_2391 : vector<1x256xf32>
    %transpose3A_2393 = tpu.transpose %mul3A_2392, [1, 0] : vector<1x256xf32> -> vector<256x1xf32>
    %tanh3A_2394 = math.tanh %broadcast_in_dim3A_2366 : vector<256x1xf32>
    %mul3A_2395 = vector.broadcast %tanh3A_2394 : vector<256x1xf32> to vector<256x128xf32>
    %mul3A_2396 = arith.mulf %max3A_2352, %mul3A_2395 : vector<256x128xf32>
    %mul3A_2397 = vector.broadcast %transpose3A_2393 : vector<256x1xf32> to vector<256x128xf32>
    %mul3A_2398 = arith.mulf %mul3A_2396, %mul3A_2397 : vector<256x128xf32>
    %mul3A_2399 = vector.broadcast %transpose3A_2393 : vector<256x1xf32> to vector<256x256xf32>
    %mul3A_2400 = arith.mulf %mul3A_2331, %mul3A_2399 : vector<256x256xf32>
    %mul3A_2401 = vector.broadcast %mul3A_2392 : vector<1x256xf32> to vector<256x256xf32>
    %mul3A_2402 = arith.mulf %mul3A_2400, %mul3A_2401 : vector<256x256xf32>
    %dot_general3A_2403 = arith.constant dense<0.000000e+00> : vector<256x128xf32>
    %dot_general3A_2404 = tpu.matmul %mul3A_2398, %get3A_19, %dot_general3A_2403 {dimension_numbers = #tpu.dot_dimension_numbers<[1], [0], [0], [1], [0, 0, 1, 1], [], []>, precision = #tpu.contract_precision<fp32>, transpose_lhs_hint = false} : vector<256x128xf32>, vector<128x128xf32>, vector<256x128xf32> -> vector<256x128xf32>
    %reduce_sum3A_2405 = arith.constant dense<0.000000e+00> : vector<256xf32>
    %reduce_sum3A_2406 = vector.multi_reduction <add>, %mul3A_2402, %reduce_sum3A_2405 [1] : vector<256x256xf32> to vector<256xf32>
    %broadcast_in_dim3A_2407 = vector.shape_cast %reduce_sum3A_2406 : vector<256xf32> to vector<256x1xf32>
    %add3A_2408 = arith.constant 1.000000e+00 : f32
    %add3A_2409 = vector.broadcast %add3A_2408 : f32 to vector<256x1xf32>
    %add3A_2410 = arith.addf %broadcast_in_dim3A_2407, %add3A_2409 : vector<256x1xf32>
    %rsqrt3A_2411 = math.rsqrt %add3A_2410 : vector<256x1xf32>
    %mul3A_2412 = vector.broadcast %rsqrt3A_2411 : vector<256x1xf32> to vector<256x128xf32>
    %mul3A_2413 = arith.mulf %mul3A_2412, %dot_general3A_2404 : vector<256x128xf32>
    %dot_general3A_2414 = arith.constant dense<0.000000e+00> : vector<256x128xf32>
    %dot_general3A_2415 = tpu.matmul %mul3A_2402, %mul3A_2413, %dot_general3A_2414 {dimension_numbers = #tpu.dot_dimension_numbers<[1], [0], [0], [1], [0, 0, 1, 1], [], []>, precision = #tpu.contract_precision<fp32>, transpose_lhs_hint = false} : vector<256x256xf32>, vector<256x128xf32>, vector<256x128xf32> -> vector<256x128xf32>
    %add3A_2416 = arith.addf %dot_general3A_2415, %mul3A_2413 : vector<256x128xf32>
    %mul3A_2417 = vector.broadcast %rsqrt3A_2411 : vector<256x1xf32> to vector<256x128xf32>
    %mul3A_2418 = arith.mulf %mul3A_2417, %add3A_2416 : vector<256x128xf32>
    %add3A_2419 = vector.broadcast %get3A_22 : vector<1x128xf32> to vector<256x128xf32>
    %add3A_2420 = arith.addf %mul3A_2418, %add3A_2419 : vector<256x128xf32>
    %max3A_2421 = arith.constant 0.000000e+00 : f32
    %max3A_2422 = vector.broadcast %max3A_2421 : f32 to vector<256x128xf32>
    %max3A_2423 = arith.maximumf %add3A_2420, %max3A_2422 : vector<256x128xf32>
    %mul3A_2424 = arith.mulf %get3A_25, %get3A_25 : vector<1x128xf32>
    %reduce_sum3A_2425 = vector.shape_cast %mul3A_2424 : vector<1x128xf32> to vector<1x1x128xf32>
    %reduce_sum3A_2426 = arith.constant dense<0.000000e+00> : vector<1xf32>
    %reduce_sum3A_2427 = vector.multi_reduction <add>, %reduce_sum3A_2425, %reduce_sum3A_2426 [1, 2] : vector<1x1x128xf32> to vector<1xf32>
    %reduce_sum3A_2428 = vector.shape_cast %reduce_sum3A_2427 : vector<1xf32> to vector<1x1x1xf32>
    %reduce_sum3A_2429 = vector.extract %reduce_sum3A_2428[0, 0, 0] : f32 from vector<1x1x1xf32>
    %sqrt3A_2430 = math.sqrt %reduce_sum3A_2429 : f32
    %div3A_2431 = vector.broadcast %sqrt3A_2430 : f32 to vector<1x128xf32>
    %div3A_2432 = arith.divf %get3A_25, %div3A_2431 : vector<1x128xf32>
    %mul3A_2433 = vector.broadcast %div3A_2432 : vector<1x128xf32> to vector<256x128xf32>
    %mul3A_2434 = arith.mulf %max3A_2423, %mul3A_2433 : vector<256x128xf32>
    %reduce_sum3A_2435 = arith.constant dense<0.000000e+00> : vector<256xf32>
    %reduce_sum3A_2436 = vector.multi_reduction <add>, %mul3A_2434, %reduce_sum3A_2435 [1] : vector<256x128xf32> to vector<256xf32>
    %broadcast_in_dim3A_2437 = vector.shape_cast %reduce_sum3A_2436 : vector<256xf32> to vector<256x1xf32>
    %gt3A_2438 = arith.constant 0.000000e+00 : f32
    %gt3A_2439 = vector.broadcast %gt3A_2438 : f32 to vector<256x1xf32>
    %gt3A_2440 = arith.cmpf ogt, %transpose3A_2393, %gt3A_2439 : vector<256x1xf32>
    %jit3A_2441 = arith.constant 0xFF800000 : f32
    %broadcast_in_dim3A_2442 = vector.broadcast %jit3A_2441 : f32 to vector<256x1xf32>
    %select_n3A_2443 = arith.select %gt3A_2440, %broadcast_in_dim3A_2437, %broadcast_in_dim3A_2442 : vector<256x1xi1>, vector<256x1xf32>
    %transpose3A_2444 = tpu.transpose %select_n3A_2443, [1, 0] : vector<256x1xf32> -> vector<1x256xf32>
    %gt3A_2445 = vector.broadcast %select_n3A_2443 : vector<256x1xf32> to vector<256x256xf32>
    %gt3A_2446 = vector.broadcast %transpose3A_2444 : vector<1x256xf32> to vector<256x256xf32>
    %gt3A_2447 = arith.cmpf ogt, %gt3A_2445, %gt3A_2446 : vector<256x256xf32>
    %eq3A_2448 = vector.broadcast %select_n3A_2443 : vector<256x1xf32> to vector<256x256xf32>
    %eq3A_2449 = vector.broadcast %transpose3A_2444 : vector<1x256xf32> to vector<256x256xf32>
    %eq3A_2450 = arith.cmpf oeq, %eq3A_2448, %eq3A_2449 : vector<256x256xf32>
    %lt3A_2451 = arith.cmpi slt, %iota3A_2252, %iota3A_2253 : vector<256x256xi32>
    %and3A_2452 = arith.andi %eq3A_2450, %lt3A_2451 : vector<256x256xi1>
    %or3A_2453 = arith.ori %gt3A_2447, %and3A_2452 : vector<256x256xi1>
    %convert_element_type3A_2454 = arith.extui %or3A_2453 : vector<256x256xi1> to vector<256x256xi32>
    %reduce_sum3A_2455 = arith.constant dense<0> : vector<256xi32>
    %reduce_sum3A_2456 = vector.multi_reduction <add>, %convert_element_type3A_2454, %reduce_sum3A_2455 [0] : vector<256x256xi32> to vector<256xi32>
    %broadcast_in_dim3A_2457 = vector.shape_cast %reduce_sum3A_2456 : vector<256xi32> to vector<1x256xi32>
    %lt3A_2458 = arith.constant 103 : i32
    %lt3A_2459 = vector.broadcast %lt3A_2458 : i32 to vector<1x256xi32>
    %lt3A_2460 = arith.cmpi slt, %broadcast_in_dim3A_2457, %lt3A_2459 : vector<1x256xi32>
    %convert_element_type3A_2461 = arith.extui %lt3A_2460 : vector<1x256xi1> to vector<1x256xi32>
    %convert_element_type3A_2462 = arith.sitofp %convert_element_type3A_2461 : vector<1x256xi32> to vector<1x256xf32>
    %mul3A_2463 = arith.mulf %mul3A_2392, %convert_element_type3A_2462 : vector<1x256xf32>
    %transpose3A_2464 = tpu.transpose %mul3A_2463, [1, 0] : vector<1x256xf32> -> vector<256x1xf32>
    %tanh3A_2465 = math.tanh %broadcast_in_dim3A_2437 : vector<256x1xf32>
    %mul3A_2466 = vector.broadcast %tanh3A_2465 : vector<256x1xf32> to vector<256x128xf32>
    %mul3A_2467 = arith.mulf %max3A_2423, %mul3A_2466 : vector<256x128xf32>
    %mul3A_2468 = vector.broadcast %transpose3A_2464 : vector<256x1xf32> to vector<256x128xf32>
    %mul3A_2469 = arith.mulf %mul3A_2467, %mul3A_2468 : vector<256x128xf32>
    %reduce_sum3A_2470 = arith.constant dense<0.000000e+00> : vector<128xf32>
    %reduce_sum3A_2471 = vector.multi_reduction <add>, %mul3A_2469, %reduce_sum3A_2470 [0] : vector<256x128xf32> to vector<128xf32>
    %broadcast_in_dim3A_2472 = vector.shape_cast %reduce_sum3A_2471 : vector<128xf32> to vector<1x128xf32>
    %mul3A_2473 = arith.constant 0.00970873795 : f32
    %mul3A_2474 = vector.broadcast %mul3A_2473 : f32 to vector<1x128xf32>
    %mul3A_2475 = arith.mulf %broadcast_in_dim3A_2472, %mul3A_2474 : vector<1x128xf32>
    %broadcast_in_dim3A_2476 = vector.shape_cast %mul3A_2475 : vector<1x128xf32> to vector<1x128xf32>
    %broadcast_in_dim3A_2477 = vector.broadcast %broadcast_in_dim3A_2476 : vector<1x128xf32> to vector<8x128xf32>
    %swap3A_2478 = arith.constant 9 : index
    %swap3A_2479 = arith.constant 0 : index
    %swap3A_2480 = arith.constant 0 : index
    %swap3A_2481 = vector.load %arg12[%swap3A_2478, %swap3A_2479, %swap3A_2480] : memref<10x8x128xf32, #tpu.memory_space<vmem>>, vector<1x8x128xf32>
    %swap3A_2482 = vector.shape_cast %swap3A_2481 : vector<1x8x128xf32> to vector<8x128xf32>
    %swap3A_2483 = vector.shape_cast %broadcast_in_dim3A_2477 : vector<8x128xf32> to vector<1x8x128xf32>
    tpu.vector_store %arg12[%swap3A_2478, %swap3A_2479, %swap3A_2480], %swap3A_2483 {strides = array<i32>} : memref<10x8x128xf32, #tpu.memory_space<vmem>>, vector<1x8x128xf32>,
    return
  }
  func.func @transform_0(%arg0: i32) -> (i32, i32, i32) {
    %c0_i32 = arith.constant 0 : i32
    %c0_i32_0 = arith.constant 0 : i32
    %c0_i32_1 = arith.constant 0 : i32
    return %arg0, %c0_i32, %c0_i32_0 : i32, i32, i32
  }
  func.func @transform_1(%arg0: i32) -> (i32, i32, i32) {
    %c0_i32 = arith.constant 0 : i32
    %c0_i32_0 = arith.constant 0 : i32
    %c0_i32_1 = arith.constant 0 : i32
    return %arg0, %c0_i32, %c0_i32_0 : i32, i32, i32
  }
  func.func @transform_2(%arg0: i32) -> (i32, i32) {
    %c0_i32 = arith.constant 0 : i32
    %c0_i32_0 = arith.constant 0 : i32
    %c0_i32_1 = arith.constant 0 : i32
    return %c0_i32, %c0_i32_0 : i32, i32
  }
  func.func @transform_3(%arg0: i32) -> (i32, i32) {
    %c0_i32 = arith.constant 0 : i32
    %c0_i32_0 = arith.constant 0 : i32
    %c0_i32_1 = arith.constant 0 : i32
    return %c0_i32, %c0_i32_0 : i32, i32
  }
  func.func @transform_4(%arg0: i32) -> (i32, i32) {
    %c0_i32 = arith.constant 0 : i32
    %c0_i32_0 = arith.constant 0 : i32
    %c0_i32_1 = arith.constant 0 : i32
    return %c0_i32, %c0_i32_0 : i32, i32
  }
  func.func @transform_5(%arg0: i32) -> (i32, i32) {
    %c0_i32 = arith.constant 0 : i32
    %c0_i32_0 = arith.constant 0 : i32
    %c0_i32_1 = arith.constant 0 : i32
    return %c0_i32, %c0_i32_0 : i32, i32
  }
  func.func @transform_6(%arg0: i32) -> (i32, i32) {
    %c0_i32 = arith.constant 0 : i32
    %c0_i32_0 = arith.constant 0 : i32
    %c0_i32_1 = arith.constant 0 : i32
    return %c0_i32, %c0_i32_0 : i32, i32
  }
  func.func @transform_7(%arg0: i32) -> (i32, i32) {
    %c0_i32 = arith.constant 0 : i32
    %c0_i32_0 = arith.constant 0 : i32
    %c0_i32_1 = arith.constant 0 : i32
    return %c0_i32, %c0_i32_0 : i32, i32
  }
  func.func @transform_8(%arg0: i32) -> (i32, i32) {
    %c0_i32 = arith.constant 0 : i32
    %c0_i32_0 = arith.constant 0 : i32
    %c0_i32_1 = arith.constant 0 : i32
    return %c0_i32, %c0_i32_0 : i32, i32
  }
  func.func @transform_9(%arg0: i32) -> (i32, i32) {
    %c0_i32 = arith.constant 0 : i32
    %c0_i32_0 = arith.constant 0 : i32
    %c0_i32_1 = arith.constant 0 : i32
    return %c0_i32, %c0_i32_0 : i32, i32
  }
  func.func @transform_10(%arg0: i32) -> (i32, i32) {
    %c0_i32 = arith.constant 0 : i32
    %c0_i32_0 = arith.constant 0 : i32
    %c0_i32_1 = arith.constant 0 : i32
    return %c0_i32, %c0_i32_0 : i32, i32
  }
  func.func @transform_11(%arg0: i32) -> (i32, i32, i32) {
    %c0_i32 = arith.constant 0 : i32
    %c0_i32_0 = arith.constant 0 : i32
    %c0_i32_1 = arith.constant 0 : i32
    return %arg0, %c0_i32, %c0_i32_0 : i32, i32, i32
  }
}

module attributes {stable_mosaic.version = 14 : i64} {
  func.func @_head_body(%arg0: memref<64x128xf32, #tpu.memory_space<vmem>>, %arg1: memref<128x128xf32, #tpu.memory_space<vmem>>, %arg2: memref<1x128xf32, #tpu.memory_space<vmem>>, %arg3: memref<128x128xf32, #tpu.memory_space<vmem>>, %arg4: memref<1x128xf32, #tpu.memory_space<vmem>>, %arg5: memref<64x128xf32, #tpu.memory_space<vmem>>) attributes {dimension_semantics = [], scalar_prefetch = 0 : i64, scratch_operands = 0 : i64, tpu.core_type = #tpu.core_type<tc>} {
    %get3A = arith.constant 0 : index
    %get3A_0 = arith.constant 0 : index
    %get3A_1 = vector.load %arg0[%get3A, %get3A_0] : memref<64x128xf32, #tpu.memory_space<vmem>>, vector<64x128xf32>
    %get3A_2 = arith.constant 0 : index
    %get3A_3 = arith.constant 0 : index
    %get3A_4 = vector.load %arg1[%get3A_2, %get3A_3] : memref<128x128xf32, #tpu.memory_space<vmem>>, vector<128x128xf32>
    %dot_general3A = arith.constant dense<0.000000e+00> : vector<64x128xf32>
    %dot_general3A_5 = tpu.matmul %get3A_1, %get3A_4, %dot_general3A {dimension_numbers = #tpu.dot_dimension_numbers<[1], [0], [0], [1], [0, 0, 1, 1], [], []>, precision = #tpu.contract_precision<fp32>, transpose_lhs_hint = false} : vector<64x128xf32>, vector<128x128xf32>, vector<64x128xf32> -> vector<64x128xf32>
    %get3A_6 = arith.constant 0 : index
    %get3A_7 = arith.constant 0 : index
    %get3A_8 = vector.load %arg2[%get3A_6, %get3A_7] : memref<1x128xf32, #tpu.memory_space<vmem>>, vector<1x128xf32>
    %add3A = vector.broadcast %get3A_8 : vector<1x128xf32> to vector<64x128xf32>
    %add3A_9 = arith.addf %dot_general3A_5, %add3A : vector<64x128xf32>
    %max3A = arith.constant 0.000000e+00 : f32
    %max3A_10 = vector.broadcast %max3A : f32 to vector<64x128xf32>
    %max3A_11 = arith.maximumf %add3A_9, %max3A_10 : vector<64x128xf32>
    %get3A_12 = arith.constant 0 : index
    %get3A_13 = arith.constant 0 : index
    %get3A_14 = vector.load %arg3[%get3A_12, %get3A_13] : memref<128x128xf32, #tpu.memory_space<vmem>>, vector<128x128xf32>
    %dot_general3A_15 = arith.constant dense<0.000000e+00> : vector<64x128xf32>
    %dot_general3A_16 = tpu.matmul %max3A_11, %get3A_14, %dot_general3A_15 {dimension_numbers = #tpu.dot_dimension_numbers<[1], [0], [0], [1], [0, 0, 1, 1], [], []>, precision = #tpu.contract_precision<fp32>, transpose_lhs_hint = false} : vector<64x128xf32>, vector<128x128xf32>, vector<64x128xf32> -> vector<64x128xf32>
    %get3A_17 = arith.constant 0 : index
    %get3A_18 = arith.constant 0 : index
    %get3A_19 = vector.load %arg4[%get3A_17, %get3A_18] : memref<1x128xf32, #tpu.memory_space<vmem>>, vector<1x128xf32>
    %add3A_20 = vector.broadcast %get3A_19 : vector<1x128xf32> to vector<64x128xf32>
    %add3A_21 = arith.addf %dot_general3A_16, %add3A_20 : vector<64x128xf32>
    %reduce_max3A = arith.constant dense<0xFF800000> : vector<64xf32>
    %reduce_max3A_22 = vector.multi_reduction <maximumf>, %add3A_21, %reduce_max3A [1] : vector<64x128xf32> to vector<64xf32>
    %broadcast_in_dim3A = vector.shape_cast %reduce_max3A_22 : vector<64xf32> to vector<64x1xf32>
    %sub3A = vector.broadcast %broadcast_in_dim3A : vector<64x1xf32> to vector<64x128xf32>
    %sub3A_23 = arith.subf %add3A_21, %sub3A : vector<64x128xf32>
    %exp3A = math.exp %sub3A_23 : vector<64x128xf32>
    %reduce_sum3A = arith.constant dense<0.000000e+00> : vector<64xf32>
    %reduce_sum3A_24 = vector.multi_reduction <add>, %exp3A, %reduce_sum3A [1] : vector<64x128xf32> to vector<64xf32>
    %broadcast_in_dim3A_25 = vector.shape_cast %reduce_sum3A_24 : vector<64xf32> to vector<64x1xf32>
    %log3A = math.log %broadcast_in_dim3A_25 : vector<64x1xf32>
    %sub3A_26 = vector.broadcast %broadcast_in_dim3A : vector<64x1xf32> to vector<64x128xf32>
    %sub3A_27 = arith.subf %add3A_21, %sub3A_26 : vector<64x128xf32>
    %sub3A_28 = vector.broadcast %log3A : vector<64x1xf32> to vector<64x128xf32>
    %sub3A_29 = arith.subf %sub3A_27, %sub3A_28 : vector<64x128xf32>
    %swap3A = arith.constant 0 : index
    %swap3A_30 = arith.constant 0 : index
    %swap3A_31 = vector.load %arg5[%swap3A, %swap3A_30] : memref<64x128xf32, #tpu.memory_space<vmem>>, vector<64x128xf32>
    tpu.vector_store %arg5[%swap3A, %swap3A_30], %sub3A_29 {strides = array<i32>} : memref<64x128xf32, #tpu.memory_space<vmem>>, vector<64x128xf32>,
    return
  }
}

</mosaic_0001>

<sc_bundles>
// kernel: kernel.5.cloned.1.call-start
scs
__scs_entry_jumppad:
0x0: {  	(pc) =	sbr.rel $0x88, $3  }
0x1: {  	(tag) =	ssettag $0x0;
	lr =	simm.s32 $0x1  }
0x2: {  	[smem:$0x3F92] =	sst lr;
	_ =	strace $0xD0000000  }
0x3: {  	_ = 	snop  }
0x4: {  	_ = 	snop  }
0x5: {  	_ = 	snop  }
0x6: {  	_ = 	snop  }
0x7: {  	_ = 	snop  }
__scs_overlays_trampoline_lowered:
0x8: {  	[smem:$0x3FA1] =	sst s0  }
0x9: {  	[smem:$0x3FA2] =	sst s1  }
0xa: {  	[smem:$0x3FA3] =	sst s2  }
0xb: {  	[smem:$0x3FA4] =	sst s3  }
0xc: {  	[smem:$0x3FA5] =	sst s4  }
0xd: {  	[smem:$0x3FA6] =	sst s5  }
0xe: {  	[smem:$0x3FA7] =	sst s6  }
0xf: {  	[smem:$0x3FA8] =	sst s7  }
0x10: {  	[smem:$0x3FA9] =	sst s8  }
0x11: {  	[smem:$0x3FAA] =	sst s9;
	s0 =	simm.s32 @!p0 $0x0  }
0x12: {  	s1 =	sld [smem:$0x3F90];
	s0 =	simm.s32 @p0 $0x1  }
0x13: {  	[smem:$0x3FAB] =	sst s0;
	s0 =	simm.s32 @!p1 $0x0  }
0x14: {  	s2 =	sld [smem:$0x3F8F];
	s0 =	simm.s32 @p1 $0x1  }
0x15: {  	[smem:$0x3FAC] =	sst s0;
	s0 =	simm.s32 @!p2 $0x0  }
0x16: {  	s3 =	sld [smem:$0x3FDB];
	s0 =	simm.s32 @p2 $0x1  }
0x17: {  	s4 =	simm.s32 $0x1BF5;
	[smem:$0x3FAE] =	sst s0  }
0x18: {  	s0 =	sld [smem:$0x3F91];
	_ =	swait.ge [sflag:s4], $0x0  }
0x19: {  	s7 =	sld [smem:$0x3F92]  }
0x1a: {  	s8 =	sadd.s32 $0xFFFFE003, lr  }
0x1b: {  	s9 =	sadd.s32 $0xFFFFFEF7, lr;
	s5 =	simm.s32 $0xFFFFFFFF;
	p2 =	slt.u32 s8, $0xFFFFF086  }
0x1c: {  	p1 =	slt.u32 s9, $0xF7A;
	s5 =	simm.s32 @!p2 $0x0  }
0x1d: {  	s5 =	simm.s32 @p1 $0x1;
	p0 =	seq.s32 s7, s2  }
0x1e: {  	s7 =	smul.u32 @!p0 $0xF7A, s2;
	p2 =	seq.s32 @!p0 s5, $0x0  }
0x1f: {  	s9 =	smul.u32 $0xF7A, s1;
	s8 =	simm.s32 @!p0 $0x1BF5;
	p2 =	por !p2, p0  }
0x20: {  	[sflag:s8] =	ssyncset.s32 @!p0 $0xFFFFF086;
	s6 =	sadd.s32 @!p0 s3, s7;
	s7 =	simm.s32 @!p0 $0x108  }
0x21: {  	s3 =	sadd.s32 s3, s9;
	s6 =	sadd.s32 @!p0 $0x88, s6;
	s7 =	simm.s32 @p2 $0x1082  }
0x22: {  	[simem:s7], [sflag:s8] =	dma.local @!p0 [hbm:s6], $0xF7A  }
0x23: {  	s9 =	sor.u32 $0xD0000000, s2;
	s6 =	simm.s32 $0x108;
	_ =	swait.ge @!p0 [sflag:s8], $0x0  }
0x24: {  	s3 =	sadd.s32 $0x88, s3;
	s6 =	simm.s32 @!p1 $0x1082;
	[sflag:s4] =	ssyncset.s32 $0xFFFFF086  }
0x25: {  	[simem:s6], [sflag:s4] =	dma.local [hbm:s3], $0xF7A  }
0x26: {  	[smem:$0x3F92] =	sst s1;
	(tag) =	ssettag s2;
	_ =	strace s9  }
0x27: {  	s1 =	sld [smem:$0x3FA2]  }
0x28: {  	s2 =	sld [smem:$0x3FA3]  }
0x29: {  	s4 =	sld [smem:$0x3FA5]  }
0x2a: {  	p0 =	seq.s32 s5, $0x0;
	s5 =	sld [smem:$0x3FA6]  }
0x2b: {  	s6 =	sld [smem:$0x3FA7]  }
0x2c: {  	s7 =	sld [smem:$0x3FA8]  }
0x2d: {  	s3 =	simm.s32 $0x108;
	s8 =	sld [smem:$0x3FA9]  }
0x2e: {  	s3 =	simm.s32 @!p0 $0x1082;
	s9 =	sld [smem:$0x3FAA]  }
0x2f: {  	lr =	sadd.s32 s0, s3;
	s0 =	sld [smem:$0x3FA1]  }
0x30: {  	s3 =	sld [smem:$0x3FA4]  }
0x31: {  	[smem:$0x3FAD] =	sst s10  }
0x32: {  	s10 =	sld [smem:$0x3FAB];
	_ =	sdelay $0x3  }
0x33: {  	p0 =	seq.s32 s10, $0x1;
	s10 =	sld [smem:$0x3FAD];
	_ =	sdelay $0x3  }
0x34: {  	[smem:$0x3FAD] =	sst s10  }
0x35: {  	s10 =	sld [smem:$0x3FAC];
	_ =	sdelay $0x3  }
0x36: {  	p1 =	seq.s32 s10, $0x1;
	s10 =	sld [smem:$0x3FAD];
	_ =	sdelay $0x3  }
0x37: {  	[smem:$0x3FAD] =	sst s10  }
0x38: {  	s10 =	sld [smem:$0x3FAE]  }
0x39: {  	_ = 	snop;
	(pc) =	sbr.ind lr, $3  }
0x3a: {  	_ = 	snop  }
0x3b: {  	_ = 	snop  }
0x3c: {  	p2 =	seq.s32 s10, $0x1;
	s10 =	sld [smem:$0x3FAD]  }
0x3d: {  	_ =	shalt  }
0x3e: {  	_ =	shalt  }
0x3f: {  	_ =	shalt  }
0x40: {  	_ =	shalt  }
0x41: {  	_ =	shalt  }
0x42: {  	_ =	shalt  }
0x43: {  	_ =	shalt  }
0x44: {  	_ =	shalt  }
0x45: {  	_ =	shalt  }
0x46: {  	_ =	shalt  }
0x47: {  	_ =	shalt  }
0x48: {  	_ =	shalt  }
0x49: {  	_ =	shalt  }
0x4a: {  	_ =	shalt  }
0x4b: {  	_ =	shalt  }
0x4c: {  	_ =	shalt  }
0x4d: {  	_ =	shalt  }
0x4e: {  	_ =	shalt  }
0x4f: {  	_ =	shalt  }
0x50: {  	_ =	shalt  }
0x51: {  	_ =	shalt  }
0x52: {  	_ =	shalt  }
0x53: {  	_ =	shalt  }
0x54: {  	_ =	shalt  }
0x55: {  	_ =	shalt  }
0x56: {  	_ =	shalt  }
0x57: {  	_ =	shalt  }
0x58: {  	_ =	shalt  }
0x59: {  	_ =	shalt  }
0x5a: {  	_ =	shalt  }
0x5b: {  	_ =	shalt  }
0x5c: {  	_ =	shalt  }
0x5d: {  	_ =	shalt  }
0x5e: {  	_ =	shalt  }
0x5f: {  	_ =	shalt  }
0x60: {  	_ =	shalt  }
0x61: {  	_ =	shalt  }
0x62: {  	_ =	shalt  }
0x63: {  	_ =	shalt  }
0x64: {  	_ =	shalt  }
0x65: {  	_ =	shalt  }
0x66: {  	_ =	shalt  }
0x67: {  	_ =	shalt  }
0x68: {  	_ =	shalt  }
0x69: {  	_ =	shalt  }
0x6a: {  	_ =	shalt  }
0x6b: {  	_ =	shalt  }
0x6c: {  	_ =	shalt  }
0x6d: {  	_ =	shalt  }
0x6e: {  	_ =	shalt  }
0x6f: {  	_ =	shalt  }
0x70: {  	_ =	shalt  }
0x71: {  	_ =	shalt  }
0x72: {  	_ =	shalt  }
0x73: {  	_ =	shalt  }
0x74: {  	_ =	shalt  }
0x75: {  	_ =	shalt  }
0x76: {  	_ =	shalt  }
0x77: {  	_ =	shalt  }
0x78: {  	_ =	shalt  }
0x79: {  	_ =	shalt  }
0x7a: {  	_ =	shalt  }
0x7b: {  	_ =	shalt  }
0x7c: {  	_ =	shalt  }
0x7d: {  	_ =	shalt  }
0x7e: {  	_ =	shalt  }
0x7f: {  	_ =	shalt  }
0x80: {  	_ =	shalt  }
0x81: {  	_ =	shalt  }
0x82: {  	_ =	shalt  }
0x83: {  	_ =	shalt  }
0x84: {  	_ =	shalt  }
0x85: {  	_ =	shalt  }
0x86: {  	_ =	shalt  }
0x87: {  	_ =	shalt  }
.Lfunc_end0:
.L_simem_size_0:
called_computation_lowered:
.L_overlay_start_0:
0x88: {  	s2 =	sld [smem:$0x3FD9]  }
0x89: {  	s3 =	sld [smem:$0x3FFE];
	_ =	sdelay $0x1  }
0x8a: {  	s1 =	srdreg.scid  }
0x8b: {  	s0 =	sand.u32 $0x1, s1  }
0x8c: {  	s17 =	sshll.u32 s0, $0xA;
	s2 =	sadd.s32 s3, s2  }
0x8d: {  	s2 =	sadd.s32 s2, s17  }
0x8e: {  	[smem:$0x3FB9] =	sst s2  }
0x8f: {  	_ = 	snop  }
0x90: {  	s2 =	sld [smem:$0x3FC8];
	(tm) =	ssettm $0x1  }
0x91: {  	s18 =	sld [smem:$0x3FFB];
	_ =	sdelay $0x3  }
0x92: {  	_ =	strace s18  }
0x93: {  	s3 =	sld [smem:$0x3FFC];
	_ =	sdelay $0x3  }
0x94: {  	_ =	strace s3  }
0x95: {  	s3 =	sld [smem:$0x3FFD];
	_ =	sdelay $0x3  }
0x96: {  	_ =	strace s3  }
0x97: {  	_ =	strace $0x8FFFFFFF  }
0x98: {  	s19 =	sld [smem:$0x3FDB];
	_ =	sdelay $0x1  }
0x99: {  	s4 =	simm.s32 $_scs_section_size  }
0x9a: {  	s5 =	simm.s32 $_size__tile_overlayer_lowered;
	s6 =	simm.s32 $_tile_overlayer_lowered  }
0x9b: {  	s22 =	simm.s32 $0x1BFF;
	s21 =	sshll.u32 s6, $0x1;
	s3 =	sadd.s32 s4, s19  }
0x9c: {  	s7 =	simm.s32 $0x0;
	s20 =	sshll.u32 s5, $0x1;
	s5 =	sadd.s32 s21, s3  }
0x9d: {  	[timem:s7], [sflag:s22] =	dma.local [hbm:s5], s20  }
0x9e: {  	_ =	swait.ge [sflag:s22], s20  }
0x9f: {  	s4 =	ssub.s32 $0x0, s20;
	[sflag:s22] =	ssyncset.done $0x0  }
0xa0: {  	[sflag:s22] =	ssyncadd.s32 s4;
	_ =	sdelay $0x1  }
0xa1: {  	s23 =	simm.s32 $0x1B8B  }
0xa2: {  	_ =	swait.ge [sflag:s23], $0x1  }
0xa3: {  	[sflag:s23] =	ssyncset.done $0x0  }
0xa4: {  	s25 =	simm.s32 $0x1B8E;
	s24 =	sld [smem:$0x3FFE];
	[sflag:s23] =	ssyncadd.s32 $0xFFFFFFFF  }
0xa5: {  	s26 =	simm.s32 $execute0_lowered;
	[smem:$0x3FD2] =	sst s25  }
0xa6: {  	s5 =	sshll.u32 s26, $0x1;
	_ =	strace $0x80000046;
	[dreg:$0x1] =	wrdreg $0xFFFFFFFF  }
0xa7: {  	s28 =	simm.s32 $_size_execute0_lowered;
	s3 =	sadd.s32 s3, s5;
	[dreg:$0x0] =	wrdreg $0x0  }
0xa8: {  	s5 =	sshll.u32 s28, $0x1;
	[dreg:$0x2] =	wrdreg s3  }
0xa9: {  	[dreg:$0x3] =	wrdreg s5  }
0xaa: {  	[dreg:$0x4] =	wrdreg $0xC0  }
0xab: {  	_ =	task [dreg:s7], $0x5FFFF  }
0xac: {  	[dreg:$0x1] =	wrdreg $0xFFFFFFFF  }
0xad: {  	[dreg:$0x0] =	wrdreg $0x60  }
0xae: {  	[dreg:$0x2] =	wrdreg s2  }
0xaf: {  	[dreg:$0x3] =	wrdreg s24  }
0xb0: {  	[dreg:$0x4] =	wrdreg $0x9  }
0xb1: {  	_ =	task.clear_ibuf [dreg:s7], $0x5FFFF;
	_ =	strace $0x90000046  }
0xb2: {  	s29 =	simm.s32 $0x9;
	_ =	strace $0x80000048  }
0xb3: {  	_ =	swait.ge [sflag:s29], $0x1  }
0xb4: {  	[sflag:s29] =	ssyncadd.s32 $0xFFFFFFFF  }
0xb5: {  	_ =	strace $0x90000048  }
0xb6: {  	_ =	sfence  }
0xb7: {  	s30 =	sld [smem:$0x0];
	_ =	sdelay $0x2  }
0xb8: {  	s31 =	sshll.u32 s1, $0xD;
	s1 =	sshrl.u32 s1, $0x2  }
0xb9: {  	s3 =	sand.u32 $0x4000, s31;
	s1 =	sadd.s32 s1, s30  }
0xba: {  	s0 =	sor.u32 s3, s0;
	s1 =	sshll.u32 s1, $0x11  }
0xbb: {  	s0 =	sor.u32 s1, s0  }
0xbc: {  	s0 =	sadd.s32 $0x8F2B, s0  }
0xbd: {  	[sflag:s0] =	ssyncadd.remote.s32 $0x1  }
0xbe: {  	_ =	sfence.sel $0xFFFF  }
0xbf: {  	[dreg:$0x0] =	wrdreg $0xFFFFFFFF;
	(pc) =	sbr.abs _section_cstart, $3  }
0xc0: {  	[dreg:$0x1] =	wrdreg $0xFFFFFFFF  }
0xc1: {  	_ =	task.clear_ibuf [dreg:s7], $0x2FFFF;
	_ =	strace $0x9FFFFFFF  }
0xc2: {  	(tm) =	ssettm $0x7FFFFFFF  }
0xc3: {  	_ =	shalt  }
tec
execute0_lowered:
.L_overlay_start_1:
0x0: {  	(tag) =	ssettag $0x1  }
0x1: {  	s1 =	rddreg [dreg:$0x0]  }
0x2: {  	s5 =	rddreg [dreg:$0x1]  }
0x3: {  	s0 =	rddreg [dreg:$0x2];
	s3 =	simm.s32 $0x0;
	s4 =	srdreg.scid  }
0x4: {  	s2 =	stileid.u32;
	s11 =	simm.s32 $0x100;
	s13 =	simm.s32 $0x1A900  }
0x5: {  	s14 =	simm.s32 $0x1;
	s16 =	simm.s32 $0x0;
	[smem:$0x7FF] =	sst s3  }
0x6: {  	s4 =	sand.u32 $0x1, s4;
	s6 =	sshll.u32 s2, $0x1;
	s10 =	sadd.s32 $0x4A00, s5  }
0x7: {  	p0 =	sgt.u32 s2, $0x8;
	_ =	strace $0x80000047;
	s12 =	sor.u32 s4, s6  }
0x8: {  	s31 =	ssub.s32 $0x2, s4;
	s4 =	sadd.s32 $0x1800, s5;
	s5 =	sadd.s32 $0x10, s1  }
0x9: {  	s15 =	sor.u32 $0x20, s12;
	s7 =	smul.u32 $0x1900, s12;
	s8 =	sshrl.u32 s31, $0x1  }
0xa: {  	v0 =	vmov s12;
	s12 =	simm.s32 $0x19000;
	s9 =	smul.u32 $0x1900, s15;
	s8 =	ssub.s32 s31, s8  }
0xb: {  	v1 =	vmov s15;
	s15 =	simm.s32 $0x2;
	s6 =	sadd.s32 s10, s7;
	s8 =	smax.u32 s8, $0x1  }
0xc: {  	v2 =	vimm.s32 $0x0;
	v3 =	vimm.f32 $1.000000000e+00;
	s7 =	sadd.s32 s10, s9;
	s9 =	simm.s32 $0x3;
	s10 =	simm.s32 $0x80  }
.LBB2_1:
0xd: {  	[tilespmem:s3], [sflag:$0x3] =	stream.linear.gather [hbm4b:s4+s3], $0x19000, $0x38;
	[tilespmem:$0x1C200] =	vst v63  }
0xe: {  	_ =	swait.ge [sflag:s9], $0x19000  }
0xf: {  	[sflag:s9] =	ssyncset.done $0x0  }
0x10: {  	[sflag:s9] =	ssyncadd.s32 $0xFFFE7000  }
0x11: {  	[tilespmem:s12], [sflag:$0x1] =	stream.strided.gather [hbm4b:s1+s10], $0xC80, s11, s10, $0x38;
	[tilespmem:$0x1C200] =	vst v63  }
0x12: {  	p1 =	por $0x0, $0x0;
	s17 =	simm.s32 $0x0  }
0x13: {  	[tilespmem:s13], [sflag:$0x2] =	stream.strided.gather [hbm4b:s5+s10], $0xC80, s11, s10, $0x38;
	[tilespmem:$0x1C200] =	vst v63  }
.LBB2_3:
0x14: {  	s18 =	simm.s32 $0x1;
	_ =	swait.ge [sflag:s14], $0xC80  }
0x15: {  	s19 =	sand.u32 $0x1, s17;
	p2 =	seq.s32 s17, $0x63;
	s17 =	sadd.s32 $0x1, s17  }
0x16: {  	s18 =	simm.s32 @!p1 $0x0;
	[sflag:s14] =	ssyncset.done $0x0;
	s21 =	smul.u32 @!p2 $0x320, s17  }
0x17: {  	s19 =	sxor.u32 @!p2 $0x1, s19;
	s18 =	smul.u32 $0x3200, s18;
	[sflag:s14] =	ssyncadd.s32 $0xFFFFF380  }
0x18: {  	s23 =	simm.s32 @!p2 $0x80;
	s19 =	smul.u32 @!p2 $0xC80, s19;
	_ =	swait.ge [sflag:s15], $0xC80  }
0x19: {  	s24 =	simm.s32 @!p2 $0x100;
	s22 =	sadd.s32 @!p2 s1, s21;
	[sflag:s15] =	ssyncset.done $0x0  }
0x1a: {  	s18 =	sshrl.u32 s18, $0x2;
	s20 =	sor.u32 @!p2 $0x19000, s19;
	[sflag:s15] =	ssyncadd.s32 $0xFFFFF380  }
0x1b: {  	[tilespmem:s20], [sflag:$0x1] =	stream.strided.gather @!p2 [hbm4b:s22+s23], $0xC80, s24, s23, $0x38;
	[tilespmem:$0x1C200] =	vst v63  }
0x1c: {  	s21 =	sadd.s32 @!p2 s21, s5;
	s19 =	sadd.s32 @!p2 $0x1A900, s19;
	s31 =	sor.u32 $0x19040, s18  }
0x1d: {  	[tilespmem:s19], [sflag:$0x2] =	stream.strided.gather @!p2 [hbm4b:s21+s23], $0xC80, s24, s23, $0x38;
	[tilespmem:$0x1C200] =	vst v63  }
0x1e: {  	v4 =	vld [tilespmem:s31+$0x30]  }
0x1f: {  	v9 =	vld [tilespmem:s31+$0xFFFFFFD0]  }
0x20: {  	s18 =	sadd.s32 $0x1A940, s18;
	v10 =	vld [tilespmem:s31+$0xFFFFFFE0]  }
0x21: {  	v5 =	vld [tilespmem:s18+$0x30]  }
0x22: {  	v18 =	vld [tilespmem:s18+$0xFFFFFFD0]  }
0x23: {  	v20 =	vld [tilespmem:s18+$0xFFFFFFE0]  }
0x24: {  	v22 =	vld [tilespmem:s18+$0xFFFFFFF0]  }
0x25: {  	v28 =	vld [tilespmem:s18+$0x20];
	_ =	sdelay $0x1  }
0x26: {  	v6 =	vmul.u32 $0x51EC, v4  }
0x27: {  	v7 =	vmul.u32 $0x51EC, v9;
	v13 =	vmul.u32 $0x51EC, v10;
	v15 =	vshll.u32 v5, $0x7  }
0x28: {  	v34 =	vshll.u32 v18, $0x7;
	v35 =	vshll.u32 v20, $0x7;
	v36 =	vshll.u32 v22, $0x7  }
0x29: {  	v39 =	vshll.u32 v28, $0x7;
	v34 =	vand.u32 $0x380, v34;
	v35 =	vand.u32 $0x380, v35  }
0x2a: {  	v36 =	vand.u32 $0x380, v36;
	v39 =	vand.u32 $0x380, v39;
	v6 =	vshra.s32 v6, $0x16  }
0x2b: {  	v8 =	vshra.s32 v7, $0x16;
	v26 =	vshra.s32 v13, $0x16;
	v7 =	vmul.u32 $0xC8, v6  }
0x2c: {  	vm0 =	veq.s32 v6, v1;
	vm1 =	veq.s32 v6, v0;
	v6 =	vand.u32 $0x380, v15  }
0x2d: {  	v24 =	vmul.u32 $0xC8, v8;
	v27 =	vmul.u32 $0xC8, v26;
	vm3 =	veq.s32 v8, v1  }
0x2e: {  	v11 =	vld [tilespmem:s31+$0xFFFFFFF0];
	vm5 =	veq.s32 v26, v1;
	vm8 =	veq.s32 v8, v0;
	vm7 =	vmor vm1, vm0  }
0x2f: {  	v53 =	vsel vm5, $0xC800, v2;
	v4 =	vsub.s32 v4, v7;
	v5 =	vsub.s32 v5, v7  }
0x30: {  	v7 =	vsel vm0, $0xC800, v2;
	v9 =	vsub.s32 v9, v24;
	v18 =	vsub.s32 v18, v24  }
0x31: {  	v12 =	vld [tilespmem:s31+$0x0];
	v10 =	vsub.s32 v10, v27;
	v20 =	vsub.s32 v20, v27;
	v27 =	vsel vm3, $0xC800, v2  }
0x32: {  	v13 =	vld [tilespmem:s18+$0x0];
	v17 =	vand.u32 $0x7F, v4;
	v5 =	vshll.u32 v5, $0x8;
	v6 =	vor.u32 v6, v7  }
0x33: {  	v16 =	vld [tilespmem:s31+$0xFFFFFFC0];
	v4 =	vshll.u32 v4, $0x3;
	v7 =	vmul.u32 $0x51EC, v11;
	v41 =	vand.u32 $0x7F, v9  }
0x34: {  	v14 =	vld [tilespmem:s31+$0x10];
	v18 =	vshll.u32 v18, $0x8;
	v42 =	vand.u32 $0x7F, v10;
	v20 =	vshll.u32 v20, $0x8  }
0x35: {  	v15 =	vld [tilespmem:s31+$0x20];
	v27 =	vor.u32 v34, v27;
	v9 =	vshll.u32 v9, $0x3;
	v10 =	vshll.u32 v10, $0x3  }
0x36: {  	v5 =	vand.u32 $0xFFFFF800, v5;
	v6 =	vor.u32 v17, v6;
	v4 =	vand.u32 $0xFFFFFC00, v4  }
0x37: {  	v37 =	vshll.u32 v13, $0x7;
	v18 =	vand.u32 $0xFFFFF800, v18;
	v27 =	vor.u32 v41, v27  }
0x38: {  	v20 =	vand.u32 $0xFFFFF800, v20;
	v5 =	vadd.s32 v5, v6;
	v6 =	vmul.u32 $0x51EC, v16  }
0x39: {  	v19 =	vadd.s32 v4, v5;
	v4 =	vmul.u32 $0x51EC, v12;
	v5 =	vmul.u32 $0x51EC, v14  }
0x3a: {  	v17 =	vld [tilespmem:s18+$0xFFFFFFC0];
	v21 =	vmul.u32 $0x51EC, v15;
	v37 =	vand.u32 $0x380, v37;
	v25 =	vshra.s32 v6, $0x16  }
0x3b: {  	v6 =	vshra.s32 v7, $0x16;
	v7 =	vshra.s32 v4, $0x16;
	v5 =	vshra.s32 v5, $0x16  }
0x3c: {  	v4 =	vshra.s32 v21, $0x16;
	v23 =	vmul.u32 $0xC8, v25;
	v29 =	vmul.u32 $0xC8, v6  }
0x3d: {  	vm6 =	veq.s32 v25, v1;
	vm4 =	veq.s32 v6, v1;
	vm9 =	veq.s32 v25, v0  }
0x3e: {  	v30 =	vmul.u32 $0xC8, v7;
	v31 =	vmul.u32 $0xC8, v5;
	v32 =	vmul.u32 $0xC8, v4  }
0x3f: {  	vm1 =	veq.s32 v7, v1;
	v33 =	vshll.u32 v17, $0x7;
	vm2 =	veq.s32 v5, v1  }
0x40: {  	vm0 =	veq.s32 v4, v1;
	v54 =	vsel vm4, $0xC800, v2;
	v16 =	vsub.s32 v16, v23  }
0x41: {  	v17 =	vsub.s32 v17, v23;
	v11 =	vsub.s32 v11, v29;
	v22 =	vsub.s32 v22, v29  }
0x42: {  	v23 =	vsel vm6, $0xC800, v2;
	v55 =	vsel vm1, $0xC800, v2;
	v56 =	vsel vm2, $0xC800, v2  }
0x43: {  	v57 =	vsel vm0, $0xC800, v2;
	v33 =	vand.u32 $0x380, v33;
	v29 =	vor.u32 v36, v54  }
0x44: {  	v12 =	vsub.s32 v12, v30;
	v13 =	vsub.s32 v13, v30;
	v14 =	vsub.s32 v14, v31  }
0x45: {  	v15 =	vsub.s32 v15, v32;
	v24 =	vsub.s32 v28, v32;
	v40 =	vand.u32 $0x7F, v16  }
0x46: {  	v17 =	vshll.u32 v17, $0x8;
	v43 =	vand.u32 $0x7F, v11;
	v22 =	vshll.u32 v22, $0x8  }
0x47: {  	v23 =	vor.u32 v33, v23;
	v28 =	vor.u32 v35, v53;
	v30 =	vor.u32 v37, v55  }
0x48: {  	v21 =	vld [tilespmem:s18+$0x10];
	v32 =	vor.u32 v39, v57;
	v60 =	vshll.u32 v16, $0x3;
	v61 =	vshll.u32 v11, $0x3  }
0x49: {  	v16 =	vadd.s32 v18, v27;
	[tilespmem:v19+s3+$0x0] =	vst.idx.add.f32.msk vm7, v3;
	vm7 =	veq.s32 v26, v0;
	v44 =	vand.u32 $0x7F, v12  }
0x4a: {  	v13 =	vshll.u32 v13, $0x8;
	v58 =	vand.u32 $0x7F, v14;
	v59 =	vand.u32 $0x7F, v15  }
0x4b: {  	v24 =	vshll.u32 v24, $0x8;
	v17 =	vand.u32 $0xFFFFF800, v17;
	v23 =	vor.u32 v40, v23  }
0x4c: {  	v28 =	vor.u32 v42, v28;
	v22 =	vand.u32 $0xFFFFF800, v22;
	v29 =	vor.u32 v43, v29  }
0x4d: {  	v62 =	vshll.u32 v12, $0x3;
	v63 =	vshll.u32 v14, $0x3;
	v18 =	vshll.u32 v15, $0x3  }
0x4e: {  	v38 =	vshll.u32 v21, $0x7;
	v21 =	vsub.s32 v21, v31;
	v13 =	vand.u32 $0xFFFFF800, v13  }
0x4f: {  	v30 =	vor.u32 v44, v30;
	v24 =	vand.u32 $0xFFFFF800, v24;
	v32 =	vor.u32 v59, v32  }
0x50: {  	v17 =	vadd.s32 v17, v23;
	v15 =	vadd.s32 v20, v28;
	v14 =	vadd.s32 v22, v29  }
0x51: {  	v23 =	vand.u32 $0xFFFFFC00, v60;
	v22 =	vand.u32 $0xFFFFFC00, v10;
	v20 =	vand.u32 $0xFFFFFC00, v61  }
0x52: {  	v19 =	vand.u32 $0xFFFFFC00, v63;
	v18 =	vand.u32 $0xFFFFFC00, v18;
	v38 =	vand.u32 $0x380, v38  }
0x53: {  	v21 =	vshll.u32 v21, $0x8;
	v13 =	vadd.s32 v13, v30;
	v31 =	vor.u32 v38, v56  }
0x54: {  	v11 =	vadd.s32 v24, v32;
	v21 =	vand.u32 $0xFFFFF800, v21;
	v31 =	vor.u32 v58, v31  }
0x55: {  	s20 =	sadd.s32 $0x80, s31;
	s19 =	simm.s32 $0x0;
	v24 =	vand.u32 $0xFFFFFC00, v9;
	v12 =	vadd.s32 v21, v31;
	v21 =	vand.u32 $0xFFFFFC00, v62  }
.LBB2_4:
0x56: {  	v9 =	vld [tilespmem:s20+$0x30];
	s19 =	sadd.s32 $0x8, s19;
	vm11 =	veq.s32 v6, v0;
	vm12 =	veq.s32 v7, v0;
	vm13 =	veq.s32 v5, v0  }
0x57: {  	v5 =	vadd.s32 v23, v17;
	v16 =	vadd.s32 v24, v16;
	vm14 =	veq.s32 v4, v0;
	v25 =	vld [tilespmem:s20+$0xFFFFFFD0];
	p2 =	slt.u32 s19, $0xC0  }
0x58: {  	v15 =	vadd.s32 v22, v15;
	v14 =	vadd.s32 v20, v14;
	v13 =	vadd.s32 v21, v13;
	s18 =	sadd.s32 $0x80, s18;
	v17 =	vld [tilespmem:s20+$0xFFFFFFE0]  }
0x59: {  	vm6 =	vmor vm9, vm6;
	v12 =	vadd.s32 v19, v12;
	v11 =	vadd.s32 v18, v11;
	v4 =	vld [tilespmem:s18+$0x30]  }
0x5a: {  	vm10 =	vmor vm8, vm3;
	vm3 =	vmor vm7, vm5;
	vm4 =	vmor vm11, vm4;
	v18 =	vld [tilespmem:s20+$0xFFFFFFF0]  }
0x5b: {  	vm9 =	vmor vm12, vm1;
	vm8 =	vmor vm13, vm2;
	v19 =	vld [tilespmem:s20+$0x0];
	v6 =	vmul.u32 $0x51EC, v9  }
0x5c: {  	vm7 =	vmor vm14, vm0;
	v7 =	vmul.u32 $0x51EC, v25;
	v20 =	vld [tilespmem:s20+$0x10]  }
0x5d: {  	v21 =	vmul.u32 $0x51EC, v17;
	v22 =	vld [tilespmem:s20+$0x20];
	v6 =	vshra.s32 v6, $0x16  }
0x5e: {  	v23 =	vld [tilespmem:s20+$0xFFFFFFC0];
	v8 =	vshra.s32 v7, $0x16;
	v7 =	vmul.u32 $0xC8, v6;
	v10 =	vshll.u32 v4, $0x7  }
0x5f: {  	vm0 =	veq.s32 v6, v1;
	vm1 =	veq.s32 v6, v0;
	v24 =	vld [tilespmem:s18+$0xFFFFFFC0];
	v6 =	vand.u32 $0x380, v10  }
0x60: {  	v26 =	vld [tilespmem:s18+$0xFFFFFFD0];
	v9 =	vsub.s32 v9, v7;
	v4 =	vsub.s32 v4, v7;
	v7 =	vsel vm0, $0xC800, v2  }
0x61: {  	v27 =	vld [tilespmem:s18+$0xFFFFFFE0];
	v10 =	vand.u32 $0x7F, v9;
	v4 =	vshll.u32 v4, $0x8;
	v6 =	vor.u32 v6, v7  }
0x62: {  	v7 =	vshll.u32 v9, $0x3;
	v28 =	vld [tilespmem:s18+$0xFFFFFFF0];
	v4 =	vand.u32 $0xFFFFF800, v4;
	v6 =	vor.u32 v10, v6  }
0x63: {  	vm0 =	vmor vm1, vm0;
	v7 =	vand.u32 $0xFFFFFC00, v7;
	v29 =	vld [tilespmem:s18+$0x0];
	v4 =	vadd.s32 v4, v6  }
0x64: {  	v30 =	vmul.u32 $0x51EC, v18;
	v6 =	vmul.u32 $0x51EC, v23;
	v31 =	vld [tilespmem:s18+$0x10];
	v32 =	vadd.s32 v7, v4  }
0x65: {  	v33 =	vmul.u32 $0x51EC, v20;
	v35 =	vmul.u32 $0x51EC, v22;
	v4 =	vmul.u32 $0x51EC, v19;
	v34 =	vld [tilespmem:s18+$0x20]  }
0x66: {  	v9 =	vshra.s32 v21, $0x16;
	v10 =	vshra.s32 v6, $0x16;
	v6 =	vshra.s32 v30, $0x16;
	[tilespmem:v5+s3+$0x0] =	vst.idx.add.f32.msk vm6, v3  }
0x67: {  	v7 =	vshra.s32 v4, $0x16;
	v5 =	vshra.s32 v33, $0x16;
	v4 =	vshra.s32 v35, $0x16;
	[tilespmem:v16+s3+$0x0] =	vst.idx.add.f32.msk vm10, v3  }
0x68: {  	v21 =	vmul.u32 $0xC8, v8;
	v30 =	vmul.u32 $0xC8, v9;
	v16 =	vmul.u32 $0xC8, v10;
	[tilespmem:v15+s3+$0x0] =	vst.idx.add.f32.msk vm3, v3  }
0x69: {  	v33 =	vmul.u32 $0xC8, v7;
	v35 =	vmul.u32 $0xC8, v5;
	v15 =	vmul.u32 $0xC8, v6;
	[tilespmem:v32+s3+$0x0] =	vst.idx.add.f32.msk vm0, v3  }
0x6a: {  	vm6 =	veq.s32 v10, v1;
	vm3 =	veq.s32 v8, v1;
	v32 =	vmul.u32 $0xC8, v4;
	[tilespmem:v14+s3+$0x0] =	vst.idx.add.f32.msk vm4, v3  }
0x6b: {  	vm5 =	veq.s32 v9, v1;
	vm1 =	veq.s32 v7, v1;
	vm4 =	veq.s32 v6, v1  }
0x6c: {  	vm2 =	veq.s32 v5, v1;
	vm0 =	veq.s32 v4, v1;
	v14 =	vshll.u32 v24, $0x7;
	[tilespmem:v13+s3+$0x0] =	vst.idx.add.f32.msk vm9, v3  }
0x6d: {  	v36 =	vshll.u32 v27, $0x7;
	v37 =	vshll.u32 v28, $0x7;
	v13 =	vshll.u32 v26, $0x7;
	[tilespmem:v12+s3+$0x0] =	vst.idx.add.f32.msk vm8, v3  }
0x6e: {  	v38 =	vshll.u32 v31, $0x7;
	v39 =	vshll.u32 v34, $0x7;
	v12 =	vshll.u32 v29, $0x7;
	[tilespmem:v11+s3+$0x0] =	vst.idx.add.f32.msk vm7, v3  }
0x6f: {  	v11 =	vsub.s32 v23, v16;
	v16 =	vsub.s32 v24, v16;
	v23 =	vsub.s32 v25, v21  }
0x70: {  	v17 =	vsub.s32 v17, v30;
	v21 =	vsub.s32 v26, v21;
	v24 =	vsub.s32 v27, v30  }
0x71: {  	v19 =	vsub.s32 v19, v33;
	v18 =	vsub.s32 v18, v15;
	v15 =	vsub.s32 v28, v15  }
0x72: {  	v20 =	vsub.s32 v20, v35;
	v25 =	vsub.s32 v29, v33;
	v26 =	vsub.s32 v31, v35  }
0x73: {  	v22 =	vsub.s32 v22, v32;
	v28 =	vsub.s32 v34, v32;
	v27 =	vsel vm6, $0xC800, v2  }
0x74: {  	v29 =	vsel vm3, $0xC800, v2;
	v30 =	vsel vm5, $0xC800, v2;
	v31 =	vsel vm4, $0xC800, v2  }
0x75: {  	v32 =	vsel vm1, $0xC800, v2;
	v34 =	vsel vm0, $0xC800, v2;
	v33 =	vsel vm2, $0xC800, v2  }
0x76: {  	v14 =	vand.u32 $0x380, v14;
	v13 =	vand.u32 $0x380, v13;
	v35 =	vand.u32 $0x380, v36  }
0x77: {  	v36 =	vand.u32 $0x380, v37;
	v12 =	vand.u32 $0x380, v12;
	v37 =	vand.u32 $0x380, v38  }
0x78: {  	v39 =	vand.u32 $0x380, v39;
	v38 =	vand.u32 $0x7F, v11;
	v16 =	vshll.u32 v16, $0x8  }
0x79: {  	v41 =	vand.u32 $0x7F, v17;
	v40 =	vand.u32 $0x7F, v23;
	v21 =	vshll.u32 v21, $0x8  }
0x7a: {  	v42 =	vand.u32 $0x7F, v18;
	v15 =	vshll.u32 v15, $0x8;
	v24 =	vshll.u32 v24, $0x8  }
0x7b: {  	v43 =	vand.u32 $0x7F, v19;
	v44 =	vand.u32 $0x7F, v20;
	v25 =	vshll.u32 v25, $0x8  }
0x7c: {  	v45 =	vand.u32 $0x7F, v22;
	v28 =	vshll.u32 v28, $0x8;
	v26 =	vshll.u32 v26, $0x8  }
0x7d: {  	v14 =	vor.u32 v14, v27;
	v13 =	vor.u32 v13, v29;
	v27 =	vor.u32 v35, v30  }
0x7e: {  	v29 =	vor.u32 v36, v31;
	v12 =	vor.u32 v12, v32;
	v30 =	vor.u32 v37, v33  }
0x7f: {  	v31 =	vor.u32 v39, v34;
	v16 =	vand.u32 $0xFFFFF800, v16;
	v14 =	vor.u32 v38, v14  }
0x80: {  	v21 =	vand.u32 $0xFFFFF800, v21;
	v13 =	vor.u32 v40, v13;
	v24 =	vand.u32 $0xFFFFF800, v24  }
0x81: {  	v32 =	vand.u32 $0xFFFFF800, v15;
	v27 =	vor.u32 v41, v27;
	v29 =	vor.u32 v42, v29  }
0x82: {  	v25 =	vand.u32 $0xFFFFF800, v25;
	v12 =	vor.u32 v43, v12;
	v26 =	vand.u32 $0xFFFFF800, v26  }
0x83: {  	v28 =	vand.u32 $0xFFFFF800, v28;
	v30 =	vor.u32 v44, v30;
	v31 =	vor.u32 v45, v31  }
0x84: {  	v11 =	vshll.u32 v11, $0x3;
	v33 =	vshll.u32 v23, $0x3;
	v34 =	vshll.u32 v17, $0x3  }
0x85: {  	v19 =	vshll.u32 v19, $0x3;
	v18 =	vshll.u32 v18, $0x3;
	v35 =	vshll.u32 v20, $0x3  }
0x86: {  	v36 =	vshll.u32 v22, $0x3;
	v17 =	vadd.s32 v16, v14;
	v16 =	vadd.s32 v21, v13  }
.Ltmp0:
0x87: {  	v15 =	vadd.s32 v24, v27;
	v14 =	vadd.s32 v32, v29;
	v13 =	vadd.s32 v25, v12;
	(pc) =	sbr.rel @p2 .LBB2_4-.Ltmp0, $4  }
0x88: {  	v23 =	vand.u32 $0xFFFFFC00, v11;
	v12 =	vadd.s32 v26, v30;
	v11 =	vadd.s32 v28, v31  }
0x89: {  	v20 =	vand.u32 $0xFFFFFC00, v18;
	v22 =	vand.u32 $0xFFFFFC00, v34;
	v24 =	vand.u32 $0xFFFFFC00, v33  }
0x8a: {  	v18 =	vand.u32 $0xFFFFFC00, v36;
	v21 =	vand.u32 $0xFFFFFC00, v19;
	v19 =	vand.u32 $0xFFFFFC00, v35  }
0x8b: {  	s20 =	sadd.s32 $0x80, s20;
	vm9 =	veq.s32 v10, v0;
	vm8 =	veq.s32 v8, v0;
	vm7 =	veq.s32 v9, v0  }
0x8c: {  	vm6 =	vmor vm9, vm6  }
0x8d: {  	v8 =	vadd.s32 v23, v17;
	vm3 =	vmor vm8, vm3  }
0x8e: {  	vm12 =	veq.s32 v6, v0;
	v61 =	vadd.s32 v24, v16;
	vm5 =	vmor vm7, vm5  }
0x8f: {  	vm13 =	veq.s32 v7, v0;
	v62 =	vadd.s32 v22, v15;
	vm4 =	vmor vm12, vm4  }
0x90: {  	vm14 =	veq.s32 v5, v0;
	v5 =	vadd.s32 v20, v14;
	vm1 =	vmor vm13, vm1  }
0x91: {  	vm15 =	veq.s32 v4, v0;
	v4 =	vadd.s32 v21, v13;
	vm2 =	vmor vm14, vm2  }
0x92: {  	v9 =	vadd.s32 v19, v12;
	vm0 =	vmor vm15, vm0;
	[tilespmem:v8+s3+$0x0] =	vst.idx.add.f32.msk vm6, v3  }
0x93: {  	v63 =	vadd.s32 v18, v11;
	[tilespmem:v61+s3+$0x0] =	vst.idx.add.f32.msk vm3, v3  }
0x94: {  	[tilespmem:v62+s3+$0x0] =	vst.idx.add.f32.msk vm5, v3  }
0x95: {  	[tilespmem:v5+s3+$0x0] =	vst.idx.add.f32.msk vm4, v3  }
0x96: {  	[tilespmem:v4+s3+$0x0] =	vst.idx.add.f32.msk vm1, v3  }
0x97: {  	[tilespmem:v9+s3+$0x0] =	vst.idx.add.f32.msk vm2, v3  }
0x98: {  	[tilespmem:v63+s3+$0x0] =	vst.idx.add.f32.msk vm0, v3  }
0x99: {  	p2 =	seq.s32 s17, $0x64  }
.Ltmp1:
0x9a: {  	_ = 	snop;
	(pc) =	sbr.rel @!p2 .LBB2_3-.Ltmp1, $2  }
0x9b: {  	_ =	sdelay $0x2  }
0x9c: {  	p1 =	por !p1, !p1  }
0x9d: {  	[hbm4b:s6+s3] =	stream.linear.scatter [tilespmem:s3], [sflag:$0x3], $0xC800, $0x38;
	[tilespmem:$0x1C200] =	vst v63  }
0x9e: {  	_ =	swait.ge [sflag:s9], $0xC800  }
0x9f: {  	s17 =	simm.s32 @!p0 $0x0;
	s16 =	sadd.s32 $0x1, s16;
	[sflag:s9] =	ssyncset.done $0x0  }
0xa0: {  	s18 =	simm.s32 @!p0 $0xC800;
	p1 =	sne.s32 s16, s8;
	[sflag:s9] =	ssyncadd.s32 $0xFFFF3800  }
0xa1: {  	[hbm4b:s7+s17] =	stream.linear.scatter @!p0 [tilespmem:s18], [sflag:$0x3], $0xC800, $0x38;
	[tilespmem:$0x1C200] =	vst v63  }
.Ltmp2:
0xa2: {  	_ = 	snop;
	(pc) =	sbr.rel @p1 .LBB2_1-.Ltmp2, $4  }
0xa3: {  	s17 =	simm.s32 @!p0 $0x3  }
0xa4: {  	_ =	swait.ge @!p0 [sflag:s17], $0xC800  }
0xa5: {  	[sflag:s17] =	ssyncset.done @!p0 $0x0  }
0xa6: {  	[sflag:s17] =	ssyncadd.s32 @!p0 $0xFFFF3800  }
0xa7: {  	_ =	sfence.sel $0x180000  }
0xa8: {  	[bflag:$0x0] =	sbarrier.arrive $0xFFFF  }
0xa9: {  	p0 =	sne.s32 s2, $0x0;
	_ =	strace $0x90000047  }
0xaa: {  	s0 =	sadd.s32 @!p0 $0x100000, s0;
	[bflag:$0x2] =	sbarrier.arrive $0xFFFF  }
0xab: {  	[sflag:s0] =	ssyncadd.tile.s32 @!p0 $0x1;
	_ =	shalt  }
.Lfunc_end2:
_tile_overlayer_lowered:
.L_overlay_start_2:
0xac: {  	(tag) =	ssettag $0x2  }
0xad: {  	s0 =	rddreg [dreg:$0x0];
	s2 =	stileid.u32  }
0xae: {  	s1 =	rddreg [dreg:$0x1];
	p0 =	sne.s32 s2, $0x0  }
0xaf: {  	s3 =	rddreg [dreg:$0x2];
	[bflag:$0x3] =	sbarrier.arrive $0xFFFF;
	s2 =	simm.s32 @!p0 $0x1C03  }
0xb0: {  	[timem:s3], [sflag:s2] =	dma.local @!p0 [hbm:s0], s1  }
0xb1: {  	s0 =	simm.s32 @!p0 $0x3  }
0xb2: {  	_ =	swait.ge @!p0 [sflag:s0], s1  }
0xb3: {  	s1 =	ssub.s32 @!p0 $0x0, s1;
	[sflag:s0] =	ssyncset.done @!p0 $0x0  }
0xb4: {  	[sflag:s0] =	ssyncadd.s32 @!p0 s1  }
0xb5: {  	[bflag:$0x3] =	sbarrier.arrive $0xFFFF  }
0xb6: {  	_ =	shalt  }

</sc_bundles>
